<compile_context>
chip_gen: v7x
topology: tpu7x:2x2x1
jax: 0.10.2.dev20260603
libtpu: 0.0.44.dev20260713+nightly
codegen_flags: <defaults>
</compile_context>

<pallas_src>
import functools

import jax
import jax.numpy as jnp
from jax import lax
from jax.experimental import pallas as pl
from jax.experimental.pallas import tpu as pltpu
from jax.experimental.pallas import tpu_sc as plsc

NC = 2
NS = 16
NW = NC * NS
LANES = 128
SUB = 8
CH = SUB * LANES


def _sc_mesh():
    return plsc.VectorSubcoreMesh(core_axis_name="c", subcore_axis_name="s")


def _make_deg_kernel(npad, nch):
    rows_per_tile = npad // NS

    @functools.partial(
        pl.kernel,
        out_type=jax.ShapeDtypeStruct((NC * npad,), jnp.float32),
        mesh=_sc_mesh(),
        compiler_params=pltpu.CompilerParams(use_tc_tiling_on_sc=False),
        scratch_types=[
            pltpu.VMEM((SUB, LANES), jnp.int32),
            pltpu.VMEM((CH,), jnp.float32),
            pltpu.VMEM((rows_per_tile,), jnp.float32),
            pltpu.VMEM_SHARED((npad,), jnp.float32),
            pltpu.SemaphoreType.DMA,
        ],
    )
    def deg_kernel(dst_hbm, ew_hbm, out_hbm, idx_v, val_v, zb, acc_sh, sem):
        c = lax.axis_index("c")
        s = lax.axis_index("s")
        w = c * NS + s

        def zero_body(i, _):
            zb[pl.ds(i * 16, 16)] = jnp.zeros((16,), jnp.float32)
            return 0

        lax.fori_loop(0, rows_per_tile // 16, zero_body, 0)
        pltpu.sync_copy(zb, acc_sh.at[pl.ds(s * rows_per_tile, rows_per_tile)])
        plsc.subcore_barrier()

        wrows = w * (nch * SUB)

        def chunk_body(j, _):
            ro = wrows + j * SUB
            pltpu.sync_copy(dst_hbm.at[pl.ds(ro, SUB)], idx_v)
            pltpu.sync_copy(ew_hbm.at[pl.ds(ro * LANES, CH)], val_v)
            descs = [
                pltpu.async_copy(val_v.at[pl.ds(k * LANES, LANES)],
                                 acc_sh.at[idx_v.at[k]], sem, add=True)
                for k in range(SUB)
            ]
            for d in descs:
                d.wait()
            return 0

        lax.fori_loop(0, nch, chunk_body, 0)
        plsc.subcore_barrier()
        pltpu.sync_copy(acc_sh.at[pl.ds(s * rows_per_tile, rows_per_tile)],
                        zb)
        pltpu.sync_copy(
            zb,
            out_hbm.at[pl.ds(c * npad + s * rows_per_tile, rows_per_tile)])

    return deg_kernel


def _make_spmm_kernel(npad, nch):
    rows_per_tile = npad // NS

    @functools.partial(
        pl.kernel,
        out_type=jax.ShapeDtypeStruct((NC * npad, 16), jnp.float32),
        mesh=_sc_mesh(),
        compiler_params=pltpu.CompilerParams(use_tc_tiling_on_sc=False),
        scratch_types=[
            pltpu.VMEM((SUB, LANES), jnp.int32),
            pltpu.VMEM((SUB, LANES), jnp.int32),
            pltpu.VMEM((CH,), jnp.float32),
            pltpu.VMEM((CH, 16), jnp.float32),
            pltpu.VMEM_SHARED((npad, 16), jnp.float32),
            pltpu.SemaphoreType.DMA,
            pltpu.SemaphoreType.DMA,
        ],
    )
    def spmm_kernel(src_hbm, dst_hbm, ew_hbm, xd_hbm, out_hbm,
                    idxs_v, idxd_v, ew_v, rows_v, acc_sh, gsem, ssem):
        c = lax.axis_index("c")
        s = lax.axis_index("s")
        w = c * NS + s

        def zero_body(i, _):
            rows_v[i] = jnp.zeros((16,), jnp.float32)
            return 0

        lax.fori_loop(0, CH, zero_body, 0)
        base = s * rows_per_tile
        done = 0
        while done < rows_per_tile:
            step = min(CH, rows_per_tile - done)
            pltpu.sync_copy(rows_v.at[pl.ds(0, step)],
                            acc_sh.at[pl.ds(base + done, step)])
            done += step
        plsc.subcore_barrier()

        wrows = w * (nch * SUB)

        def chunk_body(j, _):
            ro = wrows + j * SUB
            pltpu.sync_copy(src_hbm.at[pl.ds(ro, SUB)], idxs_v)
            pltpu.sync_copy(dst_hbm.at[pl.ds(ro, SUB)], idxd_v)
            pltpu.sync_copy(ew_hbm.at[pl.ds(ro * LANES, CH)], ew_v)
            gd = [
                pltpu.async_copy(xd_hbm.at[idxs_v.at[k]],
                                 rows_v.at[pl.ds(k * LANES, LANES)], gsem)
                for k in range(SUB)
            ]
            for d in gd:
                d.wait()

            def scale_body(g, _):
                ewv = ew_v[pl.ds(g * 16, 16)]
                for t in range(16):
                    e = g * 16 + t
                    rows_v[e] = rows_v[e] * ewv[t]
                return 0

            lax.fori_loop(0, CH // 16, scale_body, 0)
            sd = [
                pltpu.async_copy(rows_v.at[pl.ds(k * LANES, LANES)],
                                 acc_sh.at[idxd_v.at[k]], ssem, add=True)
                for k in range(SUB)
            ]
            for d in sd:
                d.wait()
            return 0

        lax.fori_loop(0, nch, chunk_body, 0)
        plsc.subcore_barrier()
        done = 0
        while done < rows_per_tile:
            step = min(CH, rows_per_tile - done)
            pltpu.sync_copy(acc_sh.at[pl.ds(base + done, step)],
                            rows_v.at[pl.ds(0, step)])
            pltpu.sync_copy(
                rows_v.at[pl.ds(0, step)],
                out_hbm.at[pl.ds(c * npad + base + done, step), :])
            done += step

    return spmm_kernel


def _xd_tc_kernel(deg_ref, x_ref, xd_ref):
    deg = deg_ref[0, :] + deg_ref[1, :] + 1.0
    dis = lax.rsqrt(deg)[:, None]
    blk = x_ref.shape[0]
    xd_ref[...] = jnp.concatenate(
        [x_ref[...] * dis, dis, jnp.zeros((blk, 3), jnp.float32)], axis=1)


def _dense_tc_kernel(xt_ref, deg_ref, s_ref, w_ref, o_ref, *, periods,
                     out_dim):
    deg = deg_ref[0] + deg_ref[1] + 1.0
    dis = lax.rsqrt(deg)[None, :]
    sp = s_ref[0] + s_ref[1]
    S = pltpu.einshape("r(jc)->c(rj)", sp, j=8)
    G = dis * (S[:periods, :] + dis * xt_ref[...])
    az = w_ref[:, 0:1]
    cz = w_ref[:, 1:2]
    ah = w_ref[:, 2:3]
    ch = w_ref[:, 3:4]
    blk = G.shape[1]
    acc = jnp.zeros((out_dim, blk), jnp.float32)
    for p in range(periods):
        g = G[p:p + 1, :]
        pk = w_ref[p:p + 1, 5:6]
        acc += pk * (1.0 - jax.nn.sigmoid(g * az + cz)) * jnp.tanh(
            g * ah + ch)
    wl = w_ref[:, 4:5]
    o_ref[...] = (jnp.sum(jnp.maximum(acc, 0.0) * wl, axis=0)
                  + w_ref[0:1, 6])


def kernel(x, edge_index, edge_weight, h, c, attention, Wz, bz, LzW, Lzb,
           Wr, br, LrW, Lrb, Wh, bh, LhW, Lhb, Wl, bl):
    n, periods = x.shape
    out_dim = LzW.shape[1]
    e = edge_weight.shape[0]

    probs = jax.nn.softmax(attention)
    az = (Wz @ LzW[:out_dim]).reshape(out_dim)
    cz = bz @ LzW[:out_dim] + Lzb
    ah = (Wh @ LhW[:out_dim]).reshape(out_dim)
    ch = bh @ LhW[:out_dim] + Lhb
    wmat = jnp.zeros((out_dim, 128), jnp.float32)
    wmat = wmat.at[:, 0].set(az).at[:, 1].set(cz)
    wmat = wmat.at[:, 2].set(ah).at[:, 3].set(ch)
    wmat = wmat.at[:, 4].set(Wl[:, 0])
    wmat = wmat.at[:periods, 5].set(probs)
    wmat = wmat.at[0, 6].set(bl[0])

    nch = -(-e // (NW * CH))
    e2 = NW * CH * nch
    pad = e2 - e
    src = jnp.concatenate([edge_index[0], jnp.zeros((pad,), jnp.int32)])
    dst = jnp.concatenate(
        [edge_index[1], jnp.full((pad,), n, jnp.int32)])
    ew = jnp.concatenate([edge_weight, jnp.zeros((pad,), jnp.float32)])
    src2 = src.reshape(-1, LANES)
    dst2 = dst.reshape(-1, LANES)

    npad = -(-(n + 1) // 128) * 128
    xt = x.T

    deg_part = _make_deg_kernel(npad, nch)(dst2, ew).reshape(NC, npad)

    blk = 1024
    grid = (-(-npad // blk),)
    xd = pl.pallas_call(
        _xd_tc_kernel,
        grid=grid,
        in_specs=[
            pl.BlockSpec((NC, blk), lambda i: (0, i)),
            pl.BlockSpec((blk, periods), lambda i: (i, 0)),
        ],
        out_specs=pl.BlockSpec((blk, 16), lambda i: (i, 0)),
        out_shape=jax.ShapeDtypeStruct((n, 16), jnp.float32),
    )(deg_part, x)

    s_part = _make_spmm_kernel(npad, nch)(src2, dst2, ew, xd)
    s_pack = s_part.reshape(NC, npad // 8, 128)

    out = pl.pallas_call(
        functools.partial(_dense_tc_kernel, periods=periods,
                          out_dim=out_dim),
        grid=grid,
        in_specs=[
            pl.BlockSpec((periods, blk), lambda i: (0, i)),
            pl.BlockSpec((NC, blk), lambda i: (0, i)),
            pl.BlockSpec((NC, blk // 8, 128), lambda i: (0, i, 0)),
            pl.BlockSpec((out_dim, 128), lambda i: (0, 0)),
        ],
        out_specs=pl.BlockSpec((blk,), lambda i: (i,)),
        out_shape=jax.ShapeDtypeStruct((npad,), jnp.float32),
    )(xt, deg_part, s_pack, wmat)
    return out[:n].reshape(n, 1)

# --- scband reference (transcript-rebuilt; emitter-appended) ---
"""Pipeline reference for scband-my-a3-tgcn-30709016166900 (READ-ONLY COPY).

The authoritative reference and input builder live on the scoring server;
editing this copy changes nothing except your own understanding.
"""

import jax, jax.numpy as jnp
import numpy as np

N = 100000
E = 1600000
P = 12
OUT = 32

def setup_inputs(seed: int = 0):
    key = jax.random.key(seed)
    ks = jax.random.split(key, 16)
    s = 0.1
    inp = {}
    inp["x"] = jax.random.normal(ks[0], (N, P), dtype=jnp.float32)
    inp["edge_index"] = jax.random.randint(ks[1], (2, E), 0, N, dtype=jnp.int32)
    inp["edge_weight"] = jax.random.uniform(ks[2], (E,), dtype=jnp.float32)
    inp["h"] = jax.random.normal(ks[3], (N, OUT), dtype=jnp.float32)
    inp["c"] = jax.random.normal(ks[4], (N, OUT), dtype=jnp.float32)
    inp["attention"] = jax.random.normal(ks[5], (P,), dtype=jnp.float32)
    inp["Wz"] = jax.random.normal(ks[6], (1, OUT), dtype=jnp.float32) * s
    inp["bz"] = jnp.zeros((OUT,), jnp.float32)
    inp["LzW"] = jax.random.normal(ks[7], (2 * OUT, OUT), dtype=jnp.float32) * s
    inp["Lzb"] = jnp.zeros((OUT,), jnp.float32)
    inp["Wr"] = jax.random.normal(ks[8], (1, OUT), dtype=jnp.float32) * s
    inp["br"] = jnp.zeros((OUT,), jnp.float32)
    inp["LrW"] = jax.random.normal(ks[9], (2 * OUT, OUT), dtype=jnp.float32) * s
    inp["Lrb"] = jnp.zeros((OUT,), jnp.float32)
    inp["Wh"] = jax.random.normal(ks[10], (1, OUT), dtype=jnp.float32) * s
    inp["bh"] = jnp.zeros((OUT,), jnp.float32)
    inp["LhW"] = jax.random.normal(ks[11], (2 * OUT, OUT), dtype=jnp.float32) * s
    inp["Lhb"] = jnp.zeros((OUT,), jnp.float32)
    inp["Wl"] = jax.random.normal(ks[12], (OUT, 1), dtype=jnp.float32) * s
    inp["bl"] = jnp.zeros((1,), jnp.float32)
    return inp

def _gcn(x, W, b, src, dst, ew, n):
    # GCNConv with add_self_loops=True, symmetric normalization
    deg = jnp.zeros((n,), x.dtype).at[dst].add(ew) + 1.0
    dis = jax.lax.rsqrt(deg)
    xw = x @ W
    norm = dis[src] * ew * dis[dst]
    agg = jnp.zeros((n, W.shape[1]), x.dtype).at[dst].add(norm[:, None] * xw[src])
    agg = agg + xw * (dis * dis)[:, None]
    return agg + b

def reference(x, edge_index, edge_weight, h, c, attention, Wz, bz, LzW, Lzb, Wr, br, LrW, Lrb, Wh, bh, LhW, Lhb, Wl, bl):
    src = edge_index[0]
    dst = edge_index[1]
    n = x.shape[0]
    xv = x.reshape(n, 1, x.shape[1])
    probs = jax.nn.softmax(attention, axis=0)
    H0 = jnp.zeros((n, OUT), x.dtype)  # TGCN called with H=None each period
    Hacc = jnp.zeros((n, OUT), x.dtype)
    for p in range(P):
        xp = xv[:, :, p]
        Z = jax.nn.sigmoid(jnp.concatenate([_gcn(xp, Wz, bz, src, dst, edge_weight, n), H0], axis=1) @ LzW + Lzb)
        R = jax.nn.sigmoid(jnp.concatenate([_gcn(xp, Wr, br, src, dst, edge_weight, n), H0], axis=1) @ LrW + Lrb)
        Ht = jnp.tanh(jnp.concatenate([_gcn(xp, Wh, bh, src, dst, edge_weight, n), H0 * R], axis=1) @ LhW + Lhb)
        Hp = Z * H0 + (1.0 - Z) * Ht
        Hacc = Hacc + probs[p] * Hp
    out = jax.nn.relu(Hacc)
    return out @ Wl + bl

if __name__ == "__main__":
    import jax
    _d = setup_inputs()
    print(jax.jit(kernel)(*tuple(_d.values())))

</pallas_src>

<mosaic_0001>
#map = affine_map<(d0, d1) -> (0, 0)>
#map1 = affine_map<(d0, d1) -> (0)>
module attributes {stable_mosaic.version = 14 : i64} {
  func.func @deg_kernel(%arg0: i32, %arg1: i32, %arg2: memref<12544x128xi32, #tpu.memory_space<hbm>>, %arg3: memref<1605632xf32, #tpu.memory_space<hbm>>, %arg4: memref<200192xf32, #tpu.memory_space<hbm>>, %arg5: memref<8x128xi32, #tpu.memory_space<vmem>>, %arg6: memref<1024xf32, #tpu.memory_space<vmem>>, %arg7: memref<6256xf32, #tpu.memory_space<vmem>>, %arg8: memref<100096xf32, #tpu.memory_space<vmem_shared>>, %arg9: memref<!tpu.dma_semaphore, #tpu.memory_space<semaphore_mem>>) attributes {dimension_semantics = [#tpu.dimension_semantics<core_parallel>, #tpu.dimension_semantics<subcore_parallel>], iteration_bounds = array<i64: 2, 16>, scalar_prefetch = 0 : i64, scratch_operands = 5 : i64, tpu.core_type = #tpu.core_type<sc_vector_subcore>, window_params = [{transform_indices = #map}, {transform_indices = #map1}, {transform_indices = #map1}]} {
    %mul3A = arith.constant 16 : i32
    %mul3A_0 = arith.muli %arg0, %mul3A : i32
    %add3A = arith.addi %mul3A_0, %arg1 : i32
    %scan3A = arith.constant 0 : i32
    %scan3A_1 = arith.constant 0 : i32
    %scan3A_2 = arith.constant 391 : i32
    %scan3A_3 = arith.addi %scan3A_1, %scan3A_2 : i32
    %scan3A_4 = arith.constant 1 : i32
    %scan3A_5 = scf.for %scan3A_26 = %scan3A_1 to %scan3A_3 step %scan3A_4 iter_args(%scan3A_27 = %scan3A) -> (i32)  : i32 {
      %broadcast_in_dim3A = arith.constant 0.000000e+00 : f32
      %broadcast_in_dim3A_28 = vector.broadcast %broadcast_in_dim3A : f32 to vector<16xf32>
      %mul3A_29 = arith.constant 16 : i32
      %mul3A_30 = arith.muli %scan3A_26, %mul3A_29 : i32
      %swap3A = arith.index_cast %mul3A_30 : i32 to index
      %swap3A_31 = tpu.vector_load %arg7[%swap3A] {strides = array<i32>} : memref<6256xf32, #tpu.memory_space<vmem>>, vector<16xf32>,
      %swap3A_32 = vector.shape_cast %swap3A_31 : vector<16xf32> to vector<16xf32>
      %swap3A_33 = vector.shape_cast %broadcast_in_dim3A_28 : vector<16xf32> to vector<16xf32>
      tpu.vector_store %arg7[%swap3A], %swap3A_33 {strides = array<i32>} : memref<6256xf32, #tpu.memory_space<vmem>>, vector<16xf32>,
      %scan3A_34 = arith.constant 0 : i32
      scf.yield %scan3A_34 : i32
    }
    %scan3A_6 = arith.constant 391 : i32
    %mul3A_7 = arith.constant 6256 : i32
    %mul3A_8 = arith.muli %arg1, %mul3A_7 : i32
    "tpu.region"() ({
      %run_scoped3A = tpu.sem_alloc : memref<!tpu.dma_semaphore, #tpu.memory_space<semaphore_mem>>
      %dma_start3A = tpu.memref_slice %arg8[%mul3A_8] : memref<100096xf32, #tpu.memory_space<vmem_shared>> -> memref<6256xf32, #tpu.memory_space<vmem_shared>>
      %dma_start3A_26 = tpu.memref_slice %arg8[%mul3A_8] : memref<100096xf32, #tpu.memory_space<vmem_shared>> -> memref<6256xf32, #tpu.memory_space<vmem_shared>>
      tpu.enqueue_dma source(%arg7 : memref<6256xf32, #tpu.memory_space<vmem>>) target(%dma_start3A_26 : memref<6256xf32, #tpu.memory_space<vmem_shared>>) target_semaphore(%run_scoped3A : memref<!tpu.dma_semaphore, #tpu.memory_space<semaphore_mem>>)
      %dma_wait3A = tpu.memref_slice %arg8[%mul3A_8] : memref<100096xf32, #tpu.memory_space<vmem_shared>> -> memref<6256xf32, #tpu.memory_space<vmem_shared>>
      %dma_wait3A_27 = tpu.memref_slice %arg8[%mul3A_8] : memref<100096xf32, #tpu.memory_space<vmem_shared>> -> memref<6256xf32, #tpu.memory_space<vmem_shared>>
      tpu.wait_dma2 semaphore(%run_scoped3A : memref<!tpu.dma_semaphore, #tpu.memory_space<semaphore_mem>>) src(%arg7 : memref<6256xf32, #tpu.memory_space<vmem>>) dst(%dma_wait3A_27 : memref<6256xf32, #tpu.memory_space<vmem_shared>>)
      tpu.yield
    }) : () -> ()
    %barrier3A = arith.constant 0 : index
    tpu.barrier barrier_id(%barrier3A)
    %mul3A_9 = arith.constant 392 : i32
    %mul3A_10 = arith.muli %add3A, %mul3A_9 : i32
    %scan3A_11 = arith.constant 0 : i32
    %scan3A_12 = arith.constant 0 : i32
    %scan3A_13 = arith.constant 49 : i32
    %scan3A_14 = arith.addi %scan3A_12, %scan3A_13 : i32
    %scan3A_15 = arith.constant 1 : i32
    %scan3A_16 = scf.for %scan3A_26 = %scan3A_12 to %scan3A_14 step %scan3A_15 iter_args(%scan3A_27 = %scan3A_11) -> (i32)  : i32 {
      %mul3A_28 = arith.constant 8 : i32
      %mul3A_29 = arith.muli %scan3A_26, %mul3A_28 : i32
      %add3A_30 = arith.addi %mul3A_10, %mul3A_29 : i32
      "tpu.region"() ({
        %run_scoped3A = tpu.sem_alloc : memref<!tpu.dma_semaphore, #tpu.memory_space<semaphore_mem>>
        %dma_start3A_160 = arith.constant 0 : i32
        %dma_start3A_161 = tpu.memref_slice %arg2[%add3A_30, %dma_start3A_160] : memref<12544x128xi32, #tpu.memory_space<hbm>> -> memref<8x128xi32, #tpu.memory_space<hbm>>
        %dma_start3A_162 = arith.constant 0 : i32
        %dma_start3A_163 = tpu.memref_slice %arg2[%add3A_30, %dma_start3A_162] : memref<12544x128xi32, #tpu.memory_space<hbm>> -> memref<8x128xi32, #tpu.memory_space<hbm>>
        tpu.enqueue_dma source(%dma_start3A_163 : memref<8x128xi32, #tpu.memory_space<hbm>>) target(%arg5 : memref<8x128xi32, #tpu.memory_space<vmem>>) target_semaphore(%run_scoped3A : memref<!tpu.dma_semaphore, #tpu.memory_space<semaphore_mem>>)
        %dma_wait3A_164 = arith.constant 0 : i32
        %dma_wait3A_165 = tpu.memref_slice %arg2[%add3A_30, %dma_wait3A_164] : memref<12544x128xi32, #tpu.memory_space<hbm>> -> memref<8x128xi32, #tpu.memory_space<hbm>>
        %dma_wait3A_166 = arith.constant 0 : i32
        %dma_wait3A_167 = tpu.memref_slice %arg2[%add3A_30, %dma_wait3A_166] : memref<12544x128xi32, #tpu.memory_space<hbm>> -> memref<8x128xi32, #tpu.memory_space<hbm>>
        tpu.wait_dma2 semaphore(%run_scoped3A : memref<!tpu.dma_semaphore, #tpu.memory_space<semaphore_mem>>) src(%dma_wait3A_167 : memref<8x128xi32, #tpu.memory_space<hbm>>) dst(%arg5 : memref<8x128xi32, #tpu.memory_space<vmem>>)
        tpu.yield
      }) : () -> ()
      %mul3A_31 = arith.constant 128 : i32
      %mul3A_32 = arith.muli %add3A_30, %mul3A_31 : i32
      "tpu.region"() ({
        %run_scoped3A = tpu.sem_alloc : memref<!tpu.dma_semaphore, #tpu.memory_space<semaphore_mem>>
        %dma_start3A_160 = tpu.memref_slice %arg3[%mul3A_32] : memref<1605632xf32, #tpu.memory_space<hbm>> -> memref<1024xf32, #tpu.memory_space<hbm>>
        %dma_start3A_161 = tpu.memref_slice %arg3[%mul3A_32] : memref<1605632xf32, #tpu.memory_space<hbm>> -> memref<1024xf32, #tpu.memory_space<hbm>>
        tpu.enqueue_dma source(%dma_start3A_161 : memref<1024xf32, #tpu.memory_space<hbm>>) target(%arg6 : memref<1024xf32, #tpu.memory_space<vmem>>) target_semaphore(%run_scoped3A : memref<!tpu.dma_semaphore, #tpu.memory_space<semaphore_mem>>)
        %dma_wait3A_162 = tpu.memref_slice %arg3[%mul3A_32] : memref<1605632xf32, #tpu.memory_space<hbm>> -> memref<1024xf32, #tpu.memory_space<hbm>>
        %dma_wait3A_163 = tpu.memref_slice %arg3[%mul3A_32] : memref<1605632xf32, #tpu.memory_space<hbm>> -> memref<1024xf32, #tpu.memory_space<hbm>>
        tpu.wait_dma2 semaphore(%run_scoped3A : memref<!tpu.dma_semaphore, #tpu.memory_space<semaphore_mem>>) src(%dma_wait3A_163 : memref<1024xf32, #tpu.memory_space<hbm>>) dst(%arg6 : memref<1024xf32, #tpu.memory_space<vmem>>)
        tpu.yield
      }) : () -> ()
      %dma_start3A = arith.constant 0 : i32
      %dma_start3A_33 = arith.constant 0 : i32
      %dma_start3A_34 = tpu.memref_slice %arg6[%dma_start3A_33] : memref<1024xf32, #tpu.memory_space<vmem>> -> memref<128xf32, #tpu.memory_space<vmem>>
      %dma_start3A_35 = arith.constant 0 : i32
      %dma_start3A_36 = tpu.memref_slice %arg5[%dma_start3A, %dma_start3A_35] : memref<8x128xi32, #tpu.memory_space<vmem>> -> memref<1x128xi32, #tpu.memory_space<vmem>>
      %dma_start3A_37 = tpu.memref_squeeze %dma_start3A_36 : memref<1x128xi32, #tpu.memory_space<vmem>> -> memref<128xi32, #tpu.memory_space<vmem>>
      %dma_start3A_38 = arith.constant 0 : i32
      %dma_start3A_39 = tpu.memref_slice %arg8[%dma_start3A_38] : memref<100096xf32, #tpu.memory_space<vmem_shared>> -> memref<100096xf32, #tpu.memory_space<vmem_shared>>
      tpu.enqueue_indirect_dma source(%dma_start3A_34 : memref<128xf32, #tpu.memory_space<vmem>>) target(%dma_start3A_39 : memref<100096xf32, #tpu.memory_space<vmem_shared>>) offsets(%dma_start3A_37 : memref<128xi32, #tpu.memory_space<vmem>>) semaphore(%arg9 : memref<!tpu.dma_semaphore, #tpu.memory_space<semaphore_mem>>) {add = true}
      %dma_start3A_40 = arith.constant 1 : i32
      %dma_start3A_41 = arith.constant 128 : i32
      %dma_start3A_42 = tpu.memref_slice %arg6[%dma_start3A_41] : memref<1024xf32, #tpu.memory_space<vmem>> -> memref<128xf32, #tpu.memory_space<vmem>>
      %dma_start3A_43 = arith.constant 0 : i32
      %dma_start3A_44 = tpu.memref_slice %arg5[%dma_start3A_40, %dma_start3A_43] : memref<8x128xi32, #tpu.memory_space<vmem>> -> memref<1x128xi32, #tpu.memory_space<vmem>>
      %dma_start3A_45 = tpu.memref_squeeze %dma_start3A_44 : memref<1x128xi32, #tpu.memory_space<vmem>> -> memref<128xi32, #tpu.memory_space<vmem>>
      %dma_start3A_46 = arith.constant 0 : i32
      %dma_start3A_47 = tpu.memref_slice %arg8[%dma_start3A_46] : memref<100096xf32, #tpu.memory_space<vmem_shared>> -> memref<100096xf32, #tpu.memory_space<vmem_shared>>
      tpu.enqueue_indirect_dma source(%dma_start3A_42 : memref<128xf32, #tpu.memory_space<vmem>>) target(%dma_start3A_47 : memref<100096xf32, #tpu.memory_space<vmem_shared>>) offsets(%dma_start3A_45 : memref<128xi32, #tpu.memory_space<vmem>>) semaphore(%arg9 : memref<!tpu.dma_semaphore, #tpu.memory_space<semaphore_mem>>) {add = true}
      %dma_start3A_48 = arith.constant 2 : i32
      %dma_start3A_49 = arith.constant 256 : i32
      %dma_start3A_50 = tpu.memref_slice %arg6[%dma_start3A_49] : memref<1024xf32, #tpu.memory_space<vmem>> -> memref<128xf32, #tpu.memory_space<vmem>>
      %dma_start3A_51 = arith.constant 0 : i32
      %dma_start3A_52 = tpu.memref_slice %arg5[%dma_start3A_48, %dma_start3A_51] : memref<8x128xi32, #tpu.memory_space<vmem>> -> memref<1x128xi32, #tpu.memory_space<vmem>>
      %dma_start3A_53 = tpu.memref_squeeze %dma_start3A_52 : memref<1x128xi32, #tpu.memory_space<vmem>> -> memref<128xi32, #tpu.memory_space<vmem>>
      %dma_start3A_54 = arith.constant 0 : i32
      %dma_start3A_55 = tpu.memref_slice %arg8[%dma_start3A_54] : memref<100096xf32, #tpu.memory_space<vmem_shared>> -> memref<100096xf32, #tpu.memory_space<vmem_shared>>
      tpu.enqueue_indirect_dma source(%dma_start3A_50 : memref<128xf32, #tpu.memory_space<vmem>>) target(%dma_start3A_55 : memref<100096xf32, #tpu.memory_space<vmem_shared>>) offsets(%dma_start3A_53 : memref<128xi32, #tpu.memory_space<vmem>>) semaphore(%arg9 : memref<!tpu.dma_semaphore, #tpu.memory_space<semaphore_mem>>) {add = true}
      %dma_start3A_56 = arith.constant 3 : i32
      %dma_start3A_57 = arith.constant 384 : i32
      %dma_start3A_58 = tpu.memref_slice %arg6[%dma_start3A_57] : memref<1024xf32, #tpu.memory_space<vmem>> -> memref<128xf32, #tpu.memory_space<vmem>>
      %dma_start3A_59 = arith.constant 0 : i32
      %dma_start3A_60 = tpu.memref_slice %arg5[%dma_start3A_56, %dma_start3A_59] : memref<8x128xi32, #tpu.memory_space<vmem>> -> memref<1x128xi32, #tpu.memory_space<vmem>>
      %dma_start3A_61 = tpu.memref_squeeze %dma_start3A_60 : memref<1x128xi32, #tpu.memory_space<vmem>> -> memref<128xi32, #tpu.memory_space<vmem>>
      %dma_start3A_62 = arith.constant 0 : i32
      %dma_start3A_63 = tpu.memref_slice %arg8[%dma_start3A_62] : memref<100096xf32, #tpu.memory_space<vmem_shared>> -> memref<100096xf32, #tpu.memory_space<vmem_shared>>
      tpu.enqueue_indirect_dma source(%dma_start3A_58 : memref<128xf32, #tpu.memory_space<vmem>>) target(%dma_start3A_63 : memref<100096xf32, #tpu.memory_space<vmem_shared>>) offsets(%dma_start3A_61 : memref<128xi32, #tpu.memory_space<vmem>>) semaphore(%arg9 : memref<!tpu.dma_semaphore, #tpu.memory_space<semaphore_mem>>) {add = true}
      %dma_start3A_64 = arith.constant 4 : i32
      %dma_start3A_65 = arith.constant 512 : i32
      %dma_start3A_66 = tpu.memref_slice %arg6[%dma_start3A_65] : memref<1024xf32, #tpu.memory_space<vmem>> -> memref<128xf32, #tpu.memory_space<vmem>>
      %dma_start3A_67 = arith.constant 0 : i32
      %dma_start3A_68 = tpu.memref_slice %arg5[%dma_start3A_64, %dma_start3A_67] : memref<8x128xi32, #tpu.memory_space<vmem>> -> memref<1x128xi32, #tpu.memory_space<vmem>>
      %dma_start3A_69 = tpu.memref_squeeze %dma_start3A_68 : memref<1x128xi32, #tpu.memory_space<vmem>> -> memref<128xi32, #tpu.memory_space<vmem>>
      %dma_start3A_70 = arith.constant 0 : i32
      %dma_start3A_71 = tpu.memref_slice %arg8[%dma_start3A_70] : memref<100096xf32, #tpu.memory_space<vmem_shared>> -> memref<100096xf32, #tpu.memory_space<vmem_shared>>
      tpu.enqueue_indirect_dma source(%dma_start3A_66 : memref<128xf32, #tpu.memory_space<vmem>>) target(%dma_start3A_71 : memref<100096xf32, #tpu.memory_space<vmem_shared>>) offsets(%dma_start3A_69 : memref<128xi32, #tpu.memory_space<vmem>>) semaphore(%arg9 : memref<!tpu.dma_semaphore, #tpu.memory_space<semaphore_mem>>) {add = true}
      %dma_start3A_72 = arith.constant 5 : i32
      %dma_start3A_73 = arith.constant 640 : i32
      %dma_start3A_74 = tpu.memref_slice %arg6[%dma_start3A_73] : memref<1024xf32, #tpu.memory_space<vmem>> -> memref<128xf32, #tpu.memory_space<vmem>>
      %dma_start3A_75 = arith.constant 0 : i32
      %dma_start3A_76 = tpu.memref_slice %arg5[%dma_start3A_72, %dma_start3A_75] : memref<8x128xi32, #tpu.memory_space<vmem>> -> memref<1x128xi32, #tpu.memory_space<vmem>>
      %dma_start3A_77 = tpu.memref_squeeze %dma_start3A_76 : memref<1x128xi32, #tpu.memory_space<vmem>> -> memref<128xi32, #tpu.memory_space<vmem>>
      %dma_start3A_78 = arith.constant 0 : i32
      %dma_start3A_79 = tpu.memref_slice %arg8[%dma_start3A_78] : memref<100096xf32, #tpu.memory_space<vmem_shared>> -> memref<100096xf32, #tpu.memory_space<vmem_shared>>
      tpu.enqueue_indirect_dma source(%dma_start3A_74 : memref<128xf32, #tpu.memory_space<vmem>>) target(%dma_start3A_79 : memref<100096xf32, #tpu.memory_space<vmem_shared>>) offsets(%dma_start3A_77 : memref<128xi32, #tpu.memory_space<vmem>>) semaphore(%arg9 : memref<!tpu.dma_semaphore, #tpu.memory_space<semaphore_mem>>) {add = true}
      %dma_start3A_80 = arith.constant 6 : i32
      %dma_start3A_81 = arith.constant 768 : i32
      %dma_start3A_82 = tpu.memref_slice %arg6[%dma_start3A_81] : memref<1024xf32, #tpu.memory_space<vmem>> -> memref<128xf32, #tpu.memory_space<vmem>>
      %dma_start3A_83 = arith.constant 0 : i32
      %dma_start3A_84 = tpu.memref_slice %arg5[%dma_start3A_80, %dma_start3A_83] : memref<8x128xi32, #tpu.memory_space<vmem>> -> memref<1x128xi32, #tpu.memory_space<vmem>>
      %dma_start3A_85 = tpu.memref_squeeze %dma_start3A_84 : memref<1x128xi32, #tpu.memory_space<vmem>> -> memref<128xi32, #tpu.memory_space<vmem>>
      %dma_start3A_86 = arith.constant 0 : i32
      %dma_start3A_87 = tpu.memref_slice %arg8[%dma_start3A_86] : memref<100096xf32, #tpu.memory_space<vmem_shared>> -> memref<100096xf32, #tpu.memory_space<vmem_shared>>
      tpu.enqueue_indirect_dma source(%dma_start3A_82 : memref<128xf32, #tpu.memory_space<vmem>>) target(%dma_start3A_87 : memref<100096xf32, #tpu.memory_space<vmem_shared>>) offsets(%dma_start3A_85 : memref<128xi32, #tpu.memory_space<vmem>>) semaphore(%arg9 : memref<!tpu.dma_semaphore, #tpu.memory_space<semaphore_mem>>) {add = true}
      %dma_start3A_88 = arith.constant 7 : i32
      %dma_start3A_89 = arith.constant 896 : i32
      %dma_start3A_90 = tpu.memref_slice %arg6[%dma_start3A_89] : memref<1024xf32, #tpu.memory_space<vmem>> -> memref<128xf32, #tpu.memory_space<vmem>>
      %dma_start3A_91 = arith.constant 0 : i32
      %dma_start3A_92 = tpu.memref_slice %arg5[%dma_start3A_88, %dma_start3A_91] : memref<8x128xi32, #tpu.memory_space<vmem>> -> memref<1x128xi32, #tpu.memory_space<vmem>>
      %dma_start3A_93 = tpu.memref_squeeze %dma_start3A_92 : memref<1x128xi32, #tpu.memory_space<vmem>> -> memref<128xi32, #tpu.memory_space<vmem>>
      %dma_start3A_94 = arith.constant 0 : i32
      %dma_start3A_95 = tpu.memref_slice %arg8[%dma_start3A_94] : memref<100096xf32, #tpu.memory_space<vmem_shared>> -> memref<100096xf32, #tpu.memory_space<vmem_shared>>
      tpu.enqueue_indirect_dma source(%dma_start3A_90 : memref<128xf32, #tpu.memory_space<vmem>>) target(%dma_start3A_95 : memref<100096xf32, #tpu.memory_space<vmem_shared>>) offsets(%dma_start3A_93 : memref<128xi32, #tpu.memory_space<vmem>>) semaphore(%arg9 : memref<!tpu.dma_semaphore, #tpu.memory_space<semaphore_mem>>) {add = true}
      %dma_wait3A = arith.constant 0 : i32
      %dma_wait3A_96 = arith.constant 0 : i32
      %dma_wait3A_97 = tpu.memref_slice %arg6[%dma_wait3A_96] : memref<1024xf32, #tpu.memory_space<vmem>> -> memref<128xf32, #tpu.memory_space<vmem>>
      %dma_wait3A_98 = arith.constant 0 : i32
      %dma_wait3A_99 = tpu.memref_slice %arg5[%dma_wait3A, %dma_wait3A_98] : memref<8x128xi32, #tpu.memory_space<vmem>> -> memref<1x128xi32, #tpu.memory_space<vmem>>
      %dma_wait3A_100 = tpu.memref_squeeze %dma_wait3A_99 : memref<1x128xi32, #tpu.memory_space<vmem>> -> memref<128xi32, #tpu.memory_space<vmem>>
      %dma_wait3A_101 = arith.constant 0 : i32
      %dma_wait3A_102 = tpu.memref_slice %arg8[%dma_wait3A_101] : memref<100096xf32, #tpu.memory_space<vmem_shared>> -> memref<100096xf32, #tpu.memory_space<vmem_shared>>
      tpu.wait_indirect_dma semaphore(%arg9 : memref<!tpu.dma_semaphore, #tpu.memory_space<semaphore_mem>>) src(%dma_wait3A_97 : memref<128xf32, #tpu.memory_space<vmem>>) dst(%dma_wait3A_102 : memref<100096xf32, #tpu.memory_space<vmem_shared>>)
      %dma_wait3A_103 = arith.constant 1 : i32
      %dma_wait3A_104 = arith.constant 128 : i32
      %dma_wait3A_105 = tpu.memref_slice %arg6[%dma_wait3A_104] : memref<1024xf32, #tpu.memory_space<vmem>> -> memref<128xf32, #tpu.memory_space<vmem>>
      %dma_wait3A_106 = arith.constant 0 : i32
      %dma_wait3A_107 = tpu.memref_slice %arg5[%dma_wait3A_103, %dma_wait3A_106] : memref<8x128xi32, #tpu.memory_space<vmem>> -> memref<1x128xi32, #tpu.memory_space<vmem>>
      %dma_wait3A_108 = tpu.memref_squeeze %dma_wait3A_107 : memref<1x128xi32, #tpu.memory_space<vmem>> -> memref<128xi32, #tpu.memory_space<vmem>>
      %dma_wait3A_109 = arith.constant 0 : i32
      %dma_wait3A_110 = tpu.memref_slice %arg8[%dma_wait3A_109] : memref<100096xf32, #tpu.memory_space<vmem_shared>> -> memref<100096xf32, #tpu.memory_space<vmem_shared>>
      tpu.wait_indirect_dma semaphore(%arg9 : memref<!tpu.dma_semaphore, #tpu.memory_space<semaphore_mem>>) src(%dma_wait3A_105 : memref<128xf32, #tpu.memory_space<vmem>>) dst(%dma_wait3A_110 : memref<100096xf32, #tpu.memory_space<vmem_shared>>)
      %dma_wait3A_111 = arith.constant 2 : i32
      %dma_wait3A_112 = arith.constant 256 : i32
      %dma_wait3A_113 = tpu.memref_slice %arg6[%dma_wait3A_112] : memref<1024xf32, #tpu.memory_space<vmem>> -> memref<128xf32, #tpu.memory_space<vmem>>
      %dma_wait3A_114 = arith.constant 0 : i32
      %dma_wait3A_115 = tpu.memref_slice %arg5[%dma_wait3A_111, %dma_wait3A_114] : memref<8x128xi32, #tpu.memory_space<vmem>> -> memref<1x128xi32, #tpu.memory_space<vmem>>
      %dma_wait3A_116 = tpu.memref_squeeze %dma_wait3A_115 : memref<1x128xi32, #tpu.memory_space<vmem>> -> memref<128xi32, #tpu.memory_space<vmem>>
      %dma_wait3A_117 = arith.constant 0 : i32
      %dma_wait3A_118 = tpu.memref_slice %arg8[%dma_wait3A_117] : memref<100096xf32, #tpu.memory_space<vmem_shared>> -> memref<100096xf32, #tpu.memory_space<vmem_shared>>
      tpu.wait_indirect_dma semaphore(%arg9 : memref<!tpu.dma_semaphore, #tpu.memory_space<semaphore_mem>>) src(%dma_wait3A_113 : memref<128xf32, #tpu.memory_space<vmem>>) dst(%dma_wait3A_118 : memref<100096xf32, #tpu.memory_space<vmem_shared>>)
      %dma_wait3A_119 = arith.constant 3 : i32
      %dma_wait3A_120 = arith.constant 384 : i32
      %dma_wait3A_121 = tpu.memref_slice %arg6[%dma_wait3A_120] : memref<1024xf32, #tpu.memory_space<vmem>> -> memref<128xf32, #tpu.memory_space<vmem>>
      %dma_wait3A_122 = arith.constant 0 : i32
      %dma_wait3A_123 = tpu.memref_slice %arg5[%dma_wait3A_119, %dma_wait3A_122] : memref<8x128xi32, #tpu.memory_space<vmem>> -> memref<1x128xi32, #tpu.memory_space<vmem>>
      %dma_wait3A_124 = tpu.memref_squeeze %dma_wait3A_123 : memref<1x128xi32, #tpu.memory_space<vmem>> -> memref<128xi32, #tpu.memory_space<vmem>>
      %dma_wait3A_125 = arith.constant 0 : i32
      %dma_wait3A_126 = tpu.memref_slice %arg8[%dma_wait3A_125] : memref<100096xf32, #tpu.memory_space<vmem_shared>> -> memref<100096xf32, #tpu.memory_space<vmem_shared>>
      tpu.wait_indirect_dma semaphore(%arg9 : memref<!tpu.dma_semaphore, #tpu.memory_space<semaphore_mem>>) src(%dma_wait3A_121 : memref<128xf32, #tpu.memory_space<vmem>>) dst(%dma_wait3A_126 : memref<100096xf32, #tpu.memory_space<vmem_shared>>)
      %dma_wait3A_127 = arith.constant 4 : i32
      %dma_wait3A_128 = arith.constant 512 : i32
      %dma_wait3A_129 = tpu.memref_slice %arg6[%dma_wait3A_128] : memref<1024xf32, #tpu.memory_space<vmem>> -> memref<128xf32, #tpu.memory_space<vmem>>
      %dma_wait3A_130 = arith.constant 0 : i32
      %dma_wait3A_131 = tpu.memref_slice %arg5[%dma_wait3A_127, %dma_wait3A_130] : memref<8x128xi32, #tpu.memory_space<vmem>> -> memref<1x128xi32, #tpu.memory_space<vmem>>
      %dma_wait3A_132 = tpu.memref_squeeze %dma_wait3A_131 : memref<1x128xi32, #tpu.memory_space<vmem>> -> memref<128xi32, #tpu.memory_space<vmem>>
      %dma_wait3A_133 = arith.constant 0 : i32
      %dma_wait3A_134 = tpu.memref_slice %arg8[%dma_wait3A_133] : memref<100096xf32, #tpu.memory_space<vmem_shared>> -> memref<100096xf32, #tpu.memory_space<vmem_shared>>
      tpu.wait_indirect_dma semaphore(%arg9 : memref<!tpu.dma_semaphore, #tpu.memory_space<semaphore_mem>>) src(%dma_wait3A_129 : memref<128xf32, #tpu.memory_space<vmem>>) dst(%dma_wait3A_134 : memref<100096xf32, #tpu.memory_space<vmem_shared>>)
      %dma_wait3A_135 = arith.constant 5 : i32
      %dma_wait3A_136 = arith.constant 640 : i32
      %dma_wait3A_137 = tpu.memref_slice %arg6[%dma_wait3A_136] : memref<1024xf32, #tpu.memory_space<vmem>> -> memref<128xf32, #tpu.memory_space<vmem>>
      %dma_wait3A_138 = arith.constant 0 : i32
      %dma_wait3A_139 = tpu.memref_slice %arg5[%dma_wait3A_135, %dma_wait3A_138] : memref<8x128xi32, #tpu.memory_space<vmem>> -> memref<1x128xi32, #tpu.memory_space<vmem>>
      %dma_wait3A_140 = tpu.memref_squeeze %dma_wait3A_139 : memref<1x128xi32, #tpu.memory_space<vmem>> -> memref<128xi32, #tpu.memory_space<vmem>>
      %dma_wait3A_141 = arith.constant 0 : i32
      %dma_wait3A_142 = tpu.memref_slice %arg8[%dma_wait3A_141] : memref<100096xf32, #tpu.memory_space<vmem_shared>> -> memref<100096xf32, #tpu.memory_space<vmem_shared>>
      tpu.wait_indirect_dma semaphore(%arg9 : memref<!tpu.dma_semaphore, #tpu.memory_space<semaphore_mem>>) src(%dma_wait3A_137 : memref<128xf32, #tpu.memory_space<vmem>>) dst(%dma_wait3A_142 : memref<100096xf32, #tpu.memory_space<vmem_shared>>)
      %dma_wait3A_143 = arith.constant 6 : i32
      %dma_wait3A_144 = arith.constant 768 : i32
      %dma_wait3A_145 = tpu.memref_slice %arg6[%dma_wait3A_144] : memref<1024xf32, #tpu.memory_space<vmem>> -> memref<128xf32, #tpu.memory_space<vmem>>
      %dma_wait3A_146 = arith.constant 0 : i32
      %dma_wait3A_147 = tpu.memref_slice %arg5[%dma_wait3A_143, %dma_wait3A_146] : memref<8x128xi32, #tpu.memory_space<vmem>> -> memref<1x128xi32, #tpu.memory_space<vmem>>
      %dma_wait3A_148 = tpu.memref_squeeze %dma_wait3A_147 : memref<1x128xi32, #tpu.memory_space<vmem>> -> memref<128xi32, #tpu.memory_space<vmem>>
      %dma_wait3A_149 = arith.constant 0 : i32
      %dma_wait3A_150 = tpu.memref_slice %arg8[%dma_wait3A_149] : memref<100096xf32, #tpu.memory_space<vmem_shared>> -> memref<100096xf32, #tpu.memory_space<vmem_shared>>
      tpu.wait_indirect_dma semaphore(%arg9 : memref<!tpu.dma_semaphore, #tpu.memory_space<semaphore_mem>>) src(%dma_wait3A_145 : memref<128xf32, #tpu.memory_space<vmem>>) dst(%dma_wait3A_150 : memref<100096xf32, #tpu.memory_space<vmem_shared>>)
      %dma_wait3A_151 = arith.constant 7 : i32
      %dma_wait3A_152 = arith.constant 896 : i32
      %dma_wait3A_153 = tpu.memref_slice %arg6[%dma_wait3A_152] : memref<1024xf32, #tpu.memory_space<vmem>> -> memref<128xf32, #tpu.memory_space<vmem>>
      %dma_wait3A_154 = arith.constant 0 : i32
      %dma_wait3A_155 = tpu.memref_slice %arg5[%dma_wait3A_151, %dma_wait3A_154] : memref<8x128xi32, #tpu.memory_space<vmem>> -> memref<1x128xi32, #tpu.memory_space<vmem>>
      %dma_wait3A_156 = tpu.memref_squeeze %dma_wait3A_155 : memref<1x128xi32, #tpu.memory_space<vmem>> -> memref<128xi32, #tpu.memory_space<vmem>>
      %dma_wait3A_157 = arith.constant 0 : i32
      %dma_wait3A_158 = tpu.memref_slice %arg8[%dma_wait3A_157] : memref<100096xf32, #tpu.memory_space<vmem_shared>> -> memref<100096xf32, #tpu.memory_space<vmem_shared>>
      tpu.wait_indirect_dma semaphore(%arg9 : memref<!tpu.dma_semaphore, #tpu.memory_space<semaphore_mem>>) src(%dma_wait3A_153 : memref<128xf32, #tpu.memory_space<vmem>>) dst(%dma_wait3A_158 : memref<100096xf32, #tpu.memory_space<vmem_shared>>)
      %scan3A_159 = arith.constant 0 : i32
      scf.yield %scan3A_159 : i32
    }
    %scan3A_17 = arith.constant 49 : i32
    %barrier3A_18 = arith.constant 0 : index
    tpu.barrier barrier_id(%barrier3A_18)
    %mul3A_19 = arith.constant 6256 : i32
    %mul3A_20 = arith.muli %arg1, %mul3A_19 : i32
    "tpu.region"() ({
      %run_scoped3A = tpu.sem_alloc : memref<!tpu.dma_semaphore, #tpu.memory_space<semaphore_mem>>
      %dma_start3A = tpu.memref_slice %arg8[%mul3A_20] : memref<100096xf32, #tpu.memory_space<vmem_shared>> -> memref<6256xf32, #tpu.memory_space<vmem_shared>>
      %dma_start3A_26 = tpu.memref_slice %arg8[%mul3A_20] : memref<100096xf32, #tpu.memory_space<vmem_shared>> -> memref<6256xf32, #tpu.memory_space<vmem_shared>>
      tpu.enqueue_dma source(%dma_start3A_26 : memref<6256xf32, #tpu.memory_space<vmem_shared>>) target(%arg7 : memref<6256xf32, #tpu.memory_space<vmem>>) target_semaphore(%run_scoped3A : memref<!tpu.dma_semaphore, #tpu.memory_space<semaphore_mem>>)
      %dma_wait3A = tpu.memref_slice %arg8[%mul3A_20] : memref<100096xf32, #tpu.memory_space<vmem_shared>> -> memref<6256xf32, #tpu.memory_space<vmem_shared>>
      %dma_wait3A_27 = tpu.memref_slice %arg8[%mul3A_20] : memref<100096xf32, #tpu.memory_space<vmem_shared>> -> memref<6256xf32, #tpu.memory_space<vmem_shared>>
      tpu.wait_dma2 semaphore(%run_scoped3A : memref<!tpu.dma_semaphore, #tpu.memory_space<semaphore_mem>>) src(%dma_wait3A_27 : memref<6256xf32, #tpu.memory_space<vmem_shared>>) dst(%arg7 : memref<6256xf32, #tpu.memory_space<vmem>>)
      tpu.yield
    }) : () -> ()
    %mul3A_21 = arith.constant 100096 : i32
    %mul3A_22 = arith.muli %arg0, %mul3A_21 : i32
    %mul3A_23 = arith.constant 6256 : i32
    %mul3A_24 = arith.muli %arg1, %mul3A_23 : i32
    %add3A_25 = arith.addi %mul3A_22, %mul3A_24 : i32
    "tpu.region"() ({
      %run_scoped3A = tpu.sem_alloc : memref<!tpu.dma_semaphore, #tpu.memory_space<semaphore_mem>>
      %dma_start3A = tpu.memref_slice %arg4[%add3A_25] : memref<200192xf32, #tpu.memory_space<hbm>> -> memref<6256xf32, #tpu.memory_space<hbm>>
      %dma_start3A_26 = tpu.memref_slice %arg4[%add3A_25] : memref<200192xf32, #tpu.memory_space<hbm>> -> memref<6256xf32, #tpu.memory_space<hbm>>
      tpu.enqueue_dma source(%arg7 : memref<6256xf32, #tpu.memory_space<vmem>>) target(%dma_start3A_26 : memref<6256xf32, #tpu.memory_space<hbm>>) target_semaphore(%run_scoped3A : memref<!tpu.dma_semaphore, #tpu.memory_space<semaphore_mem>>)
      %dma_wait3A = tpu.memref_slice %arg4[%add3A_25] : memref<200192xf32, #tpu.memory_space<hbm>> -> memref<6256xf32, #tpu.memory_space<hbm>>
      %dma_wait3A_27 = tpu.memref_slice %arg4[%add3A_25] : memref<200192xf32, #tpu.memory_space<hbm>> -> memref<6256xf32, #tpu.memory_space<hbm>>
      tpu.wait_dma2 semaphore(%run_scoped3A : memref<!tpu.dma_semaphore, #tpu.memory_space<semaphore_mem>>) src(%arg7 : memref<6256xf32, #tpu.memory_space<vmem>>) dst(%dma_wait3A_27 : memref<6256xf32, #tpu.memory_space<hbm>>)
      tpu.yield
    }) : () -> ()
    return
  }
}

#map = affine_map<(d0, d1) -> (0, 0)>
#map1 = affine_map<(d0, d1) -> (0)>
module attributes {stable_mosaic.version = 14 : i64} {
  func.func @spmm_kernel(%arg0: i32, %arg1: i32, %arg2: memref<12544x128xi32, #tpu.memory_space<hbm>>, %arg3: memref<12544x128xi32, #tpu.memory_space<hbm>>, %arg4: memref<1605632xf32, #tpu.memory_space<hbm>>, %arg5: memref<100000x16xf32, #tpu.memory_space<hbm>>, %arg6: memref<200192x16xf32, #tpu.memory_space<hbm>>, %arg7: memref<8x128xi32, #tpu.memory_space<vmem>>, %arg8: memref<8x128xi32, #tpu.memory_space<vmem>>, %arg9: memref<1024xf32, #tpu.memory_space<vmem>>, %arg10: memref<1024x16xf32, #tpu.memory_space<vmem>>, %arg11: memref<100096x16xf32, #tpu.memory_space<vmem_shared>>, %arg12: memref<!tpu.dma_semaphore, #tpu.memory_space<semaphore_mem>>, %arg13: memref<!tpu.dma_semaphore, #tpu.memory_space<semaphore_mem>>) attributes {dimension_semantics = [#tpu.dimension_semantics<core_parallel>, #tpu.dimension_semantics<subcore_parallel>], iteration_bounds = array<i64: 2, 16>, scalar_prefetch = 0 : i64, scratch_operands = 7 : i64, tpu.core_type = #tpu.core_type<sc_vector_subcore>, window_params = [{transform_indices = #map}, {transform_indices = #map}, {transform_indices = #map1}, {transform_indices = #map}, {transform_indices = #map}]} {
    %mul3A = arith.constant 16 : i32
    %mul3A_0 = arith.muli %arg0, %mul3A : i32
    %add3A = arith.addi %mul3A_0, %arg1 : i32
    %scan3A = arith.constant 0 : i32
    %scan3A_1 = arith.constant 0 : i32
    %scan3A_2 = arith.constant 1024 : i32
    %scan3A_3 = arith.addi %scan3A_1, %scan3A_2 : i32
    %scan3A_4 = arith.constant 1 : i32
    %scan3A_5 = scf.for %scan3A_82 = %scan3A_1 to %scan3A_3 step %scan3A_4 iter_args(%scan3A_83 = %scan3A) -> (i32)  : i32 {
      %broadcast_in_dim3A = arith.constant 0.000000e+00 : f32
      %broadcast_in_dim3A_84 = vector.broadcast %broadcast_in_dim3A : f32 to vector<16xf32>
      %swap3A = arith.index_cast %scan3A_82 : i32 to index
      %swap3A_85 = arith.constant 0 : index
      %swap3A_86 = tpu.vector_load %arg10[%swap3A, %swap3A_85] {strides = array<i32>} : memref<1024x16xf32, #tpu.memory_space<vmem>>, vector<1x16xf32>,
      %swap3A_87 = vector.shape_cast %swap3A_86 : vector<1x16xf32> to vector<16xf32>
      %swap3A_88 = vector.shape_cast %broadcast_in_dim3A_84 : vector<16xf32> to vector<1x16xf32>
      tpu.vector_store %arg10[%swap3A, %swap3A_85], %swap3A_88 {strides = array<i32>} : memref<1024x16xf32, #tpu.memory_space<vmem>>, vector<1x16xf32>,
      %scan3A_89 = arith.constant 0 : i32
      scf.yield %scan3A_89 : i32
    }
    %scan3A_6 = arith.constant 1024 : i32
    %mul3A_7 = arith.constant 6256 : i32
    %mul3A_8 = arith.muli %arg1, %mul3A_7 : i32
    %add3A_9 = arith.constant 0 : i32
    %add3A_10 = arith.addi %mul3A_8, %add3A_9 : i32
    "tpu.region"() ({
      %run_scoped3A = tpu.sem_alloc : memref<!tpu.dma_semaphore, #tpu.memory_space<semaphore_mem>>
      %dma_start3A = arith.constant 0 : i32
      %dma_start3A_82 = arith.constant 0 : i32
      %dma_start3A_83 = tpu.memref_slice %arg10[%dma_start3A, %dma_start3A_82] : memref<1024x16xf32, #tpu.memory_space<vmem>> -> memref<1024x16xf32, #tpu.memory_space<vmem>>
      %dma_start3A_84 = arith.constant 0 : i32
      %dma_start3A_85 = tpu.memref_slice %arg11[%add3A_10, %dma_start3A_84] : memref<100096x16xf32, #tpu.memory_space<vmem_shared>> -> memref<1024x16xf32, #tpu.memory_space<vmem_shared>>
      %dma_start3A_86 = arith.constant 0 : i32
      %dma_start3A_87 = tpu.memref_slice %arg11[%add3A_10, %dma_start3A_86] : memref<100096x16xf32, #tpu.memory_space<vmem_shared>> -> memref<1024x16xf32, #tpu.memory_space<vmem_shared>>
      %dma_start3A_88 = arith.constant 0 : i32
      %dma_start3A_89 = arith.constant 0 : i32
      %dma_start3A_90 = tpu.memref_slice %arg10[%dma_start3A_88, %dma_start3A_89] : memref<1024x16xf32, #tpu.memory_space<vmem>> -> memref<1024x16xf32, #tpu.memory_space<vmem>>
      tpu.enqueue_dma source(%dma_start3A_90 : memref<1024x16xf32, #tpu.memory_space<vmem>>) target(%dma_start3A_87 : memref<1024x16xf32, #tpu.memory_space<vmem_shared>>) target_semaphore(%run_scoped3A : memref<!tpu.dma_semaphore, #tpu.memory_space<semaphore_mem>>)
      %dma_wait3A = arith.constant 0 : i32
      %dma_wait3A_91 = arith.constant 0 : i32
      %dma_wait3A_92 = tpu.memref_slice %arg10[%dma_wait3A, %dma_wait3A_91] : memref<1024x16xf32, #tpu.memory_space<vmem>> -> memref<1024x16xf32, #tpu.memory_space<vmem>>
      %dma_wait3A_93 = arith.constant 0 : i32
      %dma_wait3A_94 = tpu.memref_slice %arg11[%add3A_10, %dma_wait3A_93] : memref<100096x16xf32, #tpu.memory_space<vmem_shared>> -> memref<1024x16xf32, #tpu.memory_space<vmem_shared>>
      %dma_wait3A_95 = arith.constant 0 : i32
      %dma_wait3A_96 = tpu.memref_slice %arg11[%add3A_10, %dma_wait3A_95] : memref<100096x16xf32, #tpu.memory_space<vmem_shared>> -> memref<1024x16xf32, #tpu.memory_space<vmem_shared>>
      %dma_wait3A_97 = arith.constant 0 : i32
      %dma_wait3A_98 = arith.constant 0 : i32
      %dma_wait3A_99 = tpu.memref_slice %arg10[%dma_wait3A_97, %dma_wait3A_98] : memref<1024x16xf32, #tpu.memory_space<vmem>> -> memref<1024x16xf32, #tpu.memory_space<vmem>>
      tpu.wait_dma2 semaphore(%run_scoped3A : memref<!tpu.dma_semaphore, #tpu.memory_space<semaphore_mem>>) src(%dma_wait3A_99 : memref<1024x16xf32, #tpu.memory_space<vmem>>) dst(%dma_wait3A_96 : memref<1024x16xf32, #tpu.memory_space<vmem_shared>>)
      tpu.yield
    }) : () -> ()
    %add3A_11 = arith.constant 1024 : i32
    %add3A_12 = arith.addi %mul3A_8, %add3A_11 : i32
    "tpu.region"() ({
      %run_scoped3A = tpu.sem_alloc : memref<!tpu.dma_semaphore, #tpu.memory_space<semaphore_mem>>
      %dma_start3A = arith.constant 0 : i32
      %dma_start3A_82 = arith.constant 0 : i32
      %dma_start3A_83 = tpu.memref_slice %arg10[%dma_start3A, %dma_start3A_82] : memref<1024x16xf32, #tpu.memory_space<vmem>> -> memref<1024x16xf32, #tpu.memory_space<vmem>>
      %dma_start3A_84 = arith.constant 0 : i32
      %dma_start3A_85 = tpu.memref_slice %arg11[%add3A_12, %dma_start3A_84] : memref<100096x16xf32, #tpu.memory_space<vmem_shared>> -> memref<1024x16xf32, #tpu.memory_space<vmem_shared>>
      %dma_start3A_86 = arith.constant 0 : i32
      %dma_start3A_87 = tpu.memref_slice %arg11[%add3A_12, %dma_start3A_86] : memref<100096x16xf32, #tpu.memory_space<vmem_shared>> -> memref<1024x16xf32, #tpu.memory_space<vmem_shared>>
      %dma_start3A_88 = arith.constant 0 : i32
      %dma_start3A_89 = arith.constant 0 : i32
      %dma_start3A_90 = tpu.memref_slice %arg10[%dma_start3A_88, %dma_start3A_89] : memref<1024x16xf32, #tpu.memory_space<vmem>> -> memref<1024x16xf32, #tpu.memory_space<vmem>>
      tpu.enqueue_dma source(%dma_start3A_90 : memref<1024x16xf32, #tpu.memory_space<vmem>>) target(%dma_start3A_87 : memref<1024x16xf32, #tpu.memory_space<vmem_shared>>) target_semaphore(%run_scoped3A : memref<!tpu.dma_semaphore, #tpu.memory_space<semaphore_mem>>)
      %dma_wait3A = arith.constant 0 : i32
      %dma_wait3A_91 = arith.constant 0 : i32
      %dma_wait3A_92 = tpu.memref_slice %arg10[%dma_wait3A, %dma_wait3A_91] : memref<1024x16xf32, #tpu.memory_space<vmem>> -> memref<1024x16xf32, #tpu.memory_space<vmem>>
      %dma_wait3A_93 = arith.constant 0 : i32
      %dma_wait3A_94 = tpu.memref_slice %arg11[%add3A_12, %dma_wait3A_93] : memref<100096x16xf32, #tpu.memory_space<vmem_shared>> -> memref<1024x16xf32, #tpu.memory_space<vmem_shared>>
      %dma_wait3A_95 = arith.constant 0 : i32
      %dma_wait3A_96 = tpu.memref_slice %arg11[%add3A_12, %dma_wait3A_95] : memref<100096x16xf32, #tpu.memory_space<vmem_shared>> -> memref<1024x16xf32, #tpu.memory_space<vmem_shared>>
      %dma_wait3A_97 = arith.constant 0 : i32
      %dma_wait3A_98 = arith.constant 0 : i32
      %dma_wait3A_99 = tpu.memref_slice %arg10[%dma_wait3A_97, %dma_wait3A_98] : memref<1024x16xf32, #tpu.memory_space<vmem>> -> memref<1024x16xf32, #tpu.memory_space<vmem>>
      tpu.wait_dma2 semaphore(%run_scoped3A : memref<!tpu.dma_semaphore, #tpu.memory_space<semaphore_mem>>) src(%dma_wait3A_99 : memref<1024x16xf32, #tpu.memory_space<vmem>>) dst(%dma_wait3A_96 : memref<1024x16xf32, #tpu.memory_space<vmem_shared>>)
      tpu.yield
    }) : () -> ()
    %add3A_13 = arith.constant 2048 : i32
    %add3A_14 = arith.addi %mul3A_8, %add3A_13 : i32
    "tpu.region"() ({
      %run_scoped3A = tpu.sem_alloc : memref<!tpu.dma_semaphore, #tpu.memory_space<semaphore_mem>>
      %dma_start3A = arith.constant 0 : i32
      %dma_start3A_82 = arith.constant 0 : i32
      %dma_start3A_83 = tpu.memref_slice %arg10[%dma_start3A, %dma_start3A_82] : memref<1024x16xf32, #tpu.memory_space<vmem>> -> memref<1024x16xf32, #tpu.memory_space<vmem>>
      %dma_start3A_84 = arith.constant 0 : i32
      %dma_start3A_85 = tpu.memref_slice %arg11[%add3A_14, %dma_start3A_84] : memref<100096x16xf32, #tpu.memory_space<vmem_shared>> -> memref<1024x16xf32, #tpu.memory_space<vmem_shared>>
      %dma_start3A_86 = arith.constant 0 : i32
      %dma_start3A_87 = tpu.memref_slice %arg11[%add3A_14, %dma_start3A_86] : memref<100096x16xf32, #tpu.memory_space<vmem_shared>> -> memref<1024x16xf32, #tpu.memory_space<vmem_shared>>
      %dma_start3A_88 = arith.constant 0 : i32
      %dma_start3A_89 = arith.constant 0 : i32
      %dma_start3A_90 = tpu.memref_slice %arg10[%dma_start3A_88, %dma_start3A_89] : memref<1024x16xf32, #tpu.memory_space<vmem>> -> memref<1024x16xf32, #tpu.memory_space<vmem>>
      tpu.enqueue_dma source(%dma_start3A_90 : memref<1024x16xf32, #tpu.memory_space<vmem>>) target(%dma_start3A_87 : memref<1024x16xf32, #tpu.memory_space<vmem_shared>>) target_semaphore(%run_scoped3A : memref<!tpu.dma_semaphore, #tpu.memory_space<semaphore_mem>>)
      %dma_wait3A = arith.constant 0 : i32
      %dma_wait3A_91 = arith.constant 0 : i32
      %dma_wait3A_92 = tpu.memref_slice %arg10[%dma_wait3A, %dma_wait3A_91] : memref<1024x16xf32, #tpu.memory_space<vmem>> -> memref<1024x16xf32, #tpu.memory_space<vmem>>
      %dma_wait3A_93 = arith.constant 0 : i32
      %dma_wait3A_94 = tpu.memref_slice %arg11[%add3A_14, %dma_wait3A_93] : memref<100096x16xf32, #tpu.memory_space<vmem_shared>> -> memref<1024x16xf32, #tpu.memory_space<vmem_shared>>
      %dma_wait3A_95 = arith.constant 0 : i32
      %dma_wait3A_96 = tpu.memref_slice %arg11[%add3A_14, %dma_wait3A_95] : memref<100096x16xf32, #tpu.memory_space<vmem_shared>> -> memref<1024x16xf32, #tpu.memory_space<vmem_shared>>
      %dma_wait3A_97 = arith.constant 0 : i32
      %dma_wait3A_98 = arith.constant 0 : i32
      %dma_wait3A_99 = tpu.memref_slice %arg10[%dma_wait3A_97, %dma_wait3A_98] : memref<1024x16xf32, #tpu.memory_space<vmem>> -> memref<1024x16xf32, #tpu.memory_space<vmem>>
      tpu.wait_dma2 semaphore(%run_scoped3A : memref<!tpu.dma_semaphore, #tpu.memory_space<semaphore_mem>>) src(%dma_wait3A_99 : memref<1024x16xf32, #tpu.memory_space<vmem>>) dst(%dma_wait3A_96 : memref<1024x16xf32, #tpu.memory_space<vmem_shared>>)
      tpu.yield
    }) : () -> ()
    %add3A_15 = arith.constant 3072 : i32
    %add3A_16 = arith.addi %mul3A_8, %add3A_15 : i32
    "tpu.region"() ({
      %run_scoped3A = tpu.sem_alloc : memref<!tpu.dma_semaphore, #tpu.memory_space<semaphore_mem>>
      %dma_start3A = arith.constant 0 : i32
      %dma_start3A_82 = arith.constant 0 : i32
      %dma_start3A_83 = tpu.memref_slice %arg10[%dma_start3A, %dma_start3A_82] : memref<1024x16xf32, #tpu.memory_space<vmem>> -> memref<1024x16xf32, #tpu.memory_space<vmem>>
      %dma_start3A_84 = arith.constant 0 : i32
      %dma_start3A_85 = tpu.memref_slice %arg11[%add3A_16, %dma_start3A_84] : memref<100096x16xf32, #tpu.memory_space<vmem_shared>> -> memref<1024x16xf32, #tpu.memory_space<vmem_shared>>
      %dma_start3A_86 = arith.constant 0 : i32
      %dma_start3A_87 = tpu.memref_slice %arg11[%add3A_16, %dma_start3A_86] : memref<100096x16xf32, #tpu.memory_space<vmem_shared>> -> memref<1024x16xf32, #tpu.memory_space<vmem_shared>>
      %dma_start3A_88 = arith.constant 0 : i32
      %dma_start3A_89 = arith.constant 0 : i32
      %dma_start3A_90 = tpu.memref_slice %arg10[%dma_start3A_88, %dma_start3A_89] : memref<1024x16xf32, #tpu.memory_space<vmem>> -> memref<1024x16xf32, #tpu.memory_space<vmem>>
      tpu.enqueue_dma source(%dma_start3A_90 : memref<1024x16xf32, #tpu.memory_space<vmem>>) target(%dma_start3A_87 : memref<1024x16xf32, #tpu.memory_space<vmem_shared>>) target_semaphore(%run_scoped3A : memref<!tpu.dma_semaphore, #tpu.memory_space<semaphore_mem>>)
      %dma_wait3A = arith.constant 0 : i32
      %dma_wait3A_91 = arith.constant 0 : i32
      %dma_wait3A_92 = tpu.memref_slice %arg10[%dma_wait3A, %dma_wait3A_91] : memref<1024x16xf32, #tpu.memory_space<vmem>> -> memref<1024x16xf32, #tpu.memory_space<vmem>>
      %dma_wait3A_93 = arith.constant 0 : i32
      %dma_wait3A_94 = tpu.memref_slice %arg11[%add3A_16, %dma_wait3A_93] : memref<100096x16xf32, #tpu.memory_space<vmem_shared>> -> memref<1024x16xf32, #tpu.memory_space<vmem_shared>>
      %dma_wait3A_95 = arith.constant 0 : i32
      %dma_wait3A_96 = tpu.memref_slice %arg11[%add3A_16, %dma_wait3A_95] : memref<100096x16xf32, #tpu.memory_space<vmem_shared>> -> memref<1024x16xf32, #tpu.memory_space<vmem_shared>>
      %dma_wait3A_97 = arith.constant 0 : i32
      %dma_wait3A_98 = arith.constant 0 : i32
      %dma_wait3A_99 = tpu.memref_slice %arg10[%dma_wait3A_97, %dma_wait3A_98] : memref<1024x16xf32, #tpu.memory_space<vmem>> -> memref<1024x16xf32, #tpu.memory_space<vmem>>
      tpu.wait_dma2 semaphore(%run_scoped3A : memref<!tpu.dma_semaphore, #tpu.memory_space<semaphore_mem>>) src(%dma_wait3A_99 : memref<1024x16xf32, #tpu.memory_space<vmem>>) dst(%dma_wait3A_96 : memref<1024x16xf32, #tpu.memory_space<vmem_shared>>)
      tpu.yield
    }) : () -> ()
    %add3A_17 = arith.constant 4096 : i32
    %add3A_18 = arith.addi %mul3A_8, %add3A_17 : i32
    "tpu.region"() ({
      %run_scoped3A = tpu.sem_alloc : memref<!tpu.dma_semaphore, #tpu.memory_space<semaphore_mem>>
      %dma_start3A = arith.constant 0 : i32
      %dma_start3A_82 = arith.constant 0 : i32
      %dma_start3A_83 = tpu.memref_slice %arg10[%dma_start3A, %dma_start3A_82] : memref<1024x16xf32, #tpu.memory_space<vmem>> -> memref<1024x16xf32, #tpu.memory_space<vmem>>
      %dma_start3A_84 = arith.constant 0 : i32
      %dma_start3A_85 = tpu.memref_slice %arg11[%add3A_18, %dma_start3A_84] : memref<100096x16xf32, #tpu.memory_space<vmem_shared>> -> memref<1024x16xf32, #tpu.memory_space<vmem_shared>>
      %dma_start3A_86 = arith.constant 0 : i32
      %dma_start3A_87 = tpu.memref_slice %arg11[%add3A_18, %dma_start3A_86] : memref<100096x16xf32, #tpu.memory_space<vmem_shared>> -> memref<1024x16xf32, #tpu.memory_space<vmem_shared>>
      %dma_start3A_88 = arith.constant 0 : i32
      %dma_start3A_89 = arith.constant 0 : i32
      %dma_start3A_90 = tpu.memref_slice %arg10[%dma_start3A_88, %dma_start3A_89] : memref<1024x16xf32, #tpu.memory_space<vmem>> -> memref<1024x16xf32, #tpu.memory_space<vmem>>
      tpu.enqueue_dma source(%dma_start3A_90 : memref<1024x16xf32, #tpu.memory_space<vmem>>) target(%dma_start3A_87 : memref<1024x16xf32, #tpu.memory_space<vmem_shared>>) target_semaphore(%run_scoped3A : memref<!tpu.dma_semaphore, #tpu.memory_space<semaphore_mem>>)
      %dma_wait3A = arith.constant 0 : i32
      %dma_wait3A_91 = arith.constant 0 : i32
      %dma_wait3A_92 = tpu.memref_slice %arg10[%dma_wait3A, %dma_wait3A_91] : memref<1024x16xf32, #tpu.memory_space<vmem>> -> memref<1024x16xf32, #tpu.memory_space<vmem>>
      %dma_wait3A_93 = arith.constant 0 : i32
      %dma_wait3A_94 = tpu.memref_slice %arg11[%add3A_18, %dma_wait3A_93] : memref<100096x16xf32, #tpu.memory_space<vmem_shared>> -> memref<1024x16xf32, #tpu.memory_space<vmem_shared>>
      %dma_wait3A_95 = arith.constant 0 : i32
      %dma_wait3A_96 = tpu.memref_slice %arg11[%add3A_18, %dma_wait3A_95] : memref<100096x16xf32, #tpu.memory_space<vmem_shared>> -> memref<1024x16xf32, #tpu.memory_space<vmem_shared>>
      %dma_wait3A_97 = arith.constant 0 : i32
      %dma_wait3A_98 = arith.constant 0 : i32
      %dma_wait3A_99 = tpu.memref_slice %arg10[%dma_wait3A_97, %dma_wait3A_98] : memref<1024x16xf32, #tpu.memory_space<vmem>> -> memref<1024x16xf32, #tpu.memory_space<vmem>>
      tpu.wait_dma2 semaphore(%run_scoped3A : memref<!tpu.dma_semaphore, #tpu.memory_space<semaphore_mem>>) src(%dma_wait3A_99 : memref<1024x16xf32, #tpu.memory_space<vmem>>) dst(%dma_wait3A_96 : memref<1024x16xf32, #tpu.memory_space<vmem_shared>>)
      tpu.yield
    }) : () -> ()
    %add3A_19 = arith.constant 5120 : i32
    %add3A_20 = arith.addi %mul3A_8, %add3A_19 : i32
    "tpu.region"() ({
      %run_scoped3A = tpu.sem_alloc : memref<!tpu.dma_semaphore, #tpu.memory_space<semaphore_mem>>
      %dma_start3A = arith.constant 0 : i32
      %dma_start3A_82 = arith.constant 0 : i32
      %dma_start3A_83 = tpu.memref_slice %arg10[%dma_start3A, %dma_start3A_82] : memref<1024x16xf32, #tpu.memory_space<vmem>> -> memref<1024x16xf32, #tpu.memory_space<vmem>>
      %dma_start3A_84 = arith.constant 0 : i32
      %dma_start3A_85 = tpu.memref_slice %arg11[%add3A_20, %dma_start3A_84] : memref<100096x16xf32, #tpu.memory_space<vmem_shared>> -> memref<1024x16xf32, #tpu.memory_space<vmem_shared>>
      %dma_start3A_86 = arith.constant 0 : i32
      %dma_start3A_87 = tpu.memref_slice %arg11[%add3A_20, %dma_start3A_86] : memref<100096x16xf32, #tpu.memory_space<vmem_shared>> -> memref<1024x16xf32, #tpu.memory_space<vmem_shared>>
      %dma_start3A_88 = arith.constant 0 : i32
      %dma_start3A_89 = arith.constant 0 : i32
      %dma_start3A_90 = tpu.memref_slice %arg10[%dma_start3A_88, %dma_start3A_89] : memref<1024x16xf32, #tpu.memory_space<vmem>> -> memref<1024x16xf32, #tpu.memory_space<vmem>>
      tpu.enqueue_dma source(%dma_start3A_90 : memref<1024x16xf32, #tpu.memory_space<vmem>>) target(%dma_start3A_87 : memref<1024x16xf32, #tpu.memory_space<vmem_shared>>) target_semaphore(%run_scoped3A : memref<!tpu.dma_semaphore, #tpu.memory_space<semaphore_mem>>)
      %dma_wait3A = arith.constant 0 : i32
      %dma_wait3A_91 = arith.constant 0 : i32
      %dma_wait3A_92 = tpu.memref_slice %arg10[%dma_wait3A, %dma_wait3A_91] : memref<1024x16xf32, #tpu.memory_space<vmem>> -> memref<1024x16xf32, #tpu.memory_space<vmem>>
      %dma_wait3A_93 = arith.constant 0 : i32
      %dma_wait3A_94 = tpu.memref_slice %arg11[%add3A_20, %dma_wait3A_93] : memref<100096x16xf32, #tpu.memory_space<vmem_shared>> -> memref<1024x16xf32, #tpu.memory_space<vmem_shared>>
      %dma_wait3A_95 = arith.constant 0 : i32
      %dma_wait3A_96 = tpu.memref_slice %arg11[%add3A_20, %dma_wait3A_95] : memref<100096x16xf32, #tpu.memory_space<vmem_shared>> -> memref<1024x16xf32, #tpu.memory_space<vmem_shared>>
      %dma_wait3A_97 = arith.constant 0 : i32
      %dma_wait3A_98 = arith.constant 0 : i32
      %dma_wait3A_99 = tpu.memref_slice %arg10[%dma_wait3A_97, %dma_wait3A_98] : memref<1024x16xf32, #tpu.memory_space<vmem>> -> memref<1024x16xf32, #tpu.memory_space<vmem>>
      tpu.wait_dma2 semaphore(%run_scoped3A : memref<!tpu.dma_semaphore, #tpu.memory_space<semaphore_mem>>) src(%dma_wait3A_99 : memref<1024x16xf32, #tpu.memory_space<vmem>>) dst(%dma_wait3A_96 : memref<1024x16xf32, #tpu.memory_space<vmem_shared>>)
      tpu.yield
    }) : () -> ()
    %add3A_21 = arith.constant 6144 : i32
    %add3A_22 = arith.addi %mul3A_8, %add3A_21 : i32
    "tpu.region"() ({
      %run_scoped3A = tpu.sem_alloc : memref<!tpu.dma_semaphore, #tpu.memory_space<semaphore_mem>>
      %dma_start3A = arith.constant 0 : i32
      %dma_start3A_82 = arith.constant 0 : i32
      %dma_start3A_83 = tpu.memref_slice %arg10[%dma_start3A, %dma_start3A_82] : memref<1024x16xf32, #tpu.memory_space<vmem>> -> memref<112x16xf32, #tpu.memory_space<vmem>>
      %dma_start3A_84 = arith.constant 0 : i32
      %dma_start3A_85 = tpu.memref_slice %arg11[%add3A_22, %dma_start3A_84] : memref<100096x16xf32, #tpu.memory_space<vmem_shared>> -> memref<112x16xf32, #tpu.memory_space<vmem_shared>>
      %dma_start3A_86 = arith.constant 0 : i32
      %dma_start3A_87 = tpu.memref_slice %arg11[%add3A_22, %dma_start3A_86] : memref<100096x16xf32, #tpu.memory_space<vmem_shared>> -> memref<112x16xf32, #tpu.memory_space<vmem_shared>>
      %dma_start3A_88 = arith.constant 0 : i32
      %dma_start3A_89 = arith.constant 0 : i32
      %dma_start3A_90 = tpu.memref_slice %arg10[%dma_start3A_88, %dma_start3A_89] : memref<1024x16xf32, #tpu.memory_space<vmem>> -> memref<112x16xf32, #tpu.memory_space<vmem>>
      tpu.enqueue_dma source(%dma_start3A_90 : memref<112x16xf32, #tpu.memory_space<vmem>>) target(%dma_start3A_87 : memref<112x16xf32, #tpu.memory_space<vmem_shared>>) target_semaphore(%run_scoped3A : memref<!tpu.dma_semaphore, #tpu.memory_space<semaphore_mem>>)
      %dma_wait3A = arith.constant 0 : i32
      %dma_wait3A_91 = arith.constant 0 : i32
      %dma_wait3A_92 = tpu.memref_slice %arg10[%dma_wait3A, %dma_wait3A_91] : memref<1024x16xf32, #tpu.memory_space<vmem>> -> memref<112x16xf32, #tpu.memory_space<vmem>>
      %dma_wait3A_93 = arith.constant 0 : i32
      %dma_wait3A_94 = tpu.memref_slice %arg11[%add3A_22, %dma_wait3A_93] : memref<100096x16xf32, #tpu.memory_space<vmem_shared>> -> memref<112x16xf32, #tpu.memory_space<vmem_shared>>
      %dma_wait3A_95 = arith.constant 0 : i32
      %dma_wait3A_96 = tpu.memref_slice %arg11[%add3A_22, %dma_wait3A_95] : memref<100096x16xf32, #tpu.memory_space<vmem_shared>> -> memref<112x16xf32, #tpu.memory_space<vmem_shared>>
      %dma_wait3A_97 = arith.constant 0 : i32
      %dma_wait3A_98 = arith.constant 0 : i32
      %dma_wait3A_99 = tpu.memref_slice %arg10[%dma_wait3A_97, %dma_wait3A_98] : memref<1024x16xf32, #tpu.memory_space<vmem>> -> memref<112x16xf32, #tpu.memory_space<vmem>>
      tpu.wait_dma2 semaphore(%run_scoped3A : memref<!tpu.dma_semaphore, #tpu.memory_space<semaphore_mem>>) src(%dma_wait3A_99 : memref<112x16xf32, #tpu.memory_space<vmem>>) dst(%dma_wait3A_96 : memref<112x16xf32, #tpu.memory_space<vmem_shared>>)
      tpu.yield
    }) : () -> ()
    %barrier3A = arith.constant 0 : index
    tpu.barrier barrier_id(%barrier3A)
    %mul3A_23 = arith.constant 392 : i32
    %mul3A_24 = arith.muli %add3A, %mul3A_23 : i32
    %scan3A_25 = arith.constant 0 : i32
    %scan3A_26 = arith.constant 0 : i32
    %scan3A_27 = arith.constant 49 : i32
    %scan3A_28 = arith.addi %scan3A_26, %scan3A_27 : i32
    %scan3A_29 = arith.constant 1 : i32
    %scan3A_30 = scf.for %scan3A_82 = %scan3A_26 to %scan3A_28 step %scan3A_29 iter_args(%scan3A_83 = %scan3A_25) -> (i32)  : i32 {
      %mul3A_84 = arith.constant 8 : i32
      %mul3A_85 = arith.muli %scan3A_82, %mul3A_84 : i32
      %add3A_86 = arith.addi %mul3A_24, %mul3A_85 : i32
      "tpu.region"() ({
        %run_scoped3A = tpu.sem_alloc : memref<!tpu.dma_semaphore, #tpu.memory_space<semaphore_mem>>
        %dma_start3A_415 = arith.constant 0 : i32
        %dma_start3A_416 = tpu.memref_slice %arg2[%add3A_86, %dma_start3A_415] : memref<12544x128xi32, #tpu.memory_space<hbm>> -> memref<8x128xi32, #tpu.memory_space<hbm>>
        %dma_start3A_417 = arith.constant 0 : i32
        %dma_start3A_418 = tpu.memref_slice %arg2[%add3A_86, %dma_start3A_417] : memref<12544x128xi32, #tpu.memory_space<hbm>> -> memref<8x128xi32, #tpu.memory_space<hbm>>
        tpu.enqueue_dma source(%dma_start3A_418 : memref<8x128xi32, #tpu.memory_space<hbm>>) target(%arg7 : memref<8x128xi32, #tpu.memory_space<vmem>>) target_semaphore(%run_scoped3A : memref<!tpu.dma_semaphore, #tpu.memory_space<semaphore_mem>>)
        %dma_wait3A_419 = arith.constant 0 : i32
        %dma_wait3A_420 = tpu.memref_slice %arg2[%add3A_86, %dma_wait3A_419] : memref<12544x128xi32, #tpu.memory_space<hbm>> -> memref<8x128xi32, #tpu.memory_space<hbm>>
        %dma_wait3A_421 = arith.constant 0 : i32
        %dma_wait3A_422 = tpu.memref_slice %arg2[%add3A_86, %dma_wait3A_421] : memref<12544x128xi32, #tpu.memory_space<hbm>> -> memref<8x128xi32, #tpu.memory_space<hbm>>
        tpu.wait_dma2 semaphore(%run_scoped3A : memref<!tpu.dma_semaphore, #tpu.memory_space<semaphore_mem>>) src(%dma_wait3A_422 : memref<8x128xi32, #tpu.memory_space<hbm>>) dst(%arg7 : memref<8x128xi32, #tpu.memory_space<vmem>>)
        tpu.yield
      }) : () -> ()
      "tpu.region"() ({
        %run_scoped3A = tpu.sem_alloc : memref<!tpu.dma_semaphore, #tpu.memory_space<semaphore_mem>>
        %dma_start3A_415 = arith.constant 0 : i32
        %dma_start3A_416 = tpu.memref_slice %arg3[%add3A_86, %dma_start3A_415] : memref<12544x128xi32, #tpu.memory_space<hbm>> -> memref<8x128xi32, #tpu.memory_space<hbm>>
        %dma_start3A_417 = arith.constant 0 : i32
        %dma_start3A_418 = tpu.memref_slice %arg3[%add3A_86, %dma_start3A_417] : memref<12544x128xi32, #tpu.memory_space<hbm>> -> memref<8x128xi32, #tpu.memory_space<hbm>>
        tpu.enqueue_dma source(%dma_start3A_418 : memref<8x128xi32, #tpu.memory_space<hbm>>) target(%arg8 : memref<8x128xi32, #tpu.memory_space<vmem>>) target_semaphore(%run_scoped3A : memref<!tpu.dma_semaphore, #tpu.memory_space<semaphore_mem>>)
        %dma_wait3A_419 = arith.constant 0 : i32
        %dma_wait3A_420 = tpu.memref_slice %arg3[%add3A_86, %dma_wait3A_419] : memref<12544x128xi32, #tpu.memory_space<hbm>> -> memref<8x128xi32, #tpu.memory_space<hbm>>
        %dma_wait3A_421 = arith.constant 0 : i32
        %dma_wait3A_422 = tpu.memref_slice %arg3[%add3A_86, %dma_wait3A_421] : memref<12544x128xi32, #tpu.memory_space<hbm>> -> memref<8x128xi32, #tpu.memory_space<hbm>>
        tpu.wait_dma2 semaphore(%run_scoped3A : memref<!tpu.dma_semaphore, #tpu.memory_space<semaphore_mem>>) src(%dma_wait3A_422 : memref<8x128xi32, #tpu.memory_space<hbm>>) dst(%arg8 : memref<8x128xi32, #tpu.memory_space<vmem>>)
        tpu.yield
      }) : () -> ()
      %mul3A_87 = arith.constant 128 : i32
      %mul3A_88 = arith.muli %add3A_86, %mul3A_87 : i32
      "tpu.region"() ({
        %run_scoped3A = tpu.sem_alloc : memref<!tpu.dma_semaphore, #tpu.memory_space<semaphore_mem>>
        %dma_start3A_415 = tpu.memref_slice %arg4[%mul3A_88] : memref<1605632xf32, #tpu.memory_space<hbm>> -> memref<1024xf32, #tpu.memory_space<hbm>>
        %dma_start3A_416 = tpu.memref_slice %arg4[%mul3A_88] : memref<1605632xf32, #tpu.memory_space<hbm>> -> memref<1024xf32, #tpu.memory_space<hbm>>
        tpu.enqueue_dma source(%dma_start3A_416 : memref<1024xf32, #tpu.memory_space<hbm>>) target(%arg9 : memref<1024xf32, #tpu.memory_space<vmem>>) target_semaphore(%run_scoped3A : memref<!tpu.dma_semaphore, #tpu.memory_space<semaphore_mem>>)
        %dma_wait3A_417 = tpu.memref_slice %arg4[%mul3A_88] : memref<1605632xf32, #tpu.memory_space<hbm>> -> memref<1024xf32, #tpu.memory_space<hbm>>
        %dma_wait3A_418 = tpu.memref_slice %arg4[%mul3A_88] : memref<1605632xf32, #tpu.memory_space<hbm>> -> memref<1024xf32, #tpu.memory_space<hbm>>
        tpu.wait_dma2 semaphore(%run_scoped3A : memref<!tpu.dma_semaphore, #tpu.memory_space<semaphore_mem>>) src(%dma_wait3A_418 : memref<1024xf32, #tpu.memory_space<hbm>>) dst(%arg9 : memref<1024xf32, #tpu.memory_space<vmem>>)
        tpu.yield
      }) : () -> ()
      %dma_start3A = arith.constant 0 : i32
      %dma_start3A_89 = arith.constant 0 : i32
      %dma_start3A_90 = arith.constant 0 : i32
      %dma_start3A_91 = tpu.memref_slice %arg10[%dma_start3A_89, %dma_start3A_90] : memref<1024x16xf32, #tpu.memory_space<vmem>> -> memref<128x16xf32, #tpu.memory_space<vmem>>
      %dma_start3A_92 = arith.constant 0 : i32
      %dma_start3A_93 = tpu.memref_slice %arg7[%dma_start3A, %dma_start3A_92] : memref<8x128xi32, #tpu.memory_space<vmem>> -> memref<1x128xi32, #tpu.memory_space<vmem>>
      %dma_start3A_94 = tpu.memref_squeeze %dma_start3A_93 : memref<1x128xi32, #tpu.memory_space<vmem>> -> memref<128xi32, #tpu.memory_space<vmem>>
      %dma_start3A_95 = arith.constant 0 : i32
      %dma_start3A_96 = arith.constant 0 : i32
      %dma_start3A_97 = tpu.memref_slice %arg5[%dma_start3A_95, %dma_start3A_96] : memref<100000x16xf32, #tpu.memory_space<hbm>> -> memref<100000x16xf32, #tpu.memory_space<hbm>>
      tpu.enqueue_indirect_dma source(%dma_start3A_97 : memref<100000x16xf32, #tpu.memory_space<hbm>>) target(%dma_start3A_91 : memref<128x16xf32, #tpu.memory_space<vmem>>) offsets(%dma_start3A_94 : memref<128xi32, #tpu.memory_space<vmem>>) semaphore(%arg12 : memref<!tpu.dma_semaphore, #tpu.memory_space<semaphore_mem>>)
      %dma_start3A_98 = arith.constant 1 : i32
      %dma_start3A_99 = arith.constant 128 : i32
      %dma_start3A_100 = arith.constant 0 : i32
      %dma_start3A_101 = tpu.memref_slice %arg10[%dma_start3A_99, %dma_start3A_100] : memref<1024x16xf32, #tpu.memory_space<vmem>> -> memref<128x16xf32, #tpu.memory_space<vmem>>
      %dma_start3A_102 = arith.constant 0 : i32
      %dma_start3A_103 = tpu.memref_slice %arg7[%dma_start3A_98, %dma_start3A_102] : memref<8x128xi32, #tpu.memory_space<vmem>> -> memref<1x128xi32, #tpu.memory_space<vmem>>
      %dma_start3A_104 = tpu.memref_squeeze %dma_start3A_103 : memref<1x128xi32, #tpu.memory_space<vmem>> -> memref<128xi32, #tpu.memory_space<vmem>>
      %dma_start3A_105 = arith.constant 0 : i32
      %dma_start3A_106 = arith.constant 0 : i32
      %dma_start3A_107 = tpu.memref_slice %arg5[%dma_start3A_105, %dma_start3A_106] : memref<100000x16xf32, #tpu.memory_space<hbm>> -> memref<100000x16xf32, #tpu.memory_space<hbm>>
      tpu.enqueue_indirect_dma source(%dma_start3A_107 : memref<100000x16xf32, #tpu.memory_space<hbm>>) target(%dma_start3A_101 : memref<128x16xf32, #tpu.memory_space<vmem>>) offsets(%dma_start3A_104 : memref<128xi32, #tpu.memory_space<vmem>>) semaphore(%arg12 : memref<!tpu.dma_semaphore, #tpu.memory_space<semaphore_mem>>)
      %dma_start3A_108 = arith.constant 2 : i32
      %dma_start3A_109 = arith.constant 256 : i32
      %dma_start3A_110 = arith.constant 0 : i32
      %dma_start3A_111 = tpu.memref_slice %arg10[%dma_start3A_109, %dma_start3A_110] : memref<1024x16xf32, #tpu.memory_space<vmem>> -> memref<128x16xf32, #tpu.memory_space<vmem>>
      %dma_start3A_112 = arith.constant 0 : i32
      %dma_start3A_113 = tpu.memref_slice %arg7[%dma_start3A_108, %dma_start3A_112] : memref<8x128xi32, #tpu.memory_space<vmem>> -> memref<1x128xi32, #tpu.memory_space<vmem>>
      %dma_start3A_114 = tpu.memref_squeeze %dma_start3A_113 : memref<1x128xi32, #tpu.memory_space<vmem>> -> memref<128xi32, #tpu.memory_space<vmem>>
      %dma_start3A_115 = arith.constant 0 : i32
      %dma_start3A_116 = arith.constant 0 : i32
      %dma_start3A_117 = tpu.memref_slice %arg5[%dma_start3A_115, %dma_start3A_116] : memref<100000x16xf32, #tpu.memory_space<hbm>> -> memref<100000x16xf32, #tpu.memory_space<hbm>>
      tpu.enqueue_indirect_dma source(%dma_start3A_117 : memref<100000x16xf32, #tpu.memory_space<hbm>>) target(%dma_start3A_111 : memref<128x16xf32, #tpu.memory_space<vmem>>) offsets(%dma_start3A_114 : memref<128xi32, #tpu.memory_space<vmem>>) semaphore(%arg12 : memref<!tpu.dma_semaphore, #tpu.memory_space<semaphore_mem>>)
      %dma_start3A_118 = arith.constant 3 : i32
      %dma_start3A_119 = arith.constant 384 : i32
      %dma_start3A_120 = arith.constant 0 : i32
      %dma_start3A_121 = tpu.memref_slice %arg10[%dma_start3A_119, %dma_start3A_120] : memref<1024x16xf32, #tpu.memory_space<vmem>> -> memref<128x16xf32, #tpu.memory_space<vmem>>
      %dma_start3A_122 = arith.constant 0 : i32
      %dma_start3A_123 = tpu.memref_slice %arg7[%dma_start3A_118, %dma_start3A_122] : memref<8x128xi32, #tpu.memory_space<vmem>> -> memref<1x128xi32, #tpu.memory_space<vmem>>
      %dma_start3A_124 = tpu.memref_squeeze %dma_start3A_123 : memref<1x128xi32, #tpu.memory_space<vmem>> -> memref<128xi32, #tpu.memory_space<vmem>>
      %dma_start3A_125 = arith.constant 0 : i32
      %dma_start3A_126 = arith.constant 0 : i32
      %dma_start3A_127 = tpu.memref_slice %arg5[%dma_start3A_125, %dma_start3A_126] : memref<100000x16xf32, #tpu.memory_space<hbm>> -> memref<100000x16xf32, #tpu.memory_space<hbm>>
      tpu.enqueue_indirect_dma source(%dma_start3A_127 : memref<100000x16xf32, #tpu.memory_space<hbm>>) target(%dma_start3A_121 : memref<128x16xf32, #tpu.memory_space<vmem>>) offsets(%dma_start3A_124 : memref<128xi32, #tpu.memory_space<vmem>>) semaphore(%arg12 : memref<!tpu.dma_semaphore, #tpu.memory_space<semaphore_mem>>)
      %dma_start3A_128 = arith.constant 4 : i32
      %dma_start3A_129 = arith.constant 512 : i32
      %dma_start3A_130 = arith.constant 0 : i32
      %dma_start3A_131 = tpu.memref_slice %arg10[%dma_start3A_129, %dma_start3A_130] : memref<1024x16xf32, #tpu.memory_space<vmem>> -> memref<128x16xf32, #tpu.memory_space<vmem>>
      %dma_start3A_132 = arith.constant 0 : i32
      %dma_start3A_133 = tpu.memref_slice %arg7[%dma_start3A_128, %dma_start3A_132] : memref<8x128xi32, #tpu.memory_space<vmem>> -> memref<1x128xi32, #tpu.memory_space<vmem>>
      %dma_start3A_134 = tpu.memref_squeeze %dma_start3A_133 : memref<1x128xi32, #tpu.memory_space<vmem>> -> memref<128xi32, #tpu.memory_space<vmem>>
      %dma_start3A_135 = arith.constant 0 : i32
      %dma_start3A_136 = arith.constant 0 : i32
      %dma_start3A_137 = tpu.memref_slice %arg5[%dma_start3A_135, %dma_start3A_136] : memref<100000x16xf32, #tpu.memory_space<hbm>> -> memref<100000x16xf32, #tpu.memory_space<hbm>>
      tpu.enqueue_indirect_dma source(%dma_start3A_137 : memref<100000x16xf32, #tpu.memory_space<hbm>>) target(%dma_start3A_131 : memref<128x16xf32, #tpu.memory_space<vmem>>) offsets(%dma_start3A_134 : memref<128xi32, #tpu.memory_space<vmem>>) semaphore(%arg12 : memref<!tpu.dma_semaphore, #tpu.memory_space<semaphore_mem>>)
      %dma_start3A_138 = arith.constant 5 : i32
      %dma_start3A_139 = arith.constant 640 : i32
      %dma_start3A_140 = arith.constant 0 : i32
      %dma_start3A_141 = tpu.memref_slice %arg10[%dma_start3A_139, %dma_start3A_140] : memref<1024x16xf32, #tpu.memory_space<vmem>> -> memref<128x16xf32, #tpu.memory_space<vmem>>
      %dma_start3A_142 = arith.constant 0 : i32
      %dma_start3A_143 = tpu.memref_slice %arg7[%dma_start3A_138, %dma_start3A_142] : memref<8x128xi32, #tpu.memory_space<vmem>> -> memref<1x128xi32, #tpu.memory_space<vmem>>
      %dma_start3A_144 = tpu.memref_squeeze %dma_start3A_143 : memref<1x128xi32, #tpu.memory_space<vmem>> -> memref<128xi32, #tpu.memory_space<vmem>>
      %dma_start3A_145 = arith.constant 0 : i32
      %dma_start3A_146 = arith.constant 0 : i32
      %dma_start3A_147 = tpu.memref_slice %arg5[%dma_start3A_145, %dma_start3A_146] : memref<100000x16xf32, #tpu.memory_space<hbm>> -> memref<100000x16xf32, #tpu.memory_space<hbm>>
      tpu.enqueue_indirect_dma source(%dma_start3A_147 : memref<100000x16xf32, #tpu.memory_space<hbm>>) target(%dma_start3A_141 : memref<128x16xf32, #tpu.memory_space<vmem>>) offsets(%dma_start3A_144 : memref<128xi32, #tpu.memory_space<vmem>>) semaphore(%arg12 : memref<!tpu.dma_semaphore, #tpu.memory_space<semaphore_mem>>)
      %dma_start3A_148 = arith.constant 6 : i32
      %dma_start3A_149 = arith.constant 768 : i32
      %dma_start3A_150 = arith.constant 0 : i32
      %dma_start3A_151 = tpu.memref_slice %arg10[%dma_start3A_149, %dma_start3A_150] : memref<1024x16xf32, #tpu.memory_space<vmem>> -> memref<128x16xf32, #tpu.memory_space<vmem>>
      %dma_start3A_152 = arith.constant 0 : i32
      %dma_start3A_153 = tpu.memref_slice %arg7[%dma_start3A_148, %dma_start3A_152] : memref<8x128xi32, #tpu.memory_space<vmem>> -> memref<1x128xi32, #tpu.memory_space<vmem>>
      %dma_start3A_154 = tpu.memref_squeeze %dma_start3A_153 : memref<1x128xi32, #tpu.memory_space<vmem>> -> memref<128xi32, #tpu.memory_space<vmem>>
      %dma_start3A_155 = arith.constant 0 : i32
      %dma_start3A_156 = arith.constant 0 : i32
      %dma_start3A_157 = tpu.memref_slice %arg5[%dma_start3A_155, %dma_start3A_156] : memref<100000x16xf32, #tpu.memory_space<hbm>> -> memref<100000x16xf32, #tpu.memory_space<hbm>>
      tpu.enqueue_indirect_dma source(%dma_start3A_157 : memref<100000x16xf32, #tpu.memory_space<hbm>>) target(%dma_start3A_151 : memref<128x16xf32, #tpu.memory_space<vmem>>) offsets(%dma_start3A_154 : memref<128xi32, #tpu.memory_space<vmem>>) semaphore(%arg12 : memref<!tpu.dma_semaphore, #tpu.memory_space<semaphore_mem>>)
      %dma_start3A_158 = arith.constant 7 : i32
      %dma_start3A_159 = arith.constant 896 : i32
      %dma_start3A_160 = arith.constant 0 : i32
      %dma_start3A_161 = tpu.memref_slice %arg10[%dma_start3A_159, %dma_start3A_160] : memref<1024x16xf32, #tpu.memory_space<vmem>> -> memref<128x16xf32, #tpu.memory_space<vmem>>
      %dma_start3A_162 = arith.constant 0 : i32
      %dma_start3A_163 = tpu.memref_slice %arg7[%dma_start3A_158, %dma_start3A_162] : memref<8x128xi32, #tpu.memory_space<vmem>> -> memref<1x128xi32, #tpu.memory_space<vmem>>
      %dma_start3A_164 = tpu.memref_squeeze %dma_start3A_163 : memref<1x128xi32, #tpu.memory_space<vmem>> -> memref<128xi32, #tpu.memory_space<vmem>>
      %dma_start3A_165 = arith.constant 0 : i32
      %dma_start3A_166 = arith.constant 0 : i32
      %dma_start3A_167 = tpu.memref_slice %arg5[%dma_start3A_165, %dma_start3A_166] : memref<100000x16xf32, #tpu.memory_space<hbm>> -> memref<100000x16xf32, #tpu.memory_space<hbm>>
      tpu.enqueue_indirect_dma source(%dma_start3A_167 : memref<100000x16xf32, #tpu.memory_space<hbm>>) target(%dma_start3A_161 : memref<128x16xf32, #tpu.memory_space<vmem>>) offsets(%dma_start3A_164 : memref<128xi32, #tpu.memory_space<vmem>>) semaphore(%arg12 : memref<!tpu.dma_semaphore, #tpu.memory_space<semaphore_mem>>)
      %dma_wait3A = arith.constant 0 : i32
      %dma_wait3A_168 = arith.constant 0 : i32
      %dma_wait3A_169 = arith.constant 0 : i32
      %dma_wait3A_170 = tpu.memref_slice %arg10[%dma_wait3A_168, %dma_wait3A_169] : memref<1024x16xf32, #tpu.memory_space<vmem>> -> memref<128x16xf32, #tpu.memory_space<vmem>>
      %dma_wait3A_171 = arith.constant 0 : i32
      %dma_wait3A_172 = tpu.memref_slice %arg7[%dma_wait3A, %dma_wait3A_171] : memref<8x128xi32, #tpu.memory_space<vmem>> -> memref<1x128xi32, #tpu.memory_space<vmem>>
      %dma_wait3A_173 = tpu.memref_squeeze %dma_wait3A_172 : memref<1x128xi32, #tpu.memory_space<vmem>> -> memref<128xi32, #tpu.memory_space<vmem>>
      %dma_wait3A_174 = arith.constant 0 : i32
      %dma_wait3A_175 = arith.constant 0 : i32
      %dma_wait3A_176 = tpu.memref_slice %arg5[%dma_wait3A_174, %dma_wait3A_175] : memref<100000x16xf32, #tpu.memory_space<hbm>> -> memref<100000x16xf32, #tpu.memory_space<hbm>>
      tpu.wait_indirect_dma semaphore(%arg12 : memref<!tpu.dma_semaphore, #tpu.memory_space<semaphore_mem>>) src(%dma_wait3A_176 : memref<100000x16xf32, #tpu.memory_space<hbm>>) dst(%dma_wait3A_170 : memref<128x16xf32, #tpu.memory_space<vmem>>)
      %dma_wait3A_177 = arith.constant 1 : i32
      %dma_wait3A_178 = arith.constant 128 : i32
      %dma_wait3A_179 = arith.constant 0 : i32
      %dma_wait3A_180 = tpu.memref_slice %arg10[%dma_wait3A_178, %dma_wait3A_179] : memref<1024x16xf32, #tpu.memory_space<vmem>> -> memref<128x16xf32, #tpu.memory_space<vmem>>
      %dma_wait3A_181 = arith.constant 0 : i32
      %dma_wait3A_182 = tpu.memref_slice %arg7[%dma_wait3A_177, %dma_wait3A_181] : memref<8x128xi32, #tpu.memory_space<vmem>> -> memref<1x128xi32, #tpu.memory_space<vmem>>
      %dma_wait3A_183 = tpu.memref_squeeze %dma_wait3A_182 : memref<1x128xi32, #tpu.memory_space<vmem>> -> memref<128xi32, #tpu.memory_space<vmem>>
      %dma_wait3A_184 = arith.constant 0 : i32
      %dma_wait3A_185 = arith.constant 0 : i32
      %dma_wait3A_186 = tpu.memref_slice %arg5[%dma_wait3A_184, %dma_wait3A_185] : memref<100000x16xf32, #tpu.memory_space<hbm>> -> memref<100000x16xf32, #tpu.memory_space<hbm>>
      tpu.wait_indirect_dma semaphore(%arg12 : memref<!tpu.dma_semaphore, #tpu.memory_space<semaphore_mem>>) src(%dma_wait3A_186 : memref<100000x16xf32, #tpu.memory_space<hbm>>) dst(%dma_wait3A_180 : memref<128x16xf32, #tpu.memory_space<vmem>>)
      %dma_wait3A_187 = arith.constant 2 : i32
      %dma_wait3A_188 = arith.constant 256 : i32
      %dma_wait3A_189 = arith.constant 0 : i32
      %dma_wait3A_190 = tpu.memref_slice %arg10[%dma_wait3A_188, %dma_wait3A_189] : memref<1024x16xf32, #tpu.memory_space<vmem>> -> memref<128x16xf32, #tpu.memory_space<vmem>>
      %dma_wait3A_191 = arith.constant 0 : i32
      %dma_wait3A_192 = tpu.memref_slice %arg7[%dma_wait3A_187, %dma_wait3A_191] : memref<8x128xi32, #tpu.memory_space<vmem>> -> memref<1x128xi32, #tpu.memory_space<vmem>>
      %dma_wait3A_193 = tpu.memref_squeeze %dma_wait3A_192 : memref<1x128xi32, #tpu.memory_space<vmem>> -> memref<128xi32, #tpu.memory_space<vmem>>
      %dma_wait3A_194 = arith.constant 0 : i32
      %dma_wait3A_195 = arith.constant 0 : i32
      %dma_wait3A_196 = tpu.memref_slice %arg5[%dma_wait3A_194, %dma_wait3A_195] : memref<100000x16xf32, #tpu.memory_space<hbm>> -> memref<100000x16xf32, #tpu.memory_space<hbm>>
      tpu.wait_indirect_dma semaphore(%arg12 : memref<!tpu.dma_semaphore, #tpu.memory_space<semaphore_mem>>) src(%dma_wait3A_196 : memref<100000x16xf32, #tpu.memory_space<hbm>>) dst(%dma_wait3A_190 : memref<128x16xf32, #tpu.memory_space<vmem>>)
      %dma_wait3A_197 = arith.constant 3 : i32
      %dma_wait3A_198 = arith.constant 384 : i32
      %dma_wait3A_199 = arith.constant 0 : i32
      %dma_wait3A_200 = tpu.memref_slice %arg10[%dma_wait3A_198, %dma_wait3A_199] : memref<1024x16xf32, #tpu.memory_space<vmem>> -> memref<128x16xf32, #tpu.memory_space<vmem>>
      %dma_wait3A_201 = arith.constant 0 : i32
      %dma_wait3A_202 = tpu.memref_slice %arg7[%dma_wait3A_197, %dma_wait3A_201] : memref<8x128xi32, #tpu.memory_space<vmem>> -> memref<1x128xi32, #tpu.memory_space<vmem>>
      %dma_wait3A_203 = tpu.memref_squeeze %dma_wait3A_202 : memref<1x128xi32, #tpu.memory_space<vmem>> -> memref<128xi32, #tpu.memory_space<vmem>>
      %dma_wait3A_204 = arith.constant 0 : i32
      %dma_wait3A_205 = arith.constant 0 : i32
      %dma_wait3A_206 = tpu.memref_slice %arg5[%dma_wait3A_204, %dma_wait3A_205] : memref<100000x16xf32, #tpu.memory_space<hbm>> -> memref<100000x16xf32, #tpu.memory_space<hbm>>
      tpu.wait_indirect_dma semaphore(%arg12 : memref<!tpu.dma_semaphore, #tpu.memory_space<semaphore_mem>>) src(%dma_wait3A_206 : memref<100000x16xf32, #tpu.memory_space<hbm>>) dst(%dma_wait3A_200 : memref<128x16xf32, #tpu.memory_space<vmem>>)
      %dma_wait3A_207 = arith.constant 4 : i32
      %dma_wait3A_208 = arith.constant 512 : i32
      %dma_wait3A_209 = arith.constant 0 : i32
      %dma_wait3A_210 = tpu.memref_slice %arg10[%dma_wait3A_208, %dma_wait3A_209] : memref<1024x16xf32, #tpu.memory_space<vmem>> -> memref<128x16xf32, #tpu.memory_space<vmem>>
      %dma_wait3A_211 = arith.constant 0 : i32
      %dma_wait3A_212 = tpu.memref_slice %arg7[%dma_wait3A_207, %dma_wait3A_211] : memref<8x128xi32, #tpu.memory_space<vmem>> -> memref<1x128xi32, #tpu.memory_space<vmem>>
      %dma_wait3A_213 = tpu.memref_squeeze %dma_wait3A_212 : memref<1x128xi32, #tpu.memory_space<vmem>> -> memref<128xi32, #tpu.memory_space<vmem>>
      %dma_wait3A_214 = arith.constant 0 : i32
      %dma_wait3A_215 = arith.constant 0 : i32
      %dma_wait3A_216 = tpu.memref_slice %arg5[%dma_wait3A_214, %dma_wait3A_215] : memref<100000x16xf32, #tpu.memory_space<hbm>> -> memref<100000x16xf32, #tpu.memory_space<hbm>>
      tpu.wait_indirect_dma semaphore(%arg12 : memref<!tpu.dma_semaphore, #tpu.memory_space<semaphore_mem>>) src(%dma_wait3A_216 : memref<100000x16xf32, #tpu.memory_space<hbm>>) dst(%dma_wait3A_210 : memref<128x16xf32, #tpu.memory_space<vmem>>)
      %dma_wait3A_217 = arith.constant 5 : i32
      %dma_wait3A_218 = arith.constant 640 : i32
      %dma_wait3A_219 = arith.constant 0 : i32
      %dma_wait3A_220 = tpu.memref_slice %arg10[%dma_wait3A_218, %dma_wait3A_219] : memref<1024x16xf32, #tpu.memory_space<vmem>> -> memref<128x16xf32, #tpu.memory_space<vmem>>
      %dma_wait3A_221 = arith.constant 0 : i32
      %dma_wait3A_222 = tpu.memref_slice %arg7[%dma_wait3A_217, %dma_wait3A_221] : memref<8x128xi32, #tpu.memory_space<vmem>> -> memref<1x128xi32, #tpu.memory_space<vmem>>
      %dma_wait3A_223 = tpu.memref_squeeze %dma_wait3A_222 : memref<1x128xi32, #tpu.memory_space<vmem>> -> memref<128xi32, #tpu.memory_space<vmem>>
      %dma_wait3A_224 = arith.constant 0 : i32
      %dma_wait3A_225 = arith.constant 0 : i32
      %dma_wait3A_226 = tpu.memref_slice %arg5[%dma_wait3A_224, %dma_wait3A_225] : memref<100000x16xf32, #tpu.memory_space<hbm>> -> memref<100000x16xf32, #tpu.memory_space<hbm>>
      tpu.wait_indirect_dma semaphore(%arg12 : memref<!tpu.dma_semaphore, #tpu.memory_space<semaphore_mem>>) src(%dma_wait3A_226 : memref<100000x16xf32, #tpu.memory_space<hbm>>) dst(%dma_wait3A_220 : memref<128x16xf32, #tpu.memory_space<vmem>>)
      %dma_wait3A_227 = arith.constant 6 : i32
      %dma_wait3A_228 = arith.constant 768 : i32
      %dma_wait3A_229 = arith.constant 0 : i32
      %dma_wait3A_230 = tpu.memref_slice %arg10[%dma_wait3A_228, %dma_wait3A_229] : memref<1024x16xf32, #tpu.memory_space<vmem>> -> memref<128x16xf32, #tpu.memory_space<vmem>>
      %dma_wait3A_231 = arith.constant 0 : i32
      %dma_wait3A_232 = tpu.memref_slice %arg7[%dma_wait3A_227, %dma_wait3A_231] : memref<8x128xi32, #tpu.memory_space<vmem>> -> memref<1x128xi32, #tpu.memory_space<vmem>>
      %dma_wait3A_233 = tpu.memref_squeeze %dma_wait3A_232 : memref<1x128xi32, #tpu.memory_space<vmem>> -> memref<128xi32, #tpu.memory_space<vmem>>
      %dma_wait3A_234 = arith.constant 0 : i32
      %dma_wait3A_235 = arith.constant 0 : i32
      %dma_wait3A_236 = tpu.memref_slice %arg5[%dma_wait3A_234, %dma_wait3A_235] : memref<100000x16xf32, #tpu.memory_space<hbm>> -> memref<100000x16xf32, #tpu.memory_space<hbm>>
      tpu.wait_indirect_dma semaphore(%arg12 : memref<!tpu.dma_semaphore, #tpu.memory_space<semaphore_mem>>) src(%dma_wait3A_236 : memref<100000x16xf32, #tpu.memory_space<hbm>>) dst(%dma_wait3A_230 : memref<128x16xf32, #tpu.memory_space<vmem>>)
      %dma_wait3A_237 = arith.constant 7 : i32
      %dma_wait3A_238 = arith.constant 896 : i32
      %dma_wait3A_239 = arith.constant 0 : i32
      %dma_wait3A_240 = tpu.memref_slice %arg10[%dma_wait3A_238, %dma_wait3A_239] : memref<1024x16xf32, #tpu.memory_space<vmem>> -> memref<128x16xf32, #tpu.memory_space<vmem>>
      %dma_wait3A_241 = arith.constant 0 : i32
      %dma_wait3A_242 = tpu.memref_slice %arg7[%dma_wait3A_237, %dma_wait3A_241] : memref<8x128xi32, #tpu.memory_space<vmem>> -> memref<1x128xi32, #tpu.memory_space<vmem>>
      %dma_wait3A_243 = tpu.memref_squeeze %dma_wait3A_242 : memref<1x128xi32, #tpu.memory_space<vmem>> -> memref<128xi32, #tpu.memory_space<vmem>>
      %dma_wait3A_244 = arith.constant 0 : i32
      %dma_wait3A_245 = arith.constant 0 : i32
      %dma_wait3A_246 = tpu.memref_slice %arg5[%dma_wait3A_244, %dma_wait3A_245] : memref<100000x16xf32, #tpu.memory_space<hbm>> -> memref<100000x16xf32, #tpu.memory_space<hbm>>
      tpu.wait_indirect_dma semaphore(%arg12 : memref<!tpu.dma_semaphore, #tpu.memory_space<semaphore_mem>>) src(%dma_wait3A_246 : memref<100000x16xf32, #tpu.memory_space<hbm>>) dst(%dma_wait3A_240 : memref<128x16xf32, #tpu.memory_space<vmem>>)
      %scan3A_247 = arith.constant 0 : i32
      %scan3A_248 = arith.constant 0 : i32
      %scan3A_249 = arith.constant 64 : i32
      %scan3A_250 = arith.addi %scan3A_248, %scan3A_249 : i32
      %scan3A_251 = arith.constant 1 : i32
      %scan3A_252 = scf.for %scan3A_415 = %scan3A_248 to %scan3A_250 step %scan3A_251 iter_args(%scan3A_416 = %scan3A_247) -> (i32)  : i32 {
        %mul3A_417 = arith.constant 16 : i32
        %mul3A_418 = arith.muli %scan3A_415, %mul3A_417 : i32
        %get3A = arith.index_cast %mul3A_418 : i32 to index
        %get3A_419 = tpu.vector_load %arg9[%get3A] {strides = array<i32>} : memref<1024xf32, #tpu.memory_space<vmem>>, vector<16xf32>,
        %get3A_420 = vector.shape_cast %get3A_419 : vector<16xf32> to vector<16xf32>
        %mul3A_421 = arith.constant 16 : i32
        %mul3A_422 = arith.muli %scan3A_415, %mul3A_421 : i32
        %add3A_423 = arith.constant 0 : i32
        %add3A_424 = arith.addi %mul3A_422, %add3A_423 : i32
        %get3A_425 = arith.index_cast %add3A_424 : i32 to index
        %get3A_426 = arith.constant 0 : index
        %get3A_427 = tpu.vector_load %arg10[%get3A_425, %get3A_426] {strides = array<i32>} : memref<1024x16xf32, #tpu.memory_space<vmem>>, vector<1x16xf32>,
        %get3A_428 = vector.shape_cast %get3A_427 : vector<1x16xf32> to vector<16xf32>
        %slice3A = vector.extract_strided_slice %get3A_420 {offsets = [0], sizes = [1], strides = [1]} : vector<16xf32> to vector<1xf32>
        %squeeze3A = vector.extract %slice3A[0] : f32 from vector<1xf32>
        %mul3A_429 = vector.broadcast %squeeze3A : f32 to vector<16xf32>
        %mul3A_430 = arith.mulf %get3A_428, %mul3A_429 : vector<16xf32>
        %swap3A = arith.index_cast %add3A_424 : i32 to index
        %swap3A_431 = arith.constant 0 : index
        %swap3A_432 = tpu.vector_load %arg10[%swap3A, %swap3A_431] {strides = array<i32>} : memref<1024x16xf32, #tpu.memory_space<vmem>>, vector<1x16xf32>,
        %swap3A_433 = vector.shape_cast %swap3A_432 : vector<1x16xf32> to vector<16xf32>
        %swap3A_434 = vector.shape_cast %mul3A_430 : vector<16xf32> to vector<1x16xf32>
        tpu.vector_store %arg10[%swap3A, %swap3A_431], %swap3A_434 {strides = array<i32>} : memref<1024x16xf32, #tpu.memory_space<vmem>>, vector<1x16xf32>,
        %mul3A_435 = arith.constant 16 : i32
        %mul3A_436 = arith.muli %scan3A_415, %mul3A_435 : i32
        %add3A_437 = arith.constant 1 : i32
        %add3A_438 = arith.addi %mul3A_436, %add3A_437 : i32
        %get3A_439 = arith.index_cast %add3A_438 : i32 to index
        %get3A_440 = arith.constant 0 : index
        %get3A_441 = tpu.vector_load %arg10[%get3A_439, %get3A_440] {strides = array<i32>} : memref<1024x16xf32, #tpu.memory_space<vmem>>, vector<1x16xf32>,
        %get3A_442 = vector.shape_cast %get3A_441 : vector<1x16xf32> to vector<16xf32>
        %slice3A_443 = vector.extract_strided_slice %get3A_420 {offsets = [1], sizes = [1], strides = [1]} : vector<16xf32> to vector<1xf32>
        %squeeze3A_444 = vector.extract %slice3A_443[0] : f32 from vector<1xf32>
        %mul3A_445 = vector.broadcast %squeeze3A_444 : f32 to vector<16xf32>
        %mul3A_446 = arith.mulf %get3A_442, %mul3A_445 : vector<16xf32>
        %swap3A_447 = arith.index_cast %add3A_438 : i32 to index
        %swap3A_448 = arith.constant 0 : index
        %swap3A_449 = tpu.vector_load %arg10[%swap3A_447, %swap3A_448] {strides = array<i32>} : memref<1024x16xf32, #tpu.memory_space<vmem>>, vector<1x16xf32>,
        %swap3A_450 = vector.shape_cast %swap3A_449 : vector<1x16xf32> to vector<16xf32>
        %swap3A_451 = vector.shape_cast %mul3A_446 : vector<16xf32> to vector<1x16xf32>
        tpu.vector_store %arg10[%swap3A_447, %swap3A_448], %swap3A_451 {strides = array<i32>} : memref<1024x16xf32, #tpu.memory_space<vmem>>, vector<1x16xf32>,
        %mul3A_452 = arith.constant 16 : i32
        %mul3A_453 = arith.muli %scan3A_415, %mul3A_452 : i32
        %add3A_454 = arith.constant 2 : i32
        %add3A_455 = arith.addi %mul3A_453, %add3A_454 : i32
        %get3A_456 = arith.index_cast %add3A_455 : i32 to index
        %get3A_457 = arith.constant 0 : index
        %get3A_458 = tpu.vector_load %arg10[%get3A_456, %get3A_457] {strides = array<i32>} : memref<1024x16xf32, #tpu.memory_space<vmem>>, vector<1x16xf32>,
        %get3A_459 = vector.shape_cast %get3A_458 : vector<1x16xf32> to vector<16xf32>
        %slice3A_460 = vector.extract_strided_slice %get3A_420 {offsets = [2], sizes = [1], strides = [1]} : vector<16xf32> to vector<1xf32>
        %squeeze3A_461 = vector.extract %slice3A_460[0] : f32 from vector<1xf32>
        %mul3A_462 = vector.broadcast %squeeze3A_461 : f32 to vector<16xf32>
        %mul3A_463 = arith.mulf %get3A_459, %mul3A_462 : vector<16xf32>
        %swap3A_464 = arith.index_cast %add3A_455 : i32 to index
        %swap3A_465 = arith.constant 0 : index
        %swap3A_466 = tpu.vector_load %arg10[%swap3A_464, %swap3A_465] {strides = array<i32>} : memref<1024x16xf32, #tpu.memory_space<vmem>>, vector<1x16xf32>,
        %swap3A_467 = vector.shape_cast %swap3A_466 : vector<1x16xf32> to vector<16xf32>
        %swap3A_468 = vector.shape_cast %mul3A_463 : vector<16xf32> to vector<1x16xf32>
        tpu.vector_store %arg10[%swap3A_464, %swap3A_465], %swap3A_468 {strides = array<i32>} : memref<1024x16xf32, #tpu.memory_space<vmem>>, vector<1x16xf32>,
        %mul3A_469 = arith.constant 16 : i32
        %mul3A_470 = arith.muli %scan3A_415, %mul3A_469 : i32
        %add3A_471 = arith.constant 3 : i32
        %add3A_472 = arith.addi %mul3A_470, %add3A_471 : i32
        %get3A_473 = arith.index_cast %add3A_472 : i32 to index
        %get3A_474 = arith.constant 0 : index
        %get3A_475 = tpu.vector_load %arg10[%get3A_473, %get3A_474] {strides = array<i32>} : memref<1024x16xf32, #tpu.memory_space<vmem>>, vector<1x16xf32>,
        %get3A_476 = vector.shape_cast %get3A_475 : vector<1x16xf32> to vector<16xf32>
        %slice3A_477 = vector.extract_strided_slice %get3A_420 {offsets = [3], sizes = [1], strides = [1]} : vector<16xf32> to vector<1xf32>
        %squeeze3A_478 = vector.extract %slice3A_477[0] : f32 from vector<1xf32>
        %mul3A_479 = vector.broadcast %squeeze3A_478 : f32 to vector<16xf32>
        %mul3A_480 = arith.mulf %get3A_476, %mul3A_479 : vector<16xf32>
        %swap3A_481 = arith.index_cast %add3A_472 : i32 to index
        %swap3A_482 = arith.constant 0 : index
        %swap3A_483 = tpu.vector_load %arg10[%swap3A_481, %swap3A_482] {strides = array<i32>} : memref<1024x16xf32, #tpu.memory_space<vmem>>, vector<1x16xf32>,
        %swap3A_484 = vector.shape_cast %swap3A_483 : vector<1x16xf32> to vector<16xf32>
        %swap3A_485 = vector.shape_cast %mul3A_480 : vector<16xf32> to vector<1x16xf32>
        tpu.vector_store %arg10[%swap3A_481, %swap3A_482], %swap3A_485 {strides = array<i32>} : memref<1024x16xf32, #tpu.memory_space<vmem>>, vector<1x16xf32>,
        %mul3A_486 = arith.constant 16 : i32
        %mul3A_487 = arith.muli %scan3A_415, %mul3A_486 : i32
        %add3A_488 = arith.constant 4 : i32
        %add3A_489 = arith.addi %mul3A_487, %add3A_488 : i32
        %get3A_490 = arith.index_cast %add3A_489 : i32 to index
        %get3A_491 = arith.constant 0 : index
        %get3A_492 = tpu.vector_load %arg10[%get3A_490, %get3A_491] {strides = array<i32>} : memref<1024x16xf32, #tpu.memory_space<vmem>>, vector<1x16xf32>,
        %get3A_493 = vector.shape_cast %get3A_492 : vector<1x16xf32> to vector<16xf32>
        %slice3A_494 = vector.extract_strided_slice %get3A_420 {offsets = [4], sizes = [1], strides = [1]} : vector<16xf32> to vector<1xf32>
        %squeeze3A_495 = vector.extract %slice3A_494[0] : f32 from vector<1xf32>
        %mul3A_496 = vector.broadcast %squeeze3A_495 : f32 to vector<16xf32>
        %mul3A_497 = arith.mulf %get3A_493, %mul3A_496 : vector<16xf32>
        %swap3A_498 = arith.index_cast %add3A_489 : i32 to index
        %swap3A_499 = arith.constant 0 : index
        %swap3A_500 = tpu.vector_load %arg10[%swap3A_498, %swap3A_499] {strides = array<i32>} : memref<1024x16xf32, #tpu.memory_space<vmem>>, vector<1x16xf32>,
        %swap3A_501 = vector.shape_cast %swap3A_500 : vector<1x16xf32> to vector<16xf32>
        %swap3A_502 = vector.shape_cast %mul3A_497 : vector<16xf32> to vector<1x16xf32>
        tpu.vector_store %arg10[%swap3A_498, %swap3A_499], %swap3A_502 {strides = array<i32>} : memref<1024x16xf32, #tpu.memory_space<vmem>>, vector<1x16xf32>,
        %mul3A_503 = arith.constant 16 : i32
        %mul3A_504 = arith.muli %scan3A_415, %mul3A_503 : i32
        %add3A_505 = arith.constant 5 : i32
        %add3A_506 = arith.addi %mul3A_504, %add3A_505 : i32
        %get3A_507 = arith.index_cast %add3A_506 : i32 to index
        %get3A_508 = arith.constant 0 : index
        %get3A_509 = tpu.vector_load %arg10[%get3A_507, %get3A_508] {strides = array<i32>} : memref<1024x16xf32, #tpu.memory_space<vmem>>, vector<1x16xf32>,
        %get3A_510 = vector.shape_cast %get3A_509 : vector<1x16xf32> to vector<16xf32>
        %slice3A_511 = vector.extract_strided_slice %get3A_420 {offsets = [5], sizes = [1], strides = [1]} : vector<16xf32> to vector<1xf32>
        %squeeze3A_512 = vector.extract %slice3A_511[0] : f32 from vector<1xf32>
        %mul3A_513 = vector.broadcast %squeeze3A_512 : f32 to vector<16xf32>
        %mul3A_514 = arith.mulf %get3A_510, %mul3A_513 : vector<16xf32>
        %swap3A_515 = arith.index_cast %add3A_506 : i32 to index
        %swap3A_516 = arith.constant 0 : index
        %swap3A_517 = tpu.vector_load %arg10[%swap3A_515, %swap3A_516] {strides = array<i32>} : memref<1024x16xf32, #tpu.memory_space<vmem>>, vector<1x16xf32>,
        %swap3A_518 = vector.shape_cast %swap3A_517 : vector<1x16xf32> to vector<16xf32>
        %swap3A_519 = vector.shape_cast %mul3A_514 : vector<16xf32> to vector<1x16xf32>
        tpu.vector_store %arg10[%swap3A_515, %swap3A_516], %swap3A_519 {strides = array<i32>} : memref<1024x16xf32, #tpu.memory_space<vmem>>, vector<1x16xf32>,
        %mul3A_520 = arith.constant 16 : i32
        %mul3A_521 = arith.muli %scan3A_415, %mul3A_520 : i32
        %add3A_522 = arith.constant 6 : i32
        %add3A_523 = arith.addi %mul3A_521, %add3A_522 : i32
        %get3A_524 = arith.index_cast %add3A_523 : i32 to index
        %get3A_525 = arith.constant 0 : index
        %get3A_526 = tpu.vector_load %arg10[%get3A_524, %get3A_525] {strides = array<i32>} : memref<1024x16xf32, #tpu.memory_space<vmem>>, vector<1x16xf32>,
        %get3A_527 = vector.shape_cast %get3A_526 : vector<1x16xf32> to vector<16xf32>
        %slice3A_528 = vector.extract_strided_slice %get3A_420 {offsets = [6], sizes = [1], strides = [1]} : vector<16xf32> to vector<1xf32>
        %squeeze3A_529 = vector.extract %slice3A_528[0] : f32 from vector<1xf32>
        %mul3A_530 = vector.broadcast %squeeze3A_529 : f32 to vector<16xf32>
        %mul3A_531 = arith.mulf %get3A_527, %mul3A_530 : vector<16xf32>
        %swap3A_532 = arith.index_cast %add3A_523 : i32 to index
        %swap3A_533 = arith.constant 0 : index
        %swap3A_534 = tpu.vector_load %arg10[%swap3A_532, %swap3A_533] {strides = array<i32>} : memref<1024x16xf32, #tpu.memory_space<vmem>>, vector<1x16xf32>,
        %swap3A_535 = vector.shape_cast %swap3A_534 : vector<1x16xf32> to vector<16xf32>
        %swap3A_536 = vector.shape_cast %mul3A_531 : vector<16xf32> to vector<1x16xf32>
        tpu.vector_store %arg10[%swap3A_532, %swap3A_533], %swap3A_536 {strides = array<i32>} : memref<1024x16xf32, #tpu.memory_space<vmem>>, vector<1x16xf32>,
        %mul3A_537 = arith.constant 16 : i32
        %mul3A_538 = arith.muli %scan3A_415, %mul3A_537 : i32
        %add3A_539 = arith.constant 7 : i32
        %add3A_540 = arith.addi %mul3A_538, %add3A_539 : i32
        %get3A_541 = arith.index_cast %add3A_540 : i32 to index
        %get3A_542 = arith.constant 0 : index
        %get3A_543 = tpu.vector_load %arg10[%get3A_541, %get3A_542] {strides = array<i32>} : memref<1024x16xf32, #tpu.memory_space<vmem>>, vector<1x16xf32>,
        %get3A_544 = vector.shape_cast %get3A_543 : vector<1x16xf32> to vector<16xf32>
        %slice3A_545 = vector.extract_strided_slice %get3A_420 {offsets = [7], sizes = [1], strides = [1]} : vector<16xf32> to vector<1xf32>
        %squeeze3A_546 = vector.extract %slice3A_545[0] : f32 from vector<1xf32>
        %mul3A_547 = vector.broadcast %squeeze3A_546 : f32 to vector<16xf32>
        %mul3A_548 = arith.mulf %get3A_544, %mul3A_547 : vector<16xf32>
        %swap3A_549 = arith.index_cast %add3A_540 : i32 to index
        %swap3A_550 = arith.constant 0 : index
        %swap3A_551 = tpu.vector_load %arg10[%swap3A_549, %swap3A_550] {strides = array<i32>} : memref<1024x16xf32, #tpu.memory_space<vmem>>, vector<1x16xf32>,
        %swap3A_552 = vector.shape_cast %swap3A_551 : vector<1x16xf32> to vector<16xf32>
        %swap3A_553 = vector.shape_cast %mul3A_548 : vector<16xf32> to vector<1x16xf32>
        tpu.vector_store %arg10[%swap3A_549, %swap3A_550], %swap3A_553 {strides = array<i32>} : memref<1024x16xf32, #tpu.memory_space<vmem>>, vector<1x16xf32>,
        %mul3A_554 = arith.constant 16 : i32
        %mul3A_555 = arith.muli %scan3A_415, %mul3A_554 : i32
        %add3A_556 = arith.constant 8 : i32
        %add3A_557 = arith.addi %mul3A_555, %add3A_556 : i32
        %get3A_558 = arith.index_cast %add3A_557 : i32 to index
        %get3A_559 = arith.constant 0 : index
        %get3A_560 = tpu.vector_load %arg10[%get3A_558, %get3A_559] {strides = array<i32>} : memref<1024x16xf32, #tpu.memory_space<vmem>>, vector<1x16xf32>,
        %get3A_561 = vector.shape_cast %get3A_560 : vector<1x16xf32> to vector<16xf32>
        %slice3A_562 = vector.extract_strided_slice %get3A_420 {offsets = [8], sizes = [1], strides = [1]} : vector<16xf32> to vector<1xf32>
        %squeeze3A_563 = vector.extract %slice3A_562[0] : f32 from vector<1xf32>
        %mul3A_564 = vector.broadcast %squeeze3A_563 : f32 to vector<16xf32>
        %mul3A_565 = arith.mulf %get3A_561, %mul3A_564 : vector<16xf32>
        %swap3A_566 = arith.index_cast %add3A_557 : i32 to index
        %swap3A_567 = arith.constant 0 : index
        %swap3A_568 = tpu.vector_load %arg10[%swap3A_566, %swap3A_567] {strides = array<i32>} : memref<1024x16xf32, #tpu.memory_space<vmem>>, vector<1x16xf32>,
        %swap3A_569 = vector.shape_cast %swap3A_568 : vector<1x16xf32> to vector<16xf32>
        %swap3A_570 = vector.shape_cast %mul3A_565 : vector<16xf32> to vector<1x16xf32>
        tpu.vector_store %arg10[%swap3A_566, %swap3A_567], %swap3A_570 {strides = array<i32>} : memref<1024x16xf32, #tpu.memory_space<vmem>>, vector<1x16xf32>,
        %mul3A_571 = arith.constant 16 : i32
        %mul3A_572 = arith.muli %scan3A_415, %mul3A_571 : i32
        %add3A_573 = arith.constant 9 : i32
        %add3A_574 = arith.addi %mul3A_572, %add3A_573 : i32
        %get3A_575 = arith.index_cast %add3A_574 : i32 to index
        %get3A_576 = arith.constant 0 : index
        %get3A_577 = tpu.vector_load %arg10[%get3A_575, %get3A_576] {strides = array<i32>} : memref<1024x16xf32, #tpu.memory_space<vmem>>, vector<1x16xf32>,
        %get3A_578 = vector.shape_cast %get3A_577 : vector<1x16xf32> to vector<16xf32>
        %slice3A_579 = vector.extract_strided_slice %get3A_420 {offsets = [9], sizes = [1], strides = [1]} : vector<16xf32> to vector<1xf32>
        %squeeze3A_580 = vector.extract %slice3A_579[0] : f32 from vector<1xf32>
        %mul3A_581 = vector.broadcast %squeeze3A_580 : f32 to vector<16xf32>
        %mul3A_582 = arith.mulf %get3A_578, %mul3A_581 : vector<16xf32>
        %swap3A_583 = arith.index_cast %add3A_574 : i32 to index
        %swap3A_584 = arith.constant 0 : index
        %swap3A_585 = tpu.vector_load %arg10[%swap3A_583, %swap3A_584] {strides = array<i32>} : memref<1024x16xf32, #tpu.memory_space<vmem>>, vector<1x16xf32>,
        %swap3A_586 = vector.shape_cast %swap3A_585 : vector<1x16xf32> to vector<16xf32>
        %swap3A_587 = vector.shape_cast %mul3A_582 : vector<16xf32> to vector<1x16xf32>
        tpu.vector_store %arg10[%swap3A_583, %swap3A_584], %swap3A_587 {strides = array<i32>} : memref<1024x16xf32, #tpu.memory_space<vmem>>, vector<1x16xf32>,
        %mul3A_588 = arith.constant 16 : i32
        %mul3A_589 = arith.muli %scan3A_415, %mul3A_588 : i32
        %add3A_590 = arith.constant 10 : i32
        %add3A_591 = arith.addi %mul3A_589, %add3A_590 : i32
        %get3A_592 = arith.index_cast %add3A_591 : i32 to index
        %get3A_593 = arith.constant 0 : index
        %get3A_594 = tpu.vector_load %arg10[%get3A_592, %get3A_593] {strides = array<i32>} : memref<1024x16xf32, #tpu.memory_space<vmem>>, vector<1x16xf32>,
        %get3A_595 = vector.shape_cast %get3A_594 : vector<1x16xf32> to vector<16xf32>
        %slice3A_596 = vector.extract_strided_slice %get3A_420 {offsets = [10], sizes = [1], strides = [1]} : vector<16xf32> to vector<1xf32>
        %squeeze3A_597 = vector.extract %slice3A_596[0] : f32 from vector<1xf32>
        %mul3A_598 = vector.broadcast %squeeze3A_597 : f32 to vector<16xf32>
        %mul3A_599 = arith.mulf %get3A_595, %mul3A_598 : vector<16xf32>
        %swap3A_600 = arith.index_cast %add3A_591 : i32 to index
        %swap3A_601 = arith.constant 0 : index
        %swap3A_602 = tpu.vector_load %arg10[%swap3A_600, %swap3A_601] {strides = array<i32>} : memref<1024x16xf32, #tpu.memory_space<vmem>>, vector<1x16xf32>,
        %swap3A_603 = vector.shape_cast %swap3A_602 : vector<1x16xf32> to vector<16xf32>
        %swap3A_604 = vector.shape_cast %mul3A_599 : vector<16xf32> to vector<1x16xf32>
        tpu.vector_store %arg10[%swap3A_600, %swap3A_601], %swap3A_604 {strides = array<i32>} : memref<1024x16xf32, #tpu.memory_space<vmem>>, vector<1x16xf32>,
        %mul3A_605 = arith.constant 16 : i32
        %mul3A_606 = arith.muli %scan3A_415, %mul3A_605 : i32
        %add3A_607 = arith.constant 11 : i32
        %add3A_608 = arith.addi %mul3A_606, %add3A_607 : i32
        %get3A_609 = arith.index_cast %add3A_608 : i32 to index
        %get3A_610 = arith.constant 0 : index
        %get3A_611 = tpu.vector_load %arg10[%get3A_609, %get3A_610] {strides = array<i32>} : memref<1024x16xf32, #tpu.memory_space<vmem>>, vector<1x16xf32>,
        %get3A_612 = vector.shape_cast %get3A_611 : vector<1x16xf32> to vector<16xf32>
        %slice3A_613 = vector.extract_strided_slice %get3A_420 {offsets = [11], sizes = [1], strides = [1]} : vector<16xf32> to vector<1xf32>
        %squeeze3A_614 = vector.extract %slice3A_613[0] : f32 from vector<1xf32>
        %mul3A_615 = vector.broadcast %squeeze3A_614 : f32 to vector<16xf32>
        %mul3A_616 = arith.mulf %get3A_612, %mul3A_615 : vector<16xf32>
        %swap3A_617 = arith.index_cast %add3A_608 : i32 to index
        %swap3A_618 = arith.constant 0 : index
        %swap3A_619 = tpu.vector_load %arg10[%swap3A_617, %swap3A_618] {strides = array<i32>} : memref<1024x16xf32, #tpu.memory_space<vmem>>, vector<1x16xf32>,
        %swap3A_620 = vector.shape_cast %swap3A_619 : vector<1x16xf32> to vector<16xf32>
        %swap3A_621 = vector.shape_cast %mul3A_616 : vector<16xf32> to vector<1x16xf32>
        tpu.vector_store %arg10[%swap3A_617, %swap3A_618], %swap3A_621 {strides = array<i32>} : memref<1024x16xf32, #tpu.memory_space<vmem>>, vector<1x16xf32>,
        %mul3A_622 = arith.constant 16 : i32
        %mul3A_623 = arith.muli %scan3A_415, %mul3A_622 : i32
        %add3A_624 = arith.constant 12 : i32
        %add3A_625 = arith.addi %mul3A_623, %add3A_624 : i32
        %get3A_626 = arith.index_cast %add3A_625 : i32 to index
        %get3A_627 = arith.constant 0 : index
        %get3A_628 = tpu.vector_load %arg10[%get3A_626, %get3A_627] {strides = array<i32>} : memref<1024x16xf32, #tpu.memory_space<vmem>>, vector<1x16xf32>,
        %get3A_629 = vector.shape_cast %get3A_628 : vector<1x16xf32> to vector<16xf32>
        %slice3A_630 = vector.extract_strided_slice %get3A_420 {offsets = [12], sizes = [1], strides = [1]} : vector<16xf32> to vector<1xf32>
        %squeeze3A_631 = vector.extract %slice3A_630[0] : f32 from vector<1xf32>
        %mul3A_632 = vector.broadcast %squeeze3A_631 : f32 to vector<16xf32>
        %mul3A_633 = arith.mulf %get3A_629, %mul3A_632 : vector<16xf32>
        %swap3A_634 = arith.index_cast %add3A_625 : i32 to index
        %swap3A_635 = arith.constant 0 : index
        %swap3A_636 = tpu.vector_load %arg10[%swap3A_634, %swap3A_635] {strides = array<i32>} : memref<1024x16xf32, #tpu.memory_space<vmem>>, vector<1x16xf32>,
        %swap3A_637 = vector.shape_cast %swap3A_636 : vector<1x16xf32> to vector<16xf32>
        %swap3A_638 = vector.shape_cast %mul3A_633 : vector<16xf32> to vector<1x16xf32>
        tpu.vector_store %arg10[%swap3A_634, %swap3A_635], %swap3A_638 {strides = array<i32>} : memref<1024x16xf32, #tpu.memory_space<vmem>>, vector<1x16xf32>,
        %mul3A_639 = arith.constant 16 : i32
        %mul3A_640 = arith.muli %scan3A_415, %mul3A_639 : i32
        %add3A_641 = arith.constant 13 : i32
        %add3A_642 = arith.addi %mul3A_640, %add3A_641 : i32
        %get3A_643 = arith.index_cast %add3A_642 : i32 to index
        %get3A_644 = arith.constant 0 : index
        %get3A_645 = tpu.vector_load %arg10[%get3A_643, %get3A_644] {strides = array<i32>} : memref<1024x16xf32, #tpu.memory_space<vmem>>, vector<1x16xf32>,
        %get3A_646 = vector.shape_cast %get3A_645 : vector<1x16xf32> to vector<16xf32>
        %slice3A_647 = vector.extract_strided_slice %get3A_420 {offsets = [13], sizes = [1], strides = [1]} : vector<16xf32> to vector<1xf32>
        %squeeze3A_648 = vector.extract %slice3A_647[0] : f32 from vector<1xf32>
        %mul3A_649 = vector.broadcast %squeeze3A_648 : f32 to vector<16xf32>
        %mul3A_650 = arith.mulf %get3A_646, %mul3A_649 : vector<16xf32>
        %swap3A_651 = arith.index_cast %add3A_642 : i32 to index
        %swap3A_652 = arith.constant 0 : index
        %swap3A_653 = tpu.vector_load %arg10[%swap3A_651, %swap3A_652] {strides = array<i32>} : memref<1024x16xf32, #tpu.memory_space<vmem>>, vector<1x16xf32>,
        %swap3A_654 = vector.shape_cast %swap3A_653 : vector<1x16xf32> to vector<16xf32>
        %swap3A_655 = vector.shape_cast %mul3A_650 : vector<16xf32> to vector<1x16xf32>
        tpu.vector_store %arg10[%swap3A_651, %swap3A_652], %swap3A_655 {strides = array<i32>} : memref<1024x16xf32, #tpu.memory_space<vmem>>, vector<1x16xf32>,
        %mul3A_656 = arith.constant 16 : i32
        %mul3A_657 = arith.muli %scan3A_415, %mul3A_656 : i32
        %add3A_658 = arith.constant 14 : i32
        %add3A_659 = arith.addi %mul3A_657, %add3A_658 : i32
        %get3A_660 = arith.index_cast %add3A_659 : i32 to index
        %get3A_661 = arith.constant 0 : index
        %get3A_662 = tpu.vector_load %arg10[%get3A_660, %get3A_661] {strides = array<i32>} : memref<1024x16xf32, #tpu.memory_space<vmem>>, vector<1x16xf32>,
        %get3A_663 = vector.shape_cast %get3A_662 : vector<1x16xf32> to vector<16xf32>
        %slice3A_664 = vector.extract_strided_slice %get3A_420 {offsets = [14], sizes = [1], strides = [1]} : vector<16xf32> to vector<1xf32>
        %squeeze3A_665 = vector.extract %slice3A_664[0] : f32 from vector<1xf32>
        %mul3A_666 = vector.broadcast %squeeze3A_665 : f32 to vector<16xf32>
        %mul3A_667 = arith.mulf %get3A_663, %mul3A_666 : vector<16xf32>
        %swap3A_668 = arith.index_cast %add3A_659 : i32 to index
        %swap3A_669 = arith.constant 0 : index
        %swap3A_670 = tpu.vector_load %arg10[%swap3A_668, %swap3A_669] {strides = array<i32>} : memref<1024x16xf32, #tpu.memory_space<vmem>>, vector<1x16xf32>,
        %swap3A_671 = vector.shape_cast %swap3A_670 : vector<1x16xf32> to vector<16xf32>
        %swap3A_672 = vector.shape_cast %mul3A_667 : vector<16xf32> to vector<1x16xf32>
        tpu.vector_store %arg10[%swap3A_668, %swap3A_669], %swap3A_672 {strides = array<i32>} : memref<1024x16xf32, #tpu.memory_space<vmem>>, vector<1x16xf32>,
        %mul3A_673 = arith.constant 16 : i32
        %mul3A_674 = arith.muli %scan3A_415, %mul3A_673 : i32
        %add3A_675 = arith.constant 15 : i32
        %add3A_676 = arith.addi %mul3A_674, %add3A_675 : i32
        %get3A_677 = arith.index_cast %add3A_676 : i32 to index
        %get3A_678 = arith.constant 0 : index
        %get3A_679 = tpu.vector_load %arg10[%get3A_677, %get3A_678] {strides = array<i32>} : memref<1024x16xf32, #tpu.memory_space<vmem>>, vector<1x16xf32>,
        %get3A_680 = vector.shape_cast %get3A_679 : vector<1x16xf32> to vector<16xf32>
        %slice3A_681 = vector.extract_strided_slice %get3A_420 {offsets = [15], sizes = [1], strides = [1]} : vector<16xf32> to vector<1xf32>
        %squeeze3A_682 = vector.extract %slice3A_681[0] : f32 from vector<1xf32>
        %mul3A_683 = vector.broadcast %squeeze3A_682 : f32 to vector<16xf32>
        %mul3A_684 = arith.mulf %get3A_680, %mul3A_683 : vector<16xf32>
        %swap3A_685 = arith.index_cast %add3A_676 : i32 to index
        %swap3A_686 = arith.constant 0 : index
        %swap3A_687 = tpu.vector_load %arg10[%swap3A_685, %swap3A_686] {strides = array<i32>} : memref<1024x16xf32, #tpu.memory_space<vmem>>, vector<1x16xf32>,
        %swap3A_688 = vector.shape_cast %swap3A_687 : vector<1x16xf32> to vector<16xf32>
        %swap3A_689 = vector.shape_cast %mul3A_684 : vector<16xf32> to vector<1x16xf32>
        tpu.vector_store %arg10[%swap3A_685, %swap3A_686], %swap3A_689 {strides = array<i32>} : memref<1024x16xf32, #tpu.memory_space<vmem>>, vector<1x16xf32>,
        %scan3A_690 = arith.constant 0 : i32
        scf.yield %scan3A_690 : i32
      }
      %scan3A_253 = arith.constant 64 : i32
      %dma_start3A_254 = arith.constant 0 : i32
      %dma_start3A_255 = arith.constant 0 : i32
      %dma_start3A_256 = arith.constant 0 : i32
      %dma_start3A_257 = tpu.memref_slice %arg10[%dma_start3A_255, %dma_start3A_256] : memref<1024x16xf32, #tpu.memory_space<vmem>> -> memref<128x16xf32, #tpu.memory_space<vmem>>
      %dma_start3A_258 = arith.constant 0 : i32
      %dma_start3A_259 = tpu.memref_slice %arg8[%dma_start3A_254, %dma_start3A_258] : memref<8x128xi32, #tpu.memory_space<vmem>> -> memref<1x128xi32, #tpu.memory_space<vmem>>
      %dma_start3A_260 = tpu.memref_squeeze %dma_start3A_259 : memref<1x128xi32, #tpu.memory_space<vmem>> -> memref<128xi32, #tpu.memory_space<vmem>>
      %dma_start3A_261 = arith.constant 0 : i32
      %dma_start3A_262 = arith.constant 0 : i32
      %dma_start3A_263 = tpu.memref_slice %arg11[%dma_start3A_261, %dma_start3A_262] : memref<100096x16xf32, #tpu.memory_space<vmem_shared>> -> memref<100096x16xf32, #tpu.memory_space<vmem_shared>>
      tpu.enqueue_indirect_dma source(%dma_start3A_257 : memref<128x16xf32, #tpu.memory_space<vmem>>) target(%dma_start3A_263 : memref<100096x16xf32, #tpu.memory_space<vmem_shared>>) offsets(%dma_start3A_260 : memref<128xi32, #tpu.memory_space<vmem>>) semaphore(%arg13 : memref<!tpu.dma_semaphore, #tpu.memory_space<semaphore_mem>>) {add = true}
      %dma_start3A_264 = arith.constant 1 : i32
      %dma_start3A_265 = arith.constant 128 : i32
      %dma_start3A_266 = arith.constant 0 : i32
      %dma_start3A_267 = tpu.memref_slice %arg10[%dma_start3A_265, %dma_start3A_266] : memref<1024x16xf32, #tpu.memory_space<vmem>> -> memref<128x16xf32, #tpu.memory_space<vmem>>
      %dma_start3A_268 = arith.constant 0 : i32
      %dma_start3A_269 = tpu.memref_slice %arg8[%dma_start3A_264, %dma_start3A_268] : memref<8x128xi32, #tpu.memory_space<vmem>> -> memref<1x128xi32, #tpu.memory_space<vmem>>
      %dma_start3A_270 = tpu.memref_squeeze %dma_start3A_269 : memref<1x128xi32, #tpu.memory_space<vmem>> -> memref<128xi32, #tpu.memory_space<vmem>>
      %dma_start3A_271 = arith.constant 0 : i32
      %dma_start3A_272 = arith.constant 0 : i32
      %dma_start3A_273 = tpu.memref_slice %arg11[%dma_start3A_271, %dma_start3A_272] : memref<100096x16xf32, #tpu.memory_space<vmem_shared>> -> memref<100096x16xf32, #tpu.memory_space<vmem_shared>>
      tpu.enqueue_indirect_dma source(%dma_start3A_267 : memref<128x16xf32, #tpu.memory_space<vmem>>) target(%dma_start3A_273 : memref<100096x16xf32, #tpu.memory_space<vmem_shared>>) offsets(%dma_start3A_270 : memref<128xi32, #tpu.memory_space<vmem>>) semaphore(%arg13 : memref<!tpu.dma_semaphore, #tpu.memory_space<semaphore_mem>>) {add = true}
      %dma_start3A_274 = arith.constant 2 : i32
      %dma_start3A_275 = arith.constant 256 : i32
      %dma_start3A_276 = arith.constant 0 : i32
      %dma_start3A_277 = tpu.memref_slice %arg10[%dma_start3A_275, %dma_start3A_276] : memref<1024x16xf32, #tpu.memory_space<vmem>> -> memref<128x16xf32, #tpu.memory_space<vmem>>
      %dma_start3A_278 = arith.constant 0 : i32
      %dma_start3A_279 = tpu.memref_slice %arg8[%dma_start3A_274, %dma_start3A_278] : memref<8x128xi32, #tpu.memory_space<vmem>> -> memref<1x128xi32, #tpu.memory_space<vmem>>
      %dma_start3A_280 = tpu.memref_squeeze %dma_start3A_279 : memref<1x128xi32, #tpu.memory_space<vmem>> -> memref<128xi32, #tpu.memory_space<vmem>>
      %dma_start3A_281 = arith.constant 0 : i32
      %dma_start3A_282 = arith.constant 0 : i32
      %dma_start3A_283 = tpu.memref_slice %arg11[%dma_start3A_281, %dma_start3A_282] : memref<100096x16xf32, #tpu.memory_space<vmem_shared>> -> memref<100096x16xf32, #tpu.memory_space<vmem_shared>>
      tpu.enqueue_indirect_dma source(%dma_start3A_277 : memref<128x16xf32, #tpu.memory_space<vmem>>) target(%dma_start3A_283 : memref<100096x16xf32, #tpu.memory_space<vmem_shared>>) offsets(%dma_start3A_280 : memref<128xi32, #tpu.memory_space<vmem>>) semaphore(%arg13 : memref<!tpu.dma_semaphore, #tpu.memory_space<semaphore_mem>>) {add = true}
      %dma_start3A_284 = arith.constant 3 : i32
      %dma_start3A_285 = arith.constant 384 : i32
      %dma_start3A_286 = arith.constant 0 : i32
      %dma_start3A_287 = tpu.memref_slice %arg10[%dma_start3A_285, %dma_start3A_286] : memref<1024x16xf32, #tpu.memory_space<vmem>> -> memref<128x16xf32, #tpu.memory_space<vmem>>
      %dma_start3A_288 = arith.constant 0 : i32
      %dma_start3A_289 = tpu.memref_slice %arg8[%dma_start3A_284, %dma_start3A_288] : memref<8x128xi32, #tpu.memory_space<vmem>> -> memref<1x128xi32, #tpu.memory_space<vmem>>
      %dma_start3A_290 = tpu.memref_squeeze %dma_start3A_289 : memref<1x128xi32, #tpu.memory_space<vmem>> -> memref<128xi32, #tpu.memory_space<vmem>>
      %dma_start3A_291 = arith.constant 0 : i32
      %dma_start3A_292 = arith.constant 0 : i32
      %dma_start3A_293 = tpu.memref_slice %arg11[%dma_start3A_291, %dma_start3A_292] : memref<100096x16xf32, #tpu.memory_space<vmem_shared>> -> memref<100096x16xf32, #tpu.memory_space<vmem_shared>>
      tpu.enqueue_indirect_dma source(%dma_start3A_287 : memref<128x16xf32, #tpu.memory_space<vmem>>) target(%dma_start3A_293 : memref<100096x16xf32, #tpu.memory_space<vmem_shared>>) offsets(%dma_start3A_290 : memref<128xi32, #tpu.memory_space<vmem>>) semaphore(%arg13 : memref<!tpu.dma_semaphore, #tpu.memory_space<semaphore_mem>>) {add = true}
      %dma_start3A_294 = arith.constant 4 : i32
      %dma_start3A_295 = arith.constant 512 : i32
      %dma_start3A_296 = arith.constant 0 : i32
      %dma_start3A_297 = tpu.memref_slice %arg10[%dma_start3A_295, %dma_start3A_296] : memref<1024x16xf32, #tpu.memory_space<vmem>> -> memref<128x16xf32, #tpu.memory_space<vmem>>
      %dma_start3A_298 = arith.constant 0 : i32
      %dma_start3A_299 = tpu.memref_slice %arg8[%dma_start3A_294, %dma_start3A_298] : memref<8x128xi32, #tpu.memory_space<vmem>> -> memref<1x128xi32, #tpu.memory_space<vmem>>
      %dma_start3A_300 = tpu.memref_squeeze %dma_start3A_299 : memref<1x128xi32, #tpu.memory_space<vmem>> -> memref<128xi32, #tpu.memory_space<vmem>>
      %dma_start3A_301 = arith.constant 0 : i32
      %dma_start3A_302 = arith.constant 0 : i32
      %dma_start3A_303 = tpu.memref_slice %arg11[%dma_start3A_301, %dma_start3A_302] : memref<100096x16xf32, #tpu.memory_space<vmem_shared>> -> memref<100096x16xf32, #tpu.memory_space<vmem_shared>>
      tpu.enqueue_indirect_dma source(%dma_start3A_297 : memref<128x16xf32, #tpu.memory_space<vmem>>) target(%dma_start3A_303 : memref<100096x16xf32, #tpu.memory_space<vmem_shared>>) offsets(%dma_start3A_300 : memref<128xi32, #tpu.memory_space<vmem>>) semaphore(%arg13 : memref<!tpu.dma_semaphore, #tpu.memory_space<semaphore_mem>>) {add = true}
      %dma_start3A_304 = arith.constant 5 : i32
      %dma_start3A_305 = arith.constant 640 : i32
      %dma_start3A_306 = arith.constant 0 : i32
      %dma_start3A_307 = tpu.memref_slice %arg10[%dma_start3A_305, %dma_start3A_306] : memref<1024x16xf32, #tpu.memory_space<vmem>> -> memref<128x16xf32, #tpu.memory_space<vmem>>
      %dma_start3A_308 = arith.constant 0 : i32
      %dma_start3A_309 = tpu.memref_slice %arg8[%dma_start3A_304, %dma_start3A_308] : memref<8x128xi32, #tpu.memory_space<vmem>> -> memref<1x128xi32, #tpu.memory_space<vmem>>
      %dma_start3A_310 = tpu.memref_squeeze %dma_start3A_309 : memref<1x128xi32, #tpu.memory_space<vmem>> -> memref<128xi32, #tpu.memory_space<vmem>>
      %dma_start3A_311 = arith.constant 0 : i32
      %dma_start3A_312 = arith.constant 0 : i32
      %dma_start3A_313 = tpu.memref_slice %arg11[%dma_start3A_311, %dma_start3A_312] : memref<100096x16xf32, #tpu.memory_space<vmem_shared>> -> memref<100096x16xf32, #tpu.memory_space<vmem_shared>>
      tpu.enqueue_indirect_dma source(%dma_start3A_307 : memref<128x16xf32, #tpu.memory_space<vmem>>) target(%dma_start3A_313 : memref<100096x16xf32, #tpu.memory_space<vmem_shared>>) offsets(%dma_start3A_310 : memref<128xi32, #tpu.memory_space<vmem>>) semaphore(%arg13 : memref<!tpu.dma_semaphore, #tpu.memory_space<semaphore_mem>>) {add = true}
      %dma_start3A_314 = arith.constant 6 : i32
      %dma_start3A_315 = arith.constant 768 : i32
      %dma_start3A_316 = arith.constant 0 : i32
      %dma_start3A_317 = tpu.memref_slice %arg10[%dma_start3A_315, %dma_start3A_316] : memref<1024x16xf32, #tpu.memory_space<vmem>> -> memref<128x16xf32, #tpu.memory_space<vmem>>
      %dma_start3A_318 = arith.constant 0 : i32
      %dma_start3A_319 = tpu.memref_slice %arg8[%dma_start3A_314, %dma_start3A_318] : memref<8x128xi32, #tpu.memory_space<vmem>> -> memref<1x128xi32, #tpu.memory_space<vmem>>
      %dma_start3A_320 = tpu.memref_squeeze %dma_start3A_319 : memref<1x128xi32, #tpu.memory_space<vmem>> -> memref<128xi32, #tpu.memory_space<vmem>>
      %dma_start3A_321 = arith.constant 0 : i32
      %dma_start3A_322 = arith.constant 0 : i32
      %dma_start3A_323 = tpu.memref_slice %arg11[%dma_start3A_321, %dma_start3A_322] : memref<100096x16xf32, #tpu.memory_space<vmem_shared>> -> memref<100096x16xf32, #tpu.memory_space<vmem_shared>>
      tpu.enqueue_indirect_dma source(%dma_start3A_317 : memref<128x16xf32, #tpu.memory_space<vmem>>) target(%dma_start3A_323 : memref<100096x16xf32, #tpu.memory_space<vmem_shared>>) offsets(%dma_start3A_320 : memref<128xi32, #tpu.memory_space<vmem>>) semaphore(%arg13 : memref<!tpu.dma_semaphore, #tpu.memory_space<semaphore_mem>>) {add = true}
      %dma_start3A_324 = arith.constant 7 : i32
      %dma_start3A_325 = arith.constant 896 : i32
      %dma_start3A_326 = arith.constant 0 : i32
      %dma_start3A_327 = tpu.memref_slice %arg10[%dma_start3A_325, %dma_start3A_326] : memref<1024x16xf32, #tpu.memory_space<vmem>> -> memref<128x16xf32, #tpu.memory_space<vmem>>
      %dma_start3A_328 = arith.constant 0 : i32
      %dma_start3A_329 = tpu.memref_slice %arg8[%dma_start3A_324, %dma_start3A_328] : memref<8x128xi32, #tpu.memory_space<vmem>> -> memref<1x128xi32, #tpu.memory_space<vmem>>
      %dma_start3A_330 = tpu.memref_squeeze %dma_start3A_329 : memref<1x128xi32, #tpu.memory_space<vmem>> -> memref<128xi32, #tpu.memory_space<vmem>>
      %dma_start3A_331 = arith.constant 0 : i32
      %dma_start3A_332 = arith.constant 0 : i32
      %dma_start3A_333 = tpu.memref_slice %arg11[%dma_start3A_331, %dma_start3A_332] : memref<100096x16xf32, #tpu.memory_space<vmem_shared>> -> memref<100096x16xf32, #tpu.memory_space<vmem_shared>>
      tpu.enqueue_indirect_dma source(%dma_start3A_327 : memref<128x16xf32, #tpu.memory_space<vmem>>) target(%dma_start3A_333 : memref<100096x16xf32, #tpu.memory_space<vmem_shared>>) offsets(%dma_start3A_330 : memref<128xi32, #tpu.memory_space<vmem>>) semaphore(%arg13 : memref<!tpu.dma_semaphore, #tpu.memory_space<semaphore_mem>>) {add = true}
      %dma_wait3A_334 = arith.constant 0 : i32
      %dma_wait3A_335 = arith.constant 0 : i32
      %dma_wait3A_336 = arith.constant 0 : i32
      %dma_wait3A_337 = tpu.memref_slice %arg10[%dma_wait3A_335, %dma_wait3A_336] : memref<1024x16xf32, #tpu.memory_space<vmem>> -> memref<128x16xf32, #tpu.memory_space<vmem>>
      %dma_wait3A_338 = arith.constant 0 : i32
      %dma_wait3A_339 = tpu.memref_slice %arg8[%dma_wait3A_334, %dma_wait3A_338] : memref<8x128xi32, #tpu.memory_space<vmem>> -> memref<1x128xi32, #tpu.memory_space<vmem>>
      %dma_wait3A_340 = tpu.memref_squeeze %dma_wait3A_339 : memref<1x128xi32, #tpu.memory_space<vmem>> -> memref<128xi32, #tpu.memory_space<vmem>>
      %dma_wait3A_341 = arith.constant 0 : i32
      %dma_wait3A_342 = arith.constant 0 : i32
      %dma_wait3A_343 = tpu.memref_slice %arg11[%dma_wait3A_341, %dma_wait3A_342] : memref<100096x16xf32, #tpu.memory_space<vmem_shared>> -> memref<100096x16xf32, #tpu.memory_space<vmem_shared>>
      tpu.wait_indirect_dma semaphore(%arg13 : memref<!tpu.dma_semaphore, #tpu.memory_space<semaphore_mem>>) src(%dma_wait3A_337 : memref<128x16xf32, #tpu.memory_space<vmem>>) dst(%dma_wait3A_343 : memref<100096x16xf32, #tpu.memory_space<vmem_shared>>)
      %dma_wait3A_344 = arith.constant 1 : i32
      %dma_wait3A_345 = arith.constant 128 : i32
      %dma_wait3A_346 = arith.constant 0 : i32
      %dma_wait3A_347 = tpu.memref_slice %arg10[%dma_wait3A_345, %dma_wait3A_346] : memref<1024x16xf32, #tpu.memory_space<vmem>> -> memref<128x16xf32, #tpu.memory_space<vmem>>
      %dma_wait3A_348 = arith.constant 0 : i32
      %dma_wait3A_349 = tpu.memref_slice %arg8[%dma_wait3A_344, %dma_wait3A_348] : memref<8x128xi32, #tpu.memory_space<vmem>> -> memref<1x128xi32, #tpu.memory_space<vmem>>
      %dma_wait3A_350 = tpu.memref_squeeze %dma_wait3A_349 : memref<1x128xi32, #tpu.memory_space<vmem>> -> memref<128xi32, #tpu.memory_space<vmem>>
      %dma_wait3A_351 = arith.constant 0 : i32
      %dma_wait3A_352 = arith.constant 0 : i32
      %dma_wait3A_353 = tpu.memref_slice %arg11[%dma_wait3A_351, %dma_wait3A_352] : memref<100096x16xf32, #tpu.memory_space<vmem_shared>> -> memref<100096x16xf32, #tpu.memory_space<vmem_shared>>
      tpu.wait_indirect_dma semaphore(%arg13 : memref<!tpu.dma_semaphore, #tpu.memory_space<semaphore_mem>>) src(%dma_wait3A_347 : memref<128x16xf32, #tpu.memory_space<vmem>>) dst(%dma_wait3A_353 : memref<100096x16xf32, #tpu.memory_space<vmem_shared>>)
      %dma_wait3A_354 = arith.constant 2 : i32
      %dma_wait3A_355 = arith.constant 256 : i32
      %dma_wait3A_356 = arith.constant 0 : i32
      %dma_wait3A_357 = tpu.memref_slice %arg10[%dma_wait3A_355, %dma_wait3A_356] : memref<1024x16xf32, #tpu.memory_space<vmem>> -> memref<128x16xf32, #tpu.memory_space<vmem>>
      %dma_wait3A_358 = arith.constant 0 : i32
      %dma_wait3A_359 = tpu.memref_slice %arg8[%dma_wait3A_354, %dma_wait3A_358] : memref<8x128xi32, #tpu.memory_space<vmem>> -> memref<1x128xi32, #tpu.memory_space<vmem>>
      %dma_wait3A_360 = tpu.memref_squeeze %dma_wait3A_359 : memref<1x128xi32, #tpu.memory_space<vmem>> -> memref<128xi32, #tpu.memory_space<vmem>>
      %dma_wait3A_361 = arith.constant 0 : i32
      %dma_wait3A_362 = arith.constant 0 : i32
      %dma_wait3A_363 = tpu.memref_slice %arg11[%dma_wait3A_361, %dma_wait3A_362] : memref<100096x16xf32, #tpu.memory_space<vmem_shared>> -> memref<100096x16xf32, #tpu.memory_space<vmem_shared>>
      tpu.wait_indirect_dma semaphore(%arg13 : memref<!tpu.dma_semaphore, #tpu.memory_space<semaphore_mem>>) src(%dma_wait3A_357 : memref<128x16xf32, #tpu.memory_space<vmem>>) dst(%dma_wait3A_363 : memref<100096x16xf32, #tpu.memory_space<vmem_shared>>)
      %dma_wait3A_364 = arith.constant 3 : i32
      %dma_wait3A_365 = arith.constant 384 : i32
      %dma_wait3A_366 = arith.constant 0 : i32
      %dma_wait3A_367 = tpu.memref_slice %arg10[%dma_wait3A_365, %dma_wait3A_366] : memref<1024x16xf32, #tpu.memory_space<vmem>> -> memref<128x16xf32, #tpu.memory_space<vmem>>
      %dma_wait3A_368 = arith.constant 0 : i32
      %dma_wait3A_369 = tpu.memref_slice %arg8[%dma_wait3A_364, %dma_wait3A_368] : memref<8x128xi32, #tpu.memory_space<vmem>> -> memref<1x128xi32, #tpu.memory_space<vmem>>
      %dma_wait3A_370 = tpu.memref_squeeze %dma_wait3A_369 : memref<1x128xi32, #tpu.memory_space<vmem>> -> memref<128xi32, #tpu.memory_space<vmem>>
      %dma_wait3A_371 = arith.constant 0 : i32
      %dma_wait3A_372 = arith.constant 0 : i32
      %dma_wait3A_373 = tpu.memref_slice %arg11[%dma_wait3A_371, %dma_wait3A_372] : memref<100096x16xf32, #tpu.memory_space<vmem_shared>> -> memref<100096x16xf32, #tpu.memory_space<vmem_shared>>
      tpu.wait_indirect_dma semaphore(%arg13 : memref<!tpu.dma_semaphore, #tpu.memory_space<semaphore_mem>>) src(%dma_wait3A_367 : memref<128x16xf32, #tpu.memory_space<vmem>>) dst(%dma_wait3A_373 : memref<100096x16xf32, #tpu.memory_space<vmem_shared>>)
      %dma_wait3A_374 = arith.constant 4 : i32
      %dma_wait3A_375 = arith.constant 512 : i32
      %dma_wait3A_376 = arith.constant 0 : i32
      %dma_wait3A_377 = tpu.memref_slice %arg10[%dma_wait3A_375, %dma_wait3A_376] : memref<1024x16xf32, #tpu.memory_space<vmem>> -> memref<128x16xf32, #tpu.memory_space<vmem>>
      %dma_wait3A_378 = arith.constant 0 : i32
      %dma_wait3A_379 = tpu.memref_slice %arg8[%dma_wait3A_374, %dma_wait3A_378] : memref<8x128xi32, #tpu.memory_space<vmem>> -> memref<1x128xi32, #tpu.memory_space<vmem>>
      %dma_wait3A_380 = tpu.memref_squeeze %dma_wait3A_379 : memref<1x128xi32, #tpu.memory_space<vmem>> -> memref<128xi32, #tpu.memory_space<vmem>>
      %dma_wait3A_381 = arith.constant 0 : i32
      %dma_wait3A_382 = arith.constant 0 : i32
      %dma_wait3A_383 = tpu.memref_slice %arg11[%dma_wait3A_381, %dma_wait3A_382] : memref<100096x16xf32, #tpu.memory_space<vmem_shared>> -> memref<100096x16xf32, #tpu.memory_space<vmem_shared>>
      tpu.wait_indirect_dma semaphore(%arg13 : memref<!tpu.dma_semaphore, #tpu.memory_space<semaphore_mem>>) src(%dma_wait3A_377 : memref<128x16xf32, #tpu.memory_space<vmem>>) dst(%dma_wait3A_383 : memref<100096x16xf32, #tpu.memory_space<vmem_shared>>)
      %dma_wait3A_384 = arith.constant 5 : i32
      %dma_wait3A_385 = arith.constant 640 : i32
      %dma_wait3A_386 = arith.constant 0 : i32
      %dma_wait3A_387 = tpu.memref_slice %arg10[%dma_wait3A_385, %dma_wait3A_386] : memref<1024x16xf32, #tpu.memory_space<vmem>> -> memref<128x16xf32, #tpu.memory_space<vmem>>
      %dma_wait3A_388 = arith.constant 0 : i32
      %dma_wait3A_389 = tpu.memref_slice %arg8[%dma_wait3A_384, %dma_wait3A_388] : memref<8x128xi32, #tpu.memory_space<vmem>> -> memref<1x128xi32, #tpu.memory_space<vmem>>
      %dma_wait3A_390 = tpu.memref_squeeze %dma_wait3A_389 : memref<1x128xi32, #tpu.memory_space<vmem>> -> memref<128xi32, #tpu.memory_space<vmem>>
      %dma_wait3A_391 = arith.constant 0 : i32
      %dma_wait3A_392 = arith.constant 0 : i32
      %dma_wait3A_393 = tpu.memref_slice %arg11[%dma_wait3A_391, %dma_wait3A_392] : memref<100096x16xf32, #tpu.memory_space<vmem_shared>> -> memref<100096x16xf32, #tpu.memory_space<vmem_shared>>
      tpu.wait_indirect_dma semaphore(%arg13 : memref<!tpu.dma_semaphore, #tpu.memory_space<semaphore_mem>>) src(%dma_wait3A_387 : memref<128x16xf32, #tpu.memory_space<vmem>>) dst(%dma_wait3A_393 : memref<100096x16xf32, #tpu.memory_space<vmem_shared>>)
      %dma_wait3A_394 = arith.constant 6 : i32
      %dma_wait3A_395 = arith.constant 768 : i32
      %dma_wait3A_396 = arith.constant 0 : i32
      %dma_wait3A_397 = tpu.memref_slice %arg10[%dma_wait3A_395, %dma_wait3A_396] : memref<1024x16xf32, #tpu.memory_space<vmem>> -> memref<128x16xf32, #tpu.memory_space<vmem>>
      %dma_wait3A_398 = arith.constant 0 : i32
      %dma_wait3A_399 = tpu.memref_slice %arg8[%dma_wait3A_394, %dma_wait3A_398] : memref<8x128xi32, #tpu.memory_space<vmem>> -> memref<1x128xi32, #tpu.memory_space<vmem>>
      %dma_wait3A_400 = tpu.memref_squeeze %dma_wait3A_399 : memref<1x128xi32, #tpu.memory_space<vmem>> -> memref<128xi32, #tpu.memory_space<vmem>>
      %dma_wait3A_401 = arith.constant 0 : i32
      %dma_wait3A_402 = arith.constant 0 : i32
      %dma_wait3A_403 = tpu.memref_slice %arg11[%dma_wait3A_401, %dma_wait3A_402] : memref<100096x16xf32, #tpu.memory_space<vmem_shared>> -> memref<100096x16xf32, #tpu.memory_space<vmem_shared>>
      tpu.wait_indirect_dma semaphore(%arg13 : memref<!tpu.dma_semaphore, #tpu.memory_space<semaphore_mem>>) src(%dma_wait3A_397 : memref<128x16xf32, #tpu.memory_space<vmem>>) dst(%dma_wait3A_403 : memref<100096x16xf32, #tpu.memory_space<vmem_shared>>)
      %dma_wait3A_404 = arith.constant 7 : i32
      %dma_wait3A_405 = arith.constant 896 : i32
      %dma_wait3A_406 = arith.constant 0 : i32
      %dma_wait3A_407 = tpu.memref_slice %arg10[%dma_wait3A_405, %dma_wait3A_406] : memref<1024x16xf32, #tpu.memory_space<vmem>> -> memref<128x16xf32, #tpu.memory_space<vmem>>
      %dma_wait3A_408 = arith.constant 0 : i32
      %dma_wait3A_409 = tpu.memref_slice %arg8[%dma_wait3A_404, %dma_wait3A_408] : memref<8x128xi32, #tpu.memory_space<vmem>> -> memref<1x128xi32, #tpu.memory_space<vmem>>
      %dma_wait3A_410 = tpu.memref_squeeze %dma_wait3A_409 : memref<1x128xi32, #tpu.memory_space<vmem>> -> memref<128xi32, #tpu.memory_space<vmem>>
      %dma_wait3A_411 = arith.constant 0 : i32
      %dma_wait3A_412 = arith.constant 0 : i32
      %dma_wait3A_413 = tpu.memref_slice %arg11[%dma_wait3A_411, %dma_wait3A_412] : memref<100096x16xf32, #tpu.memory_space<vmem_shared>> -> memref<100096x16xf32, #tpu.memory_space<vmem_shared>>
      tpu.wait_indirect_dma semaphore(%arg13 : memref<!tpu.dma_semaphore, #tpu.memory_space<semaphore_mem>>) src(%dma_wait3A_407 : memref<128x16xf32, #tpu.memory_space<vmem>>) dst(%dma_wait3A_413 : memref<100096x16xf32, #tpu.memory_space<vmem_shared>>)
      %scan3A_414 = arith.constant 0 : i32
      scf.yield %scan3A_414 : i32
    }
    %scan3A_31 = arith.constant 49 : i32
    %barrier3A_32 = arith.constant 0 : index
    tpu.barrier barrier_id(%barrier3A_32)
    %add3A_33 = arith.constant 0 : i32
    %add3A_34 = arith.addi %mul3A_8, %add3A_33 : i32
    "tpu.region"() ({
      %run_scoped3A = tpu.sem_alloc : memref<!tpu.dma_semaphore, #tpu.memory_space<semaphore_mem>>
      %dma_start3A = arith.constant 0 : i32
      %dma_start3A_82 = arith.constant 0 : i32
      %dma_start3A_83 = tpu.memref_slice %arg10[%dma_start3A, %dma_start3A_82] : memref<1024x16xf32, #tpu.memory_space<vmem>> -> memref<1024x16xf32, #tpu.memory_space<vmem>>
      %dma_start3A_84 = arith.constant 0 : i32
      %dma_start3A_85 = tpu.memref_slice %arg11[%add3A_34, %dma_start3A_84] : memref<100096x16xf32, #tpu.memory_space<vmem_shared>> -> memref<1024x16xf32, #tpu.memory_space<vmem_shared>>
      %dma_start3A_86 = arith.constant 0 : i32
      %dma_start3A_87 = arith.constant 0 : i32
      %dma_start3A_88 = tpu.memref_slice %arg10[%dma_start3A_86, %dma_start3A_87] : memref<1024x16xf32, #tpu.memory_space<vmem>> -> memref<1024x16xf32, #tpu.memory_space<vmem>>
      %dma_start3A_89 = arith.constant 0 : i32
      %dma_start3A_90 = tpu.memref_slice %arg11[%add3A_34, %dma_start3A_89] : memref<100096x16xf32, #tpu.memory_space<vmem_shared>> -> memref<1024x16xf32, #tpu.memory_space<vmem_shared>>
      tpu.enqueue_dma source(%dma_start3A_90 : memref<1024x16xf32, #tpu.memory_space<vmem_shared>>) target(%dma_start3A_88 : memref<1024x16xf32, #tpu.memory_space<vmem>>) target_semaphore(%run_scoped3A : memref<!tpu.dma_semaphore, #tpu.memory_space<semaphore_mem>>)
      %dma_wait3A = arith.constant 0 : i32
      %dma_wait3A_91 = arith.constant 0 : i32
      %dma_wait3A_92 = tpu.memref_slice %arg10[%dma_wait3A, %dma_wait3A_91] : memref<1024x16xf32, #tpu.memory_space<vmem>> -> memref<1024x16xf32, #tpu.memory_space<vmem>>
      %dma_wait3A_93 = arith.constant 0 : i32
      %dma_wait3A_94 = tpu.memref_slice %arg11[%add3A_34, %dma_wait3A_93] : memref<100096x16xf32, #tpu.memory_space<vmem_shared>> -> memref<1024x16xf32, #tpu.memory_space<vmem_shared>>
      %dma_wait3A_95 = arith.constant 0 : i32
      %dma_wait3A_96 = arith.constant 0 : i32
      %dma_wait3A_97 = tpu.memref_slice %arg10[%dma_wait3A_95, %dma_wait3A_96] : memref<1024x16xf32, #tpu.memory_space<vmem>> -> memref<1024x16xf32, #tpu.memory_space<vmem>>
      %dma_wait3A_98 = arith.constant 0 : i32
      %dma_wait3A_99 = tpu.memref_slice %arg11[%add3A_34, %dma_wait3A_98] : memref<100096x16xf32, #tpu.memory_space<vmem_shared>> -> memref<1024x16xf32, #tpu.memory_space<vmem_shared>>
      tpu.wait_dma2 semaphore(%run_scoped3A : memref<!tpu.dma_semaphore, #tpu.memory_space<semaphore_mem>>) src(%dma_wait3A_99 : memref<1024x16xf32, #tpu.memory_space<vmem_shared>>) dst(%dma_wait3A_97 : memref<1024x16xf32, #tpu.memory_space<vmem>>)
      tpu.yield
    }) : () -> ()
    %mul3A_35 = arith.constant 100096 : i32
    %mul3A_36 = arith.muli %arg0, %mul3A_35 : i32
    %add3A_37 = arith.addi %mul3A_36, %mul3A_8 : i32
    %add3A_38 = arith.constant 0 : i32
    %add3A_39 = arith.addi %add3A_37, %add3A_38 : i32
    "tpu.region"() ({
      %run_scoped3A = tpu.sem_alloc : memref<!tpu.dma_semaphore, #tpu.memory_space<semaphore_mem>>
      %dma_start3A = arith.constant 0 : i32
      %dma_start3A_82 = arith.constant 0 : i32
      %dma_start3A_83 = tpu.memref_slice %arg10[%dma_start3A, %dma_start3A_82] : memref<1024x16xf32, #tpu.memory_space<vmem>> -> memref<1024x16xf32, #tpu.memory_space<vmem>>
      %dma_start3A_84 = arith.constant 0 : i32
      %dma_start3A_85 = tpu.memref_slice %arg6[%add3A_39, %dma_start3A_84] : memref<200192x16xf32, #tpu.memory_space<hbm>> -> memref<1024x16xf32, #tpu.memory_space<hbm>>
      %dma_start3A_86 = arith.constant 0 : i32
      %dma_start3A_87 = tpu.memref_slice %arg6[%add3A_39, %dma_start3A_86] : memref<200192x16xf32, #tpu.memory_space<hbm>> -> memref<1024x16xf32, #tpu.memory_space<hbm>>
      %dma_start3A_88 = arith.constant 0 : i32
      %dma_start3A_89 = arith.constant 0 : i32
      %dma_start3A_90 = tpu.memref_slice %arg10[%dma_start3A_88, %dma_start3A_89] : memref<1024x16xf32, #tpu.memory_space<vmem>> -> memref<1024x16xf32, #tpu.memory_space<vmem>>
      tpu.enqueue_dma source(%dma_start3A_90 : memref<1024x16xf32, #tpu.memory_space<vmem>>) target(%dma_start3A_87 : memref<1024x16xf32, #tpu.memory_space<hbm>>) target_semaphore(%run_scoped3A : memref<!tpu.dma_semaphore, #tpu.memory_space<semaphore_mem>>)
      %dma_wait3A = arith.constant 0 : i32
      %dma_wait3A_91 = arith.constant 0 : i32
      %dma_wait3A_92 = tpu.memref_slice %arg10[%dma_wait3A, %dma_wait3A_91] : memref<1024x16xf32, #tpu.memory_space<vmem>> -> memref<1024x16xf32, #tpu.memory_space<vmem>>
      %dma_wait3A_93 = arith.constant 0 : i32
      %dma_wait3A_94 = tpu.memref_slice %arg6[%add3A_39, %dma_wait3A_93] : memref<200192x16xf32, #tpu.memory_space<hbm>> -> memref<1024x16xf32, #tpu.memory_space<hbm>>
      %dma_wait3A_95 = arith.constant 0 : i32
      %dma_wait3A_96 = tpu.memref_slice %arg6[%add3A_39, %dma_wait3A_95] : memref<200192x16xf32, #tpu.memory_space<hbm>> -> memref<1024x16xf32, #tpu.memory_space<hbm>>
      %dma_wait3A_97 = arith.constant 0 : i32
      %dma_wait3A_98 = arith.constant 0 : i32
      %dma_wait3A_99 = tpu.memref_slice %arg10[%dma_wait3A_97, %dma_wait3A_98] : memref<1024x16xf32, #tpu.memory_space<vmem>> -> memref<1024x16xf32, #tpu.memory_space<vmem>>
      tpu.wait_dma2 semaphore(%run_scoped3A : memref<!tpu.dma_semaphore, #tpu.memory_space<semaphore_mem>>) src(%dma_wait3A_99 : memref<1024x16xf32, #tpu.memory_space<vmem>>) dst(%dma_wait3A_96 : memref<1024x16xf32, #tpu.memory_space<hbm>>)
      tpu.yield
    }) : () -> ()
    %add3A_40 = arith.constant 1024 : i32
    %add3A_41 = arith.addi %mul3A_8, %add3A_40 : i32
    "tpu.region"() ({
      %run_scoped3A = tpu.sem_alloc : memref<!tpu.dma_semaphore, #tpu.memory_space<semaphore_mem>>
      %dma_start3A = arith.constant 0 : i32
      %dma_start3A_82 = arith.constant 0 : i32
      %dma_start3A_83 = tpu.memref_slice %arg10[%dma_start3A, %dma_start3A_82] : memref<1024x16xf32, #tpu.memory_space<vmem>> -> memref<1024x16xf32, #tpu.memory_space<vmem>>
      %dma_start3A_84 = arith.constant 0 : i32
      %dma_start3A_85 = tpu.memref_slice %arg11[%add3A_41, %dma_start3A_84] : memref<100096x16xf32, #tpu.memory_space<vmem_shared>> -> memref<1024x16xf32, #tpu.memory_space<vmem_shared>>
      %dma_start3A_86 = arith.constant 0 : i32
      %dma_start3A_87 = arith.constant 0 : i32
      %dma_start3A_88 = tpu.memref_slice %arg10[%dma_start3A_86, %dma_start3A_87] : memref<1024x16xf32, #tpu.memory_space<vmem>> -> memref<1024x16xf32, #tpu.memory_space<vmem>>
      %dma_start3A_89 = arith.constant 0 : i32
      %dma_start3A_90 = tpu.memref_slice %arg11[%add3A_41, %dma_start3A_89] : memref<100096x16xf32, #tpu.memory_space<vmem_shared>> -> memref<1024x16xf32, #tpu.memory_space<vmem_shared>>
      tpu.enqueue_dma source(%dma_start3A_90 : memref<1024x16xf32, #tpu.memory_space<vmem_shared>>) target(%dma_start3A_88 : memref<1024x16xf32, #tpu.memory_space<vmem>>) target_semaphore(%run_scoped3A : memref<!tpu.dma_semaphore, #tpu.memory_space<semaphore_mem>>)
      %dma_wait3A = arith.constant 0 : i32
      %dma_wait3A_91 = arith.constant 0 : i32
      %dma_wait3A_92 = tpu.memref_slice %arg10[%dma_wait3A, %dma_wait3A_91] : memref<1024x16xf32, #tpu.memory_space<vmem>> -> memref<1024x16xf32, #tpu.memory_space<vmem>>
      %dma_wait3A_93 = arith.constant 0 : i32
      %dma_wait3A_94 = tpu.memref_slice %arg11[%add3A_41, %dma_wait3A_93] : memref<100096x16xf32, #tpu.memory_space<vmem_shared>> -> memref<1024x16xf32, #tpu.memory_space<vmem_shared>>
      %dma_wait3A_95 = arith.constant 0 : i32
      %dma_wait3A_96 = arith.constant 0 : i32
      %dma_wait3A_97 = tpu.memref_slice %arg10[%dma_wait3A_95, %dma_wait3A_96] : memref<1024x16xf32, #tpu.memory_space<vmem>> -> memref<1024x16xf32, #tpu.memory_space<vmem>>
      %dma_wait3A_98 = arith.constant 0 : i32
      %dma_wait3A_99 = tpu.memref_slice %arg11[%add3A_41, %dma_wait3A_98] : memref<100096x16xf32, #tpu.memory_space<vmem_shared>> -> memref<1024x16xf32, #tpu.memory_space<vmem_shared>>
      tpu.wait_dma2 semaphore(%run_scoped3A : memref<!tpu.dma_semaphore, #tpu.memory_space<semaphore_mem>>) src(%dma_wait3A_99 : memref<1024x16xf32, #tpu.memory_space<vmem_shared>>) dst(%dma_wait3A_97 : memref<1024x16xf32, #tpu.memory_space<vmem>>)
      tpu.yield
    }) : () -> ()
    %mul3A_42 = arith.constant 100096 : i32
    %mul3A_43 = arith.muli %arg0, %mul3A_42 : i32
    %add3A_44 = arith.addi %mul3A_43, %mul3A_8 : i32
    %add3A_45 = arith.constant 1024 : i32
    %add3A_46 = arith.addi %add3A_44, %add3A_45 : i32
    "tpu.region"() ({
      %run_scoped3A = tpu.sem_alloc : memref<!tpu.dma_semaphore, #tpu.memory_space<semaphore_mem>>
      %dma_start3A = arith.constant 0 : i32
      %dma_start3A_82 = arith.constant 0 : i32
      %dma_start3A_83 = tpu.memref_slice %arg10[%dma_start3A, %dma_start3A_82] : memref<1024x16xf32, #tpu.memory_space<vmem>> -> memref<1024x16xf32, #tpu.memory_space<vmem>>
      %dma_start3A_84 = arith.constant 0 : i32
      %dma_start3A_85 = tpu.memref_slice %arg6[%add3A_46, %dma_start3A_84] : memref<200192x16xf32, #tpu.memory_space<hbm>> -> memref<1024x16xf32, #tpu.memory_space<hbm>>
      %dma_start3A_86 = arith.constant 0 : i32
      %dma_start3A_87 = tpu.memref_slice %arg6[%add3A_46, %dma_start3A_86] : memref<200192x16xf32, #tpu.memory_space<hbm>> -> memref<1024x16xf32, #tpu.memory_space<hbm>>
      %dma_start3A_88 = arith.constant 0 : i32
      %dma_start3A_89 = arith.constant 0 : i32
      %dma_start3A_90 = tpu.memref_slice %arg10[%dma_start3A_88, %dma_start3A_89] : memref<1024x16xf32, #tpu.memory_space<vmem>> -> memref<1024x16xf32, #tpu.memory_space<vmem>>
      tpu.enqueue_dma source(%dma_start3A_90 : memref<1024x16xf32, #tpu.memory_space<vmem>>) target(%dma_start3A_87 : memref<1024x16xf32, #tpu.memory_space<hbm>>) target_semaphore(%run_scoped3A : memref<!tpu.dma_semaphore, #tpu.memory_space<semaphore_mem>>)
      %dma_wait3A = arith.constant 0 : i32
      %dma_wait3A_91 = arith.constant 0 : i32
      %dma_wait3A_92 = tpu.memref_slice %arg10[%dma_wait3A, %dma_wait3A_91] : memref<1024x16xf32, #tpu.memory_space<vmem>> -> memref<1024x16xf32, #tpu.memory_space<vmem>>
      %dma_wait3A_93 = arith.constant 0 : i32
      %dma_wait3A_94 = tpu.memref_slice %arg6[%add3A_46, %dma_wait3A_93] : memref<200192x16xf32, #tpu.memory_space<hbm>> -> memref<1024x16xf32, #tpu.memory_space<hbm>>
      %dma_wait3A_95 = arith.constant 0 : i32
      %dma_wait3A_96 = tpu.memref_slice %arg6[%add3A_46, %dma_wait3A_95] : memref<200192x16xf32, #tpu.memory_space<hbm>> -> memref<1024x16xf32, #tpu.memory_space<hbm>>
      %dma_wait3A_97 = arith.constant 0 : i32
      %dma_wait3A_98 = arith.constant 0 : i32
      %dma_wait3A_99 = tpu.memref_slice %arg10[%dma_wait3A_97, %dma_wait3A_98] : memref<1024x16xf32, #tpu.memory_space<vmem>> -> memref<1024x16xf32, #tpu.memory_space<vmem>>
      tpu.wait_dma2 semaphore(%run_scoped3A : memref<!tpu.dma_semaphore, #tpu.memory_space<semaphore_mem>>) src(%dma_wait3A_99 : memref<1024x16xf32, #tpu.memory_space<vmem>>) dst(%dma_wait3A_96 : memref<1024x16xf32, #tpu.memory_space<hbm>>)
      tpu.yield
    }) : () -> ()
    %add3A_47 = arith.constant 2048 : i32
    %add3A_48 = arith.addi %mul3A_8, %add3A_47 : i32
    "tpu.region"() ({
      %run_scoped3A = tpu.sem_alloc : memref<!tpu.dma_semaphore, #tpu.memory_space<semaphore_mem>>
      %dma_start3A = arith.constant 0 : i32
      %dma_start3A_82 = arith.constant 0 : i32
      %dma_start3A_83 = tpu.memref_slice %arg10[%dma_start3A, %dma_start3A_82] : memref<1024x16xf32, #tpu.memory_space<vmem>> -> memref<1024x16xf32, #tpu.memory_space<vmem>>
      %dma_start3A_84 = arith.constant 0 : i32
      %dma_start3A_85 = tpu.memref_slice %arg11[%add3A_48, %dma_start3A_84] : memref<100096x16xf32, #tpu.memory_space<vmem_shared>> -> memref<1024x16xf32, #tpu.memory_space<vmem_shared>>
      %dma_start3A_86 = arith.constant 0 : i32
      %dma_start3A_87 = arith.constant 0 : i32
      %dma_start3A_88 = tpu.memref_slice %arg10[%dma_start3A_86, %dma_start3A_87] : memref<1024x16xf32, #tpu.memory_space<vmem>> -> memref<1024x16xf32, #tpu.memory_space<vmem>>
      %dma_start3A_89 = arith.constant 0 : i32
      %dma_start3A_90 = tpu.memref_slice %arg11[%add3A_48, %dma_start3A_89] : memref<100096x16xf32, #tpu.memory_space<vmem_shared>> -> memref<1024x16xf32, #tpu.memory_space<vmem_shared>>
      tpu.enqueue_dma source(%dma_start3A_90 : memref<1024x16xf32, #tpu.memory_space<vmem_shared>>) target(%dma_start3A_88 : memref<1024x16xf32, #tpu.memory_space<vmem>>) target_semaphore(%run_scoped3A : memref<!tpu.dma_semaphore, #tpu.memory_space<semaphore_mem>>)
      %dma_wait3A = arith.constant 0 : i32
      %dma_wait3A_91 = arith.constant 0 : i32
      %dma_wait3A_92 = tpu.memref_slice %arg10[%dma_wait3A, %dma_wait3A_91] : memref<1024x16xf32, #tpu.memory_space<vmem>> -> memref<1024x16xf32, #tpu.memory_space<vmem>>
      %dma_wait3A_93 = arith.constant 0 : i32
      %dma_wait3A_94 = tpu.memref_slice %arg11[%add3A_48, %dma_wait3A_93] : memref<100096x16xf32, #tpu.memory_space<vmem_shared>> -> memref<1024x16xf32, #tpu.memory_space<vmem_shared>>
      %dma_wait3A_95 = arith.constant 0 : i32
      %dma_wait3A_96 = arith.constant 0 : i32
      %dma_wait3A_97 = tpu.memref_slice %arg10[%dma_wait3A_95, %dma_wait3A_96] : memref<1024x16xf32, #tpu.memory_space<vmem>> -> memref<1024x16xf32, #tpu.memory_space<vmem>>
      %dma_wait3A_98 = arith.constant 0 : i32
      %dma_wait3A_99 = tpu.memref_slice %arg11[%add3A_48, %dma_wait3A_98] : memref<100096x16xf32, #tpu.memory_space<vmem_shared>> -> memref<1024x16xf32, #tpu.memory_space<vmem_shared>>
      tpu.wait_dma2 semaphore(%run_scoped3A : memref<!tpu.dma_semaphore, #tpu.memory_space<semaphore_mem>>) src(%dma_wait3A_99 : memref<1024x16xf32, #tpu.memory_space<vmem_shared>>) dst(%dma_wait3A_97 : memref<1024x16xf32, #tpu.memory_space<vmem>>)
      tpu.yield
    }) : () -> ()
    %mul3A_49 = arith.constant 100096 : i32
    %mul3A_50 = arith.muli %arg0, %mul3A_49 : i32
    %add3A_51 = arith.addi %mul3A_50, %mul3A_8 : i32
    %add3A_52 = arith.constant 2048 : i32
    %add3A_53 = arith.addi %add3A_51, %add3A_52 : i32
    "tpu.region"() ({
      %run_scoped3A = tpu.sem_alloc : memref<!tpu.dma_semaphore, #tpu.memory_space<semaphore_mem>>
      %dma_start3A = arith.constant 0 : i32
      %dma_start3A_82 = arith.constant 0 : i32
      %dma_start3A_83 = tpu.memref_slice %arg10[%dma_start3A, %dma_start3A_82] : memref<1024x16xf32, #tpu.memory_space<vmem>> -> memref<1024x16xf32, #tpu.memory_space<vmem>>
      %dma_start3A_84 = arith.constant 0 : i32
      %dma_start3A_85 = tpu.memref_slice %arg6[%add3A_53, %dma_start3A_84] : memref<200192x16xf32, #tpu.memory_space<hbm>> -> memref<1024x16xf32, #tpu.memory_space<hbm>>
      %dma_start3A_86 = arith.constant 0 : i32
      %dma_start3A_87 = tpu.memref_slice %arg6[%add3A_53, %dma_start3A_86] : memref<200192x16xf32, #tpu.memory_space<hbm>> -> memref<1024x16xf32, #tpu.memory_space<hbm>>
      %dma_start3A_88 = arith.constant 0 : i32
      %dma_start3A_89 = arith.constant 0 : i32
      %dma_start3A_90 = tpu.memref_slice %arg10[%dma_start3A_88, %dma_start3A_89] : memref<1024x16xf32, #tpu.memory_space<vmem>> -> memref<1024x16xf32, #tpu.memory_space<vmem>>
      tpu.enqueue_dma source(%dma_start3A_90 : memref<1024x16xf32, #tpu.memory_space<vmem>>) target(%dma_start3A_87 : memref<1024x16xf32, #tpu.memory_space<hbm>>) target_semaphore(%run_scoped3A : memref<!tpu.dma_semaphore, #tpu.memory_space<semaphore_mem>>)
      %dma_wait3A = arith.constant 0 : i32
      %dma_wait3A_91 = arith.constant 0 : i32
      %dma_wait3A_92 = tpu.memref_slice %arg10[%dma_wait3A, %dma_wait3A_91] : memref<1024x16xf32, #tpu.memory_space<vmem>> -> memref<1024x16xf32, #tpu.memory_space<vmem>>
      %dma_wait3A_93 = arith.constant 0 : i32
      %dma_wait3A_94 = tpu.memref_slice %arg6[%add3A_53, %dma_wait3A_93] : memref<200192x16xf32, #tpu.memory_space<hbm>> -> memref<1024x16xf32, #tpu.memory_space<hbm>>
      %dma_wait3A_95 = arith.constant 0 : i32
      %dma_wait3A_96 = tpu.memref_slice %arg6[%add3A_53, %dma_wait3A_95] : memref<200192x16xf32, #tpu.memory_space<hbm>> -> memref<1024x16xf32, #tpu.memory_space<hbm>>
      %dma_wait3A_97 = arith.constant 0 : i32
      %dma_wait3A_98 = arith.constant 0 : i32
      %dma_wait3A_99 = tpu.memref_slice %arg10[%dma_wait3A_97, %dma_wait3A_98] : memref<1024x16xf32, #tpu.memory_space<vmem>> -> memref<1024x16xf32, #tpu.memory_space<vmem>>
      tpu.wait_dma2 semaphore(%run_scoped3A : memref<!tpu.dma_semaphore, #tpu.memory_space<semaphore_mem>>) src(%dma_wait3A_99 : memref<1024x16xf32, #tpu.memory_space<vmem>>) dst(%dma_wait3A_96 : memref<1024x16xf32, #tpu.memory_space<hbm>>)
      tpu.yield
    }) : () -> ()
    %add3A_54 = arith.constant 3072 : i32
    %add3A_55 = arith.addi %mul3A_8, %add3A_54 : i32
    "tpu.region"() ({
      %run_scoped3A = tpu.sem_alloc : memref<!tpu.dma_semaphore, #tpu.memory_space<semaphore_mem>>
      %dma_start3A = arith.constant 0 : i32
      %dma_start3A_82 = arith.constant 0 : i32
      %dma_start3A_83 = tpu.memref_slice %arg10[%dma_start3A, %dma_start3A_82] : memref<1024x16xf32, #tpu.memory_space<vmem>> -> memref<1024x16xf32, #tpu.memory_space<vmem>>
      %dma_start3A_84 = arith.constant 0 : i32
      %dma_start3A_85 = tpu.memref_slice %arg11[%add3A_55, %dma_start3A_84] : memref<100096x16xf32, #tpu.memory_space<vmem_shared>> -> memref<1024x16xf32, #tpu.memory_space<vmem_shared>>
      %dma_start3A_86 = arith.constant 0 : i32
      %dma_start3A_87 = arith.constant 0 : i32
      %dma_start3A_88 = tpu.memref_slice %arg10[%dma_start3A_86, %dma_start3A_87] : memref<1024x16xf32, #tpu.memory_space<vmem>> -> memref<1024x16xf32, #tpu.memory_space<vmem>>
      %dma_start3A_89 = arith.constant 0 : i32
      %dma_start3A_90 = tpu.memref_slice %arg11[%add3A_55, %dma_start3A_89] : memref<100096x16xf32, #tpu.memory_space<vmem_shared>> -> memref<1024x16xf32, #tpu.memory_space<vmem_shared>>
      tpu.enqueue_dma source(%dma_start3A_90 : memref<1024x16xf32, #tpu.memory_space<vmem_shared>>) target(%dma_start3A_88 : memref<1024x16xf32, #tpu.memory_space<vmem>>) target_semaphore(%run_scoped3A : memref<!tpu.dma_semaphore, #tpu.memory_space<semaphore_mem>>)
      %dma_wait3A = arith.constant 0 : i32
      %dma_wait3A_91 = arith.constant 0 : i32
      %dma_wait3A_92 = tpu.memref_slice %arg10[%dma_wait3A, %dma_wait3A_91] : memref<1024x16xf32, #tpu.memory_space<vmem>> -> memref<1024x16xf32, #tpu.memory_space<vmem>>
      %dma_wait3A_93 = arith.constant 0 : i32
      %dma_wait3A_94 = tpu.memref_slice %arg11[%add3A_55, %dma_wait3A_93] : memref<100096x16xf32, #tpu.memory_space<vmem_shared>> -> memref<1024x16xf32, #tpu.memory_space<vmem_shared>>
      %dma_wait3A_95 = arith.constant 0 : i32
      %dma_wait3A_96 = arith.constant 0 : i32
      %dma_wait3A_97 = tpu.memref_slice %arg10[%dma_wait3A_95, %dma_wait3A_96] : memref<1024x16xf32, #tpu.memory_space<vmem>> -> memref<1024x16xf32, #tpu.memory_space<vmem>>
      %dma_wait3A_98 = arith.constant 0 : i32
      %dma_wait3A_99 = tpu.memref_slice %arg11[%add3A_55, %dma_wait3A_98] : memref<100096x16xf32, #tpu.memory_space<vmem_shared>> -> memref<1024x16xf32, #tpu.memory_space<vmem_shared>>
      tpu.wait_dma2 semaphore(%run_scoped3A : memref<!tpu.dma_semaphore, #tpu.memory_space<semaphore_mem>>) src(%dma_wait3A_99 : memref<1024x16xf32, #tpu.memory_space<vmem_shared>>) dst(%dma_wait3A_97 : memref<1024x16xf32, #tpu.memory_space<vmem>>)
      tpu.yield
    }) : () -> ()
    %mul3A_56 = arith.constant 100096 : i32
    %mul3A_57 = arith.muli %arg0, %mul3A_56 : i32
    %add3A_58 = arith.addi %mul3A_57, %mul3A_8 : i32
    %add3A_59 = arith.constant 3072 : i32
    %add3A_60 = arith.addi %add3A_58, %add3A_59 : i32
    "tpu.region"() ({
      %run_scoped3A = tpu.sem_alloc : memref<!tpu.dma_semaphore, #tpu.memory_space<semaphore_mem>>
      %dma_start3A = arith.constant 0 : i32
      %dma_start3A_82 = arith.constant 0 : i32
      %dma_start3A_83 = tpu.memref_slice %arg10[%dma_start3A, %dma_start3A_82] : memref<1024x16xf32, #tpu.memory_space<vmem>> -> memref<1024x16xf32, #tpu.memory_space<vmem>>
      %dma_start3A_84 = arith.constant 0 : i32
      %dma_start3A_85 = tpu.memref_slice %arg6[%add3A_60, %dma_start3A_84] : memref<200192x16xf32, #tpu.memory_space<hbm>> -> memref<1024x16xf32, #tpu.memory_space<hbm>>
      %dma_start3A_86 = arith.constant 0 : i32
      %dma_start3A_87 = tpu.memref_slice %arg6[%add3A_60, %dma_start3A_86] : memref<200192x16xf32, #tpu.memory_space<hbm>> -> memref<1024x16xf32, #tpu.memory_space<hbm>>
      %dma_start3A_88 = arith.constant 0 : i32
      %dma_start3A_89 = arith.constant 0 : i32
      %dma_start3A_90 = tpu.memref_slice %arg10[%dma_start3A_88, %dma_start3A_89] : memref<1024x16xf32, #tpu.memory_space<vmem>> -> memref<1024x16xf32, #tpu.memory_space<vmem>>
      tpu.enqueue_dma source(%dma_start3A_90 : memref<1024x16xf32, #tpu.memory_space<vmem>>) target(%dma_start3A_87 : memref<1024x16xf32, #tpu.memory_space<hbm>>) target_semaphore(%run_scoped3A : memref<!tpu.dma_semaphore, #tpu.memory_space<semaphore_mem>>)
      %dma_wait3A = arith.constant 0 : i32
      %dma_wait3A_91 = arith.constant 0 : i32
      %dma_wait3A_92 = tpu.memref_slice %arg10[%dma_wait3A, %dma_wait3A_91] : memref<1024x16xf32, #tpu.memory_space<vmem>> -> memref<1024x16xf32, #tpu.memory_space<vmem>>
      %dma_wait3A_93 = arith.constant 0 : i32
      %dma_wait3A_94 = tpu.memref_slice %arg6[%add3A_60, %dma_wait3A_93] : memref<200192x16xf32, #tpu.memory_space<hbm>> -> memref<1024x16xf32, #tpu.memory_space<hbm>>
      %dma_wait3A_95 = arith.constant 0 : i32
      %dma_wait3A_96 = tpu.memref_slice %arg6[%add3A_60, %dma_wait3A_95] : memref<200192x16xf32, #tpu.memory_space<hbm>> -> memref<1024x16xf32, #tpu.memory_space<hbm>>
      %dma_wait3A_97 = arith.constant 0 : i32
      %dma_wait3A_98 = arith.constant 0 : i32
      %dma_wait3A_99 = tpu.memref_slice %arg10[%dma_wait3A_97, %dma_wait3A_98] : memref<1024x16xf32, #tpu.memory_space<vmem>> -> memref<1024x16xf32, #tpu.memory_space<vmem>>
      tpu.wait_dma2 semaphore(%run_scoped3A : memref<!tpu.dma_semaphore, #tpu.memory_space<semaphore_mem>>) src(%dma_wait3A_99 : memref<1024x16xf32, #tpu.memory_space<vmem>>) dst(%dma_wait3A_96 : memref<1024x16xf32, #tpu.memory_space<hbm>>)
      tpu.yield
    }) : () -> ()
    %add3A_61 = arith.constant 4096 : i32
    %add3A_62 = arith.addi %mul3A_8, %add3A_61 : i32
    "tpu.region"() ({
      %run_scoped3A = tpu.sem_alloc : memref<!tpu.dma_semaphore, #tpu.memory_space<semaphore_mem>>
      %dma_start3A = arith.constant 0 : i32
      %dma_start3A_82 = arith.constant 0 : i32
      %dma_start3A_83 = tpu.memref_slice %arg10[%dma_start3A, %dma_start3A_82] : memref<1024x16xf32, #tpu.memory_space<vmem>> -> memref<1024x16xf32, #tpu.memory_space<vmem>>
      %dma_start3A_84 = arith.constant 0 : i32
      %dma_start3A_85 = tpu.memref_slice %arg11[%add3A_62, %dma_start3A_84] : memref<100096x16xf32, #tpu.memory_space<vmem_shared>> -> memref<1024x16xf32, #tpu.memory_space<vmem_shared>>
      %dma_start3A_86 = arith.constant 0 : i32
      %dma_start3A_87 = arith.constant 0 : i32
      %dma_start3A_88 = tpu.memref_slice %arg10[%dma_start3A_86, %dma_start3A_87] : memref<1024x16xf32, #tpu.memory_space<vmem>> -> memref<1024x16xf32, #tpu.memory_space<vmem>>
      %dma_start3A_89 = arith.constant 0 : i32
      %dma_start3A_90 = tpu.memref_slice %arg11[%add3A_62, %dma_start3A_89] : memref<100096x16xf32, #tpu.memory_space<vmem_shared>> -> memref<1024x16xf32, #tpu.memory_space<vmem_shared>>
      tpu.enqueue_dma source(%dma_start3A_90 : memref<1024x16xf32, #tpu.memory_space<vmem_shared>>) target(%dma_start3A_88 : memref<1024x16xf32, #tpu.memory_space<vmem>>) target_semaphore(%run_scoped3A : memref<!tpu.dma_semaphore, #tpu.memory_space<semaphore_mem>>)
      %dma_wait3A = arith.constant 0 : i32
      %dma_wait3A_91 = arith.constant 0 : i32
      %dma_wait3A_92 = tpu.memref_slice %arg10[%dma_wait3A, %dma_wait3A_91] : memref<1024x16xf32, #tpu.memory_space<vmem>> -> memref<1024x16xf32, #tpu.memory_space<vmem>>
      %dma_wait3A_93 = arith.constant 0 : i32
      %dma_wait3A_94 = tpu.memref_slice %arg11[%add3A_62, %dma_wait3A_93] : memref<100096x16xf32, #tpu.memory_space<vmem_shared>> -> memref<1024x16xf32, #tpu.memory_space<vmem_shared>>
      %dma_wait3A_95 = arith.constant 0 : i32
      %dma_wait3A_96 = arith.constant 0 : i32
      %dma_wait3A_97 = tpu.memref_slice %arg10[%dma_wait3A_95, %dma_wait3A_96] : memref<1024x16xf32, #tpu.memory_space<vmem>> -> memref<1024x16xf32, #tpu.memory_space<vmem>>
      %dma_wait3A_98 = arith.constant 0 : i32
      %dma_wait3A_99 = tpu.memref_slice %arg11[%add3A_62, %dma_wait3A_98] : memref<100096x16xf32, #tpu.memory_space<vmem_shared>> -> memref<1024x16xf32, #tpu.memory_space<vmem_shared>>
      tpu.wait_dma2 semaphore(%run_scoped3A : memref<!tpu.dma_semaphore, #tpu.memory_space<semaphore_mem>>) src(%dma_wait3A_99 : memref<1024x16xf32, #tpu.memory_space<vmem_shared>>) dst(%dma_wait3A_97 : memref<1024x16xf32, #tpu.memory_space<vmem>>)
      tpu.yield
    }) : () -> ()
    %mul3A_63 = arith.constant 100096 : i32
    %mul3A_64 = arith.muli %arg0, %mul3A_63 : i32
    %add3A_65 = arith.addi %mul3A_64, %mul3A_8 : i32
    %add3A_66 = arith.constant 4096 : i32
    %add3A_67 = arith.addi %add3A_65, %add3A_66 : i32
    "tpu.region"() ({
      %run_scoped3A = tpu.sem_alloc : memref<!tpu.dma_semaphore, #tpu.memory_space<semaphore_mem>>
      %dma_start3A = arith.constant 0 : i32
      %dma_start3A_82 = arith.constant 0 : i32
      %dma_start3A_83 = tpu.memref_slice %arg10[%dma_start3A, %dma_start3A_82] : memref<1024x16xf32, #tpu.memory_space<vmem>> -> memref<1024x16xf32, #tpu.memory_space<vmem>>
      %dma_start3A_84 = arith.constant 0 : i32
      %dma_start3A_85 = tpu.memref_slice %arg6[%add3A_67, %dma_start3A_84] : memref<200192x16xf32, #tpu.memory_space<hbm>> -> memref<1024x16xf32, #tpu.memory_space<hbm>>
      %dma_start3A_86 = arith.constant 0 : i32
      %dma_start3A_87 = tpu.memref_slice %arg6[%add3A_67, %dma_start3A_86] : memref<200192x16xf32, #tpu.memory_space<hbm>> -> memref<1024x16xf32, #tpu.memory_space<hbm>>
      %dma_start3A_88 = arith.constant 0 : i32
      %dma_start3A_89 = arith.constant 0 : i32
      %dma_start3A_90 = tpu.memref_slice %arg10[%dma_start3A_88, %dma_start3A_89] : memref<1024x16xf32, #tpu.memory_space<vmem>> -> memref<1024x16xf32, #tpu.memory_space<vmem>>
      tpu.enqueue_dma source(%dma_start3A_90 : memref<1024x16xf32, #tpu.memory_space<vmem>>) target(%dma_start3A_87 : memref<1024x16xf32, #tpu.memory_space<hbm>>) target_semaphore(%run_scoped3A : memref<!tpu.dma_semaphore, #tpu.memory_space<semaphore_mem>>)
      %dma_wait3A = arith.constant 0 : i32
      %dma_wait3A_91 = arith.constant 0 : i32
      %dma_wait3A_92 = tpu.memref_slice %arg10[%dma_wait3A, %dma_wait3A_91] : memref<1024x16xf32, #tpu.memory_space<vmem>> -> memref<1024x16xf32, #tpu.memory_space<vmem>>
      %dma_wait3A_93 = arith.constant 0 : i32
      %dma_wait3A_94 = tpu.memref_slice %arg6[%add3A_67, %dma_wait3A_93] : memref<200192x16xf32, #tpu.memory_space<hbm>> -> memref<1024x16xf32, #tpu.memory_space<hbm>>
      %dma_wait3A_95 = arith.constant 0 : i32
      %dma_wait3A_96 = tpu.memref_slice %arg6[%add3A_67, %dma_wait3A_95] : memref<200192x16xf32, #tpu.memory_space<hbm>> -> memref<1024x16xf32, #tpu.memory_space<hbm>>
      %dma_wait3A_97 = arith.constant 0 : i32
      %dma_wait3A_98 = arith.constant 0 : i32
      %dma_wait3A_99 = tpu.memref_slice %arg10[%dma_wait3A_97, %dma_wait3A_98] : memref<1024x16xf32, #tpu.memory_space<vmem>> -> memref<1024x16xf32, #tpu.memory_space<vmem>>
      tpu.wait_dma2 semaphore(%run_scoped3A : memref<!tpu.dma_semaphore, #tpu.memory_space<semaphore_mem>>) src(%dma_wait3A_99 : memref<1024x16xf32, #tpu.memory_space<vmem>>) dst(%dma_wait3A_96 : memref<1024x16xf32, #tpu.memory_space<hbm>>)
      tpu.yield
    }) : () -> ()
    %add3A_68 = arith.constant 5120 : i32
    %add3A_69 = arith.addi %mul3A_8, %add3A_68 : i32
    "tpu.region"() ({
      %run_scoped3A = tpu.sem_alloc : memref<!tpu.dma_semaphore, #tpu.memory_space<semaphore_mem>>
      %dma_start3A = arith.constant 0 : i32
      %dma_start3A_82 = arith.constant 0 : i32
      %dma_start3A_83 = tpu.memref_slice %arg10[%dma_start3A, %dma_start3A_82] : memref<1024x16xf32, #tpu.memory_space<vmem>> -> memref<1024x16xf32, #tpu.memory_space<vmem>>
      %dma_start3A_84 = arith.constant 0 : i32
      %dma_start3A_85 = tpu.memref_slice %arg11[%add3A_69, %dma_start3A_84] : memref<100096x16xf32, #tpu.memory_space<vmem_shared>> -> memref<1024x16xf32, #tpu.memory_space<vmem_shared>>
      %dma_start3A_86 = arith.constant 0 : i32
      %dma_start3A_87 = arith.constant 0 : i32
      %dma_start3A_88 = tpu.memref_slice %arg10[%dma_start3A_86, %dma_start3A_87] : memref<1024x16xf32, #tpu.memory_space<vmem>> -> memref<1024x16xf32, #tpu.memory_space<vmem>>
      %dma_start3A_89 = arith.constant 0 : i32
      %dma_start3A_90 = tpu.memref_slice %arg11[%add3A_69, %dma_start3A_89] : memref<100096x16xf32, #tpu.memory_space<vmem_shared>> -> memref<1024x16xf32, #tpu.memory_space<vmem_shared>>
      tpu.enqueue_dma source(%dma_start3A_90 : memref<1024x16xf32, #tpu.memory_space<vmem_shared>>) target(%dma_start3A_88 : memref<1024x16xf32, #tpu.memory_space<vmem>>) target_semaphore(%run_scoped3A : memref<!tpu.dma_semaphore, #tpu.memory_space<semaphore_mem>>)
      %dma_wait3A = arith.constant 0 : i32
      %dma_wait3A_91 = arith.constant 0 : i32
      %dma_wait3A_92 = tpu.memref_slice %arg10[%dma_wait3A, %dma_wait3A_91] : memref<1024x16xf32, #tpu.memory_space<vmem>> -> memref<1024x16xf32, #tpu.memory_space<vmem>>
      %dma_wait3A_93 = arith.constant 0 : i32
      %dma_wait3A_94 = tpu.memref_slice %arg11[%add3A_69, %dma_wait3A_93] : memref<100096x16xf32, #tpu.memory_space<vmem_shared>> -> memref<1024x16xf32, #tpu.memory_space<vmem_shared>>
      %dma_wait3A_95 = arith.constant 0 : i32
      %dma_wait3A_96 = arith.constant 0 : i32
      %dma_wait3A_97 = tpu.memref_slice %arg10[%dma_wait3A_95, %dma_wait3A_96] : memref<1024x16xf32, #tpu.memory_space<vmem>> -> memref<1024x16xf32, #tpu.memory_space<vmem>>
      %dma_wait3A_98 = arith.constant 0 : i32
      %dma_wait3A_99 = tpu.memref_slice %arg11[%add3A_69, %dma_wait3A_98] : memref<100096x16xf32, #tpu.memory_space<vmem_shared>> -> memref<1024x16xf32, #tpu.memory_space<vmem_shared>>
      tpu.wait_dma2 semaphore(%run_scoped3A : memref<!tpu.dma_semaphore, #tpu.memory_space<semaphore_mem>>) src(%dma_wait3A_99 : memref<1024x16xf32, #tpu.memory_space<vmem_shared>>) dst(%dma_wait3A_97 : memref<1024x16xf32, #tpu.memory_space<vmem>>)
      tpu.yield
    }) : () -> ()
    %mul3A_70 = arith.constant 100096 : i32
    %mul3A_71 = arith.muli %arg0, %mul3A_70 : i32
    %add3A_72 = arith.addi %mul3A_71, %mul3A_8 : i32
    %add3A_73 = arith.constant 5120 : i32
    %add3A_74 = arith.addi %add3A_72, %add3A_73 : i32
    "tpu.region"() ({
      %run_scoped3A = tpu.sem_alloc : memref<!tpu.dma_semaphore, #tpu.memory_space<semaphore_mem>>
      %dma_start3A = arith.constant 0 : i32
      %dma_start3A_82 = arith.constant 0 : i32
      %dma_start3A_83 = tpu.memref_slice %arg10[%dma_start3A, %dma_start3A_82] : memref<1024x16xf32, #tpu.memory_space<vmem>> -> memref<1024x16xf32, #tpu.memory_space<vmem>>
      %dma_start3A_84 = arith.constant 0 : i32
      %dma_start3A_85 = tpu.memref_slice %arg6[%add3A_74, %dma_start3A_84] : memref<200192x16xf32, #tpu.memory_space<hbm>> -> memref<1024x16xf32, #tpu.memory_space<hbm>>
      %dma_start3A_86 = arith.constant 0 : i32
      %dma_start3A_87 = tpu.memref_slice %arg6[%add3A_74, %dma_start3A_86] : memref<200192x16xf32, #tpu.memory_space<hbm>> -> memref<1024x16xf32, #tpu.memory_space<hbm>>
      %dma_start3A_88 = arith.constant 0 : i32
      %dma_start3A_89 = arith.constant 0 : i32
      %dma_start3A_90 = tpu.memref_slice %arg10[%dma_start3A_88, %dma_start3A_89] : memref<1024x16xf32, #tpu.memory_space<vmem>> -> memref<1024x16xf32, #tpu.memory_space<vmem>>
      tpu.enqueue_dma source(%dma_start3A_90 : memref<1024x16xf32, #tpu.memory_space<vmem>>) target(%dma_start3A_87 : memref<1024x16xf32, #tpu.memory_space<hbm>>) target_semaphore(%run_scoped3A : memref<!tpu.dma_semaphore, #tpu.memory_space<semaphore_mem>>)
      %dma_wait3A = arith.constant 0 : i32
      %dma_wait3A_91 = arith.constant 0 : i32
      %dma_wait3A_92 = tpu.memref_slice %arg10[%dma_wait3A, %dma_wait3A_91] : memref<1024x16xf32, #tpu.memory_space<vmem>> -> memref<1024x16xf32, #tpu.memory_space<vmem>>
      %dma_wait3A_93 = arith.constant 0 : i32
      %dma_wait3A_94 = tpu.memref_slice %arg6[%add3A_74, %dma_wait3A_93] : memref<200192x16xf32, #tpu.memory_space<hbm>> -> memref<1024x16xf32, #tpu.memory_space<hbm>>
      %dma_wait3A_95 = arith.constant 0 : i32
      %dma_wait3A_96 = tpu.memref_slice %arg6[%add3A_74, %dma_wait3A_95] : memref<200192x16xf32, #tpu.memory_space<hbm>> -> memref<1024x16xf32, #tpu.memory_space<hbm>>
      %dma_wait3A_97 = arith.constant 0 : i32
      %dma_wait3A_98 = arith.constant 0 : i32
      %dma_wait3A_99 = tpu.memref_slice %arg10[%dma_wait3A_97, %dma_wait3A_98] : memref<1024x16xf32, #tpu.memory_space<vmem>> -> memref<1024x16xf32, #tpu.memory_space<vmem>>
      tpu.wait_dma2 semaphore(%run_scoped3A : memref<!tpu.dma_semaphore, #tpu.memory_space<semaphore_mem>>) src(%dma_wait3A_99 : memref<1024x16xf32, #tpu.memory_space<vmem>>) dst(%dma_wait3A_96 : memref<1024x16xf32, #tpu.memory_space<hbm>>)
      tpu.yield
    }) : () -> ()
    %add3A_75 = arith.constant 6144 : i32
    %add3A_76 = arith.addi %mul3A_8, %add3A_75 : i32
    "tpu.region"() ({
      %run_scoped3A = tpu.sem_alloc : memref<!tpu.dma_semaphore, #tpu.memory_space<semaphore_mem>>
      %dma_start3A = arith.constant 0 : i32
      %dma_start3A_82 = arith.constant 0 : i32
      %dma_start3A_83 = tpu.memref_slice %arg10[%dma_start3A, %dma_start3A_82] : memref<1024x16xf32, #tpu.memory_space<vmem>> -> memref<112x16xf32, #tpu.memory_space<vmem>>
      %dma_start3A_84 = arith.constant 0 : i32
      %dma_start3A_85 = tpu.memref_slice %arg11[%add3A_76, %dma_start3A_84] : memref<100096x16xf32, #tpu.memory_space<vmem_shared>> -> memref<112x16xf32, #tpu.memory_space<vmem_shared>>
      %dma_start3A_86 = arith.constant 0 : i32
      %dma_start3A_87 = arith.constant 0 : i32
      %dma_start3A_88 = tpu.memref_slice %arg10[%dma_start3A_86, %dma_start3A_87] : memref<1024x16xf32, #tpu.memory_space<vmem>> -> memref<112x16xf32, #tpu.memory_space<vmem>>
      %dma_start3A_89 = arith.constant 0 : i32
      %dma_start3A_90 = tpu.memref_slice %arg11[%add3A_76, %dma_start3A_89] : memref<100096x16xf32, #tpu.memory_space<vmem_shared>> -> memref<112x16xf32, #tpu.memory_space<vmem_shared>>
      tpu.enqueue_dma source(%dma_start3A_90 : memref<112x16xf32, #tpu.memory_space<vmem_shared>>) target(%dma_start3A_88 : memref<112x16xf32, #tpu.memory_space<vmem>>) target_semaphore(%run_scoped3A : memref<!tpu.dma_semaphore, #tpu.memory_space<semaphore_mem>>)
      %dma_wait3A = arith.constant 0 : i32
      %dma_wait3A_91 = arith.constant 0 : i32
      %dma_wait3A_92 = tpu.memref_slice %arg10[%dma_wait3A, %dma_wait3A_91] : memref<1024x16xf32, #tpu.memory_space<vmem>> -> memref<112x16xf32, #tpu.memory_space<vmem>>
      %dma_wait3A_93 = arith.constant 0 : i32
      %dma_wait3A_94 = tpu.memref_slice %arg11[%add3A_76, %dma_wait3A_93] : memref<100096x16xf32, #tpu.memory_space<vmem_shared>> -> memref<112x16xf32, #tpu.memory_space<vmem_shared>>
      %dma_wait3A_95 = arith.constant 0 : i32
      %dma_wait3A_96 = arith.constant 0 : i32
      %dma_wait3A_97 = tpu.memref_slice %arg10[%dma_wait3A_95, %dma_wait3A_96] : memref<1024x16xf32, #tpu.memory_space<vmem>> -> memref<112x16xf32, #tpu.memory_space<vmem>>
      %dma_wait3A_98 = arith.constant 0 : i32
      %dma_wait3A_99 = tpu.memref_slice %arg11[%add3A_76, %dma_wait3A_98] : memref<100096x16xf32, #tpu.memory_space<vmem_shared>> -> memref<112x16xf32, #tpu.memory_space<vmem_shared>>
      tpu.wait_dma2 semaphore(%run_scoped3A : memref<!tpu.dma_semaphore, #tpu.memory_space<semaphore_mem>>) src(%dma_wait3A_99 : memref<112x16xf32, #tpu.memory_space<vmem_shared>>) dst(%dma_wait3A_97 : memref<112x16xf32, #tpu.memory_space<vmem>>)
      tpu.yield
    }) : () -> ()
    %mul3A_77 = arith.constant 100096 : i32
    %mul3A_78 = arith.muli %arg0, %mul3A_77 : i32
    %add3A_79 = arith.addi %mul3A_78, %mul3A_8 : i32
    %add3A_80 = arith.constant 6144 : i32
    %add3A_81 = arith.addi %add3A_79, %add3A_80 : i32
    "tpu.region"() ({
      %run_scoped3A = tpu.sem_alloc : memref<!tpu.dma_semaphore, #tpu.memory_space<semaphore_mem>>
      %dma_start3A = arith.constant 0 : i32
      %dma_start3A_82 = arith.constant 0 : i32
      %dma_start3A_83 = tpu.memref_slice %arg10[%dma_start3A, %dma_start3A_82] : memref<1024x16xf32, #tpu.memory_space<vmem>> -> memref<112x16xf32, #tpu.memory_space<vmem>>
      %dma_start3A_84 = arith.constant 0 : i32
      %dma_start3A_85 = tpu.memref_slice %arg6[%add3A_81, %dma_start3A_84] : memref<200192x16xf32, #tpu.memory_space<hbm>> -> memref<112x16xf32, #tpu.memory_space<hbm>>
      %dma_start3A_86 = arith.constant 0 : i32
      %dma_start3A_87 = tpu.memref_slice %arg6[%add3A_81, %dma_start3A_86] : memref<200192x16xf32, #tpu.memory_space<hbm>> -> memref<112x16xf32, #tpu.memory_space<hbm>>
      %dma_start3A_88 = arith.constant 0 : i32
      %dma_start3A_89 = arith.constant 0 : i32
      %dma_start3A_90 = tpu.memref_slice %arg10[%dma_start3A_88, %dma_start3A_89] : memref<1024x16xf32, #tpu.memory_space<vmem>> -> memref<112x16xf32, #tpu.memory_space<vmem>>
      tpu.enqueue_dma source(%dma_start3A_90 : memref<112x16xf32, #tpu.memory_space<vmem>>) target(%dma_start3A_87 : memref<112x16xf32, #tpu.memory_space<hbm>>) target_semaphore(%run_scoped3A : memref<!tpu.dma_semaphore, #tpu.memory_space<semaphore_mem>>)
      %dma_wait3A = arith.constant 0 : i32
      %dma_wait3A_91 = arith.constant 0 : i32
      %dma_wait3A_92 = tpu.memref_slice %arg10[%dma_wait3A, %dma_wait3A_91] : memref<1024x16xf32, #tpu.memory_space<vmem>> -> memref<112x16xf32, #tpu.memory_space<vmem>>
      %dma_wait3A_93 = arith.constant 0 : i32
      %dma_wait3A_94 = tpu.memref_slice %arg6[%add3A_81, %dma_wait3A_93] : memref<200192x16xf32, #tpu.memory_space<hbm>> -> memref<112x16xf32, #tpu.memory_space<hbm>>
      %dma_wait3A_95 = arith.constant 0 : i32
      %dma_wait3A_96 = tpu.memref_slice %arg6[%add3A_81, %dma_wait3A_95] : memref<200192x16xf32, #tpu.memory_space<hbm>> -> memref<112x16xf32, #tpu.memory_space<hbm>>
      %dma_wait3A_97 = arith.constant 0 : i32
      %dma_wait3A_98 = arith.constant 0 : i32
      %dma_wait3A_99 = tpu.memref_slice %arg10[%dma_wait3A_97, %dma_wait3A_98] : memref<1024x16xf32, #tpu.memory_space<vmem>> -> memref<112x16xf32, #tpu.memory_space<vmem>>
      tpu.wait_dma2 semaphore(%run_scoped3A : memref<!tpu.dma_semaphore, #tpu.memory_space<semaphore_mem>>) src(%dma_wait3A_99 : memref<112x16xf32, #tpu.memory_space<vmem>>) dst(%dma_wait3A_96 : memref<112x16xf32, #tpu.memory_space<hbm>>)
      tpu.yield
    }) : () -> ()
    return
  }
}

module attributes {stable_mosaic.version = 14 : i64} {
  func.func @_xd_tc_kernel(%arg0: i32, %arg1: memref<2x1024xf32, #tpu.memory_space<vmem>>, %arg2: memref<1024x12xf32, #tpu.memory_space<vmem>>, %arg3: memref<1024x16xf32, #tpu.memory_space<vmem>>) attributes {dimension_semantics = [#tpu.dimension_semantics<arbitrary>], iteration_bounds = array<i64: 98>, scalar_prefetch = 0 : i64, scratch_operands = 0 : i64, tpu.core_type = #tpu.core_type<tc>, window_params = [{transform_indices = @transform_0, window_bounds = array<i64: 2, 1024>}, {transform_indices = @transform_1, window_bounds = array<i64: 1024, 12>}, {transform_indices = @transform_2, window_bounds = array<i64: 1024, 16>}]} {
    %get3A = arith.constant 0 : index
    %get3A_0 = arith.constant 0 : index
    %get3A_1 = vector.load %arg1[%get3A, %get3A_0] : memref<2x1024xf32, #tpu.memory_space<vmem>>, vector<1x1024xf32>
    %get3A_2 = vector.shape_cast %get3A_1 : vector<1x1024xf32> to vector<1024xf32>
    %get3A_3 = arith.constant 1 : index
    %get3A_4 = arith.constant 0 : index
    %get3A_5 = vector.load %arg1[%get3A_3, %get3A_4] : memref<2x1024xf32, #tpu.memory_space<vmem>>, vector<1x1024xf32>
    %get3A_6 = vector.shape_cast %get3A_5 : vector<1x1024xf32> to vector<1024xf32>
    %add3A = arith.addf %get3A_2, %get3A_6 : vector<1024xf32>
    %add3A_7 = arith.constant 1.000000e+00 : f32
    %add3A_8 = vector.broadcast %add3A_7 : f32 to vector<1024xf32>
    %add3A_9 = arith.addf %add3A, %add3A_8 : vector<1024xf32>
    %rsqrt3A = math.rsqrt %add3A_9 : vector<1024xf32>
    %broadcast_in_dim3A = vector.shape_cast %rsqrt3A : vector<1024xf32> to vector<1024x1xf32>
    %get3A_10 = arith.constant 0 : index
    %get3A_11 = arith.constant 0 : index
    %get3A_12 = vector.load %arg2[%get3A_10, %get3A_11] : memref<1024x12xf32, #tpu.memory_space<vmem>>, vector<1024x12xf32>
    %mul3A = vector.broadcast %broadcast_in_dim3A : vector<1024x1xf32> to vector<1024x12xf32>
    %mul3A_13 = arith.mulf %get3A_12, %mul3A : vector<1024x12xf32>
    %broadcast_in_dim3A_14 = arith.constant 0.000000e+00 : f32
    %broadcast_in_dim3A_15 = vector.broadcast %broadcast_in_dim3A_14 : f32 to vector<1024x3xf32>
    %concatenate3A = tpu.concatenate %mul3A_13, %broadcast_in_dim3A, %broadcast_in_dim3A_15 in 1 : vector<1024x12xf32>, vector<1024x1xf32>, vector<1024x3xf32> -> vector<1024x16xf32>
    %swap3A = arith.constant 0 : index
    %swap3A_16 = arith.constant 0 : index
    %swap3A_17 = vector.load %arg3[%swap3A, %swap3A_16] : memref<1024x16xf32, #tpu.memory_space<vmem>>, vector<1024x16xf32>
    tpu.vector_store %arg3[%swap3A, %swap3A_16], %concatenate3A {strides = array<i32>} : memref<1024x16xf32, #tpu.memory_space<vmem>>, vector<1024x16xf32>,
    return
  }
  func.func @transform_0(%arg0: i32) -> (i32, i32) {
    %c0_i32 = arith.constant 0 : i32
    %c0_i32_0 = arith.constant 0 : i32
    return %c0_i32, %arg0 : i32, i32
  }
  func.func @transform_1(%arg0: i32) -> (i32, i32) {
    %c0_i32 = arith.constant 0 : i32
    %c0_i32_0 = arith.constant 0 : i32
    return %arg0, %c0_i32 : i32, i32
  }
  func.func @transform_2(%arg0: i32) -> (i32, i32) {
    %c0_i32 = arith.constant 0 : i32
    %c0_i32_0 = arith.constant 0 : i32
    return %arg0, %c0_i32 : i32, i32
  }
}

module attributes {stable_mosaic.version = 14 : i64} {
  func.func @_dense_tc_kernel(%arg0: i32, %arg1: memref<12x1024xf32, #tpu.memory_space<vmem>>, %arg2: memref<2x1024xf32, #tpu.memory_space<vmem>>, %arg3: memref<2x128x128xf32, #tpu.memory_space<vmem>>, %arg4: memref<32x128xf32, #tpu.memory_space<vmem>>, %arg5: memref<1024xf32, #tpu.memory_space<vmem>>) attributes {dimension_semantics = [#tpu.dimension_semantics<arbitrary>], iteration_bounds = array<i64: 98>, scalar_prefetch = 0 : i64, scratch_operands = 0 : i64, tpu.core_type = #tpu.core_type<tc>, window_params = [{transform_indices = @transform_0, window_bounds = array<i64: 12, 1024>}, {transform_indices = @transform_1, window_bounds = array<i64: 2, 1024>}, {transform_indices = @transform_2, window_bounds = array<i64: 2, 128, 128>}, {pipeline_mode = #tpu.pipeline_mode<synchronous>, transform_indices = @transform_3, window_bounds = array<i64: 32, 128>}, {transform_indices = @transform_4, window_bounds = array<i64: 1024>}]} {
    %get3A = arith.constant 0 : index
    %get3A_0 = arith.constant 0 : index
    %get3A_1 = vector.load %arg2[%get3A, %get3A_0] : memref<2x1024xf32, #tpu.memory_space<vmem>>, vector<1x1024xf32>
    %get3A_2 = vector.shape_cast %get3A_1 : vector<1x1024xf32> to vector<1024xf32>
    %get3A_3 = arith.constant 1 : index
    %get3A_4 = arith.constant 0 : index
    %get3A_5 = vector.load %arg2[%get3A_3, %get3A_4] : memref<2x1024xf32, #tpu.memory_space<vmem>>, vector<1x1024xf32>
    %get3A_6 = vector.shape_cast %get3A_5 : vector<1x1024xf32> to vector<1024xf32>
    %add3A = arith.addf %get3A_2, %get3A_6 : vector<1024xf32>
    %add3A_7 = arith.constant 1.000000e+00 : f32
    %add3A_8 = vector.broadcast %add3A_7 : f32 to vector<1024xf32>
    %add3A_9 = arith.addf %add3A, %add3A_8 : vector<1024xf32>
    %rsqrt3A = math.rsqrt %add3A_9 : vector<1024xf32>
    %broadcast_in_dim3A = vector.shape_cast %rsqrt3A : vector<1024xf32> to vector<1x1024xf32>
    %get3A_10 = arith.constant 0 : index
    %get3A_11 = arith.constant 0 : index
    %get3A_12 = arith.constant 0 : index
    %get3A_13 = vector.load %arg3[%get3A_10, %get3A_11, %get3A_12] : memref<2x128x128xf32, #tpu.memory_space<vmem>>, vector<1x128x128xf32>
    %get3A_14 = vector.shape_cast %get3A_13 : vector<1x128x128xf32> to vector<128x128xf32>
    %get3A_15 = arith.constant 1 : index
    %get3A_16 = arith.constant 0 : index
    %get3A_17 = arith.constant 0 : index
    %get3A_18 = vector.load %arg3[%get3A_15, %get3A_16, %get3A_17] : memref<2x128x128xf32, #tpu.memory_space<vmem>>, vector<1x128x128xf32>
    %get3A_19 = vector.shape_cast %get3A_18 : vector<1x128x128xf32> to vector<128x128xf32>
    %add3A_20 = arith.addf %get3A_14, %get3A_19 : vector<128x128xf32>
    %einshape_lo3A = vector.shape_cast %add3A_20 : vector<128x128xf32> to vector<128x8x16xf32>
    %einshape_lo3A_21 = tpu.transpose %einshape_lo3A, [2, 0, 1] : vector<128x8x16xf32> -> vector<16x128x8xf32>
    %einshape_lo3A_22 = vector.shape_cast %einshape_lo3A_21 : vector<16x128x8xf32> to vector<16x1024xf32>
    %slice3A = vector.extract_strided_slice %einshape_lo3A_22 {offsets = [0, 0], sizes = [12, 1024], strides = [1, 1]} : vector<16x1024xf32> to vector<12x1024xf32>
    %get3A_23 = arith.constant 0 : index
    %get3A_24 = arith.constant 0 : index
    %get3A_25 = vector.load %arg1[%get3A_23, %get3A_24] : memref<12x1024xf32, #tpu.memory_space<vmem>>, vector<12x1024xf32>
    %mul3A = vector.broadcast %broadcast_in_dim3A : vector<1x1024xf32> to vector<12x1024xf32>
    %mul3A_26 = arith.mulf %mul3A, %get3A_25 : vector<12x1024xf32>
    %add3A_27 = arith.addf %slice3A, %mul3A_26 : vector<12x1024xf32>
    %mul3A_28 = vector.broadcast %broadcast_in_dim3A : vector<1x1024xf32> to vector<12x1024xf32>
    %mul3A_29 = arith.mulf %mul3A_28, %add3A_27 : vector<12x1024xf32>
    %get3A_30 = arith.constant 0 : index
    %get3A_31 = arith.constant 0 : index
    %get3A_32 = vector.load %arg4[%get3A_30, %get3A_31] : memref<32x128xf32, #tpu.memory_space<vmem>>, vector<32x1xf32>
    %get3A_33 = arith.constant 0 : index
    %get3A_34 = arith.constant 1 : index
    %get3A_35 = vector.load %arg4[%get3A_33, %get3A_34] : memref<32x128xf32, #tpu.memory_space<vmem>>, vector<32x1xf32>
    %get3A_36 = arith.constant 0 : index
    %get3A_37 = arith.constant 2 : index
    %get3A_38 = vector.load %arg4[%get3A_36, %get3A_37] : memref<32x128xf32, #tpu.memory_space<vmem>>, vector<32x1xf32>
    %get3A_39 = arith.constant 0 : index
    %get3A_40 = arith.constant 3 : index
    %get3A_41 = vector.load %arg4[%get3A_39, %get3A_40] : memref<32x128xf32, #tpu.memory_space<vmem>>, vector<32x1xf32>
    %broadcast_in_dim3A_42 = arith.constant 0.000000e+00 : f32
    %broadcast_in_dim3A_43 = vector.broadcast %broadcast_in_dim3A_42 : f32 to vector<32x1024xf32>
    %slice3A_44 = vector.extract_strided_slice %mul3A_29 {offsets = [0, 0], sizes = [1, 1024], strides = [1, 1]} : vector<12x1024xf32> to vector<1x1024xf32>
    %get3A_45 = arith.constant 0 : index
    %get3A_46 = arith.constant 5 : index
    %get3A_47 = vector.load %arg4[%get3A_45, %get3A_46] : memref<32x128xf32, #tpu.memory_space<vmem>>, vector<1x1xf32>
    %mul3A_48 = vector.broadcast %slice3A_44 : vector<1x1024xf32> to vector<32x1024xf32>
    %mul3A_49 = vector.broadcast %get3A_32 : vector<32x1xf32> to vector<32x1024xf32>
    %mul3A_50 = arith.mulf %mul3A_48, %mul3A_49 : vector<32x1024xf32>
    %add3A_51 = vector.broadcast %get3A_35 : vector<32x1xf32> to vector<32x1024xf32>
    %add3A_52 = arith.addf %mul3A_50, %add3A_51 : vector<32x1024xf32>
    %logistic3A = arith.negf %add3A_52 : vector<32x1024xf32>
    %logistic3A_53 = math.exp %logistic3A : vector<32x1024xf32>
    %logistic3A_54 = arith.constant 1.000000e+00 : f32
    %logistic3A_55 = vector.broadcast %logistic3A_54 : f32 to vector<32x1024xf32>
    %logistic3A_56 = arith.addf %logistic3A_55, %logistic3A_53 : vector<32x1024xf32>
    %logistic3A_57 = arith.divf %logistic3A_55, %logistic3A_56 : vector<32x1024xf32>
    %sub3A = arith.constant 1.000000e+00 : f32
    %sub3A_58 = vector.broadcast %sub3A : f32 to vector<32x1024xf32>
    %sub3A_59 = arith.subf %sub3A_58, %logistic3A_57 : vector<32x1024xf32>
    %mul3A_60 = vector.broadcast %get3A_47 : vector<1x1xf32> to vector<32x1024xf32>
    %mul3A_61 = arith.mulf %mul3A_60, %sub3A_59 : vector<32x1024xf32>
    %mul3A_62 = vector.broadcast %slice3A_44 : vector<1x1024xf32> to vector<32x1024xf32>
    %mul3A_63 = vector.broadcast %get3A_38 : vector<32x1xf32> to vector<32x1024xf32>
    %mul3A_64 = arith.mulf %mul3A_62, %mul3A_63 : vector<32x1024xf32>
    %add3A_65 = vector.broadcast %get3A_41 : vector<32x1xf32> to vector<32x1024xf32>
    %add3A_66 = arith.addf %mul3A_64, %add3A_65 : vector<32x1024xf32>
    %tanh3A = math.tanh %add3A_66 : vector<32x1024xf32>
    %mul3A_67 = arith.mulf %mul3A_61, %tanh3A : vector<32x1024xf32>
    %add3A_68 = arith.addf %broadcast_in_dim3A_43, %mul3A_67 : vector<32x1024xf32>
    %slice3A_69 = vector.extract_strided_slice %mul3A_29 {offsets = [1, 0], sizes = [1, 1024], strides = [1, 1]} : vector<12x1024xf32> to vector<1x1024xf32>
    %get3A_70 = arith.constant 1 : index
    %get3A_71 = arith.constant 5 : index
    %get3A_72 = vector.load %arg4[%get3A_70, %get3A_71] : memref<32x128xf32, #tpu.memory_space<vmem>>, vector<1x1xf32>
    %mul3A_73 = vector.broadcast %slice3A_69 : vector<1x1024xf32> to vector<32x1024xf32>
    %mul3A_74 = vector.broadcast %get3A_32 : vector<32x1xf32> to vector<32x1024xf32>
    %mul3A_75 = arith.mulf %mul3A_73, %mul3A_74 : vector<32x1024xf32>
    %add3A_76 = vector.broadcast %get3A_35 : vector<32x1xf32> to vector<32x1024xf32>
    %add3A_77 = arith.addf %mul3A_75, %add3A_76 : vector<32x1024xf32>
    %logistic3A_78 = arith.negf %add3A_77 : vector<32x1024xf32>
    %logistic3A_79 = math.exp %logistic3A_78 : vector<32x1024xf32>
    %logistic3A_80 = arith.constant 1.000000e+00 : f32
    %logistic3A_81 = vector.broadcast %logistic3A_80 : f32 to vector<32x1024xf32>
    %logistic3A_82 = arith.addf %logistic3A_81, %logistic3A_79 : vector<32x1024xf32>
    %logistic3A_83 = arith.divf %logistic3A_81, %logistic3A_82 : vector<32x1024xf32>
    %sub3A_84 = arith.constant 1.000000e+00 : f32
    %sub3A_85 = vector.broadcast %sub3A_84 : f32 to vector<32x1024xf32>
    %sub3A_86 = arith.subf %sub3A_85, %logistic3A_83 : vector<32x1024xf32>
    %mul3A_87 = vector.broadcast %get3A_72 : vector<1x1xf32> to vector<32x1024xf32>
    %mul3A_88 = arith.mulf %mul3A_87, %sub3A_86 : vector<32x1024xf32>
    %mul3A_89 = vector.broadcast %slice3A_69 : vector<1x1024xf32> to vector<32x1024xf32>
    %mul3A_90 = vector.broadcast %get3A_38 : vector<32x1xf32> to vector<32x1024xf32>
    %mul3A_91 = arith.mulf %mul3A_89, %mul3A_90 : vector<32x1024xf32>
    %add3A_92 = vector.broadcast %get3A_41 : vector<32x1xf32> to vector<32x1024xf32>
    %add3A_93 = arith.addf %mul3A_91, %add3A_92 : vector<32x1024xf32>
    %tanh3A_94 = math.tanh %add3A_93 : vector<32x1024xf32>
    %mul3A_95 = arith.mulf %mul3A_88, %tanh3A_94 : vector<32x1024xf32>
    %add3A_96 = arith.addf %add3A_68, %mul3A_95 : vector<32x1024xf32>
    %slice3A_97 = vector.extract_strided_slice %mul3A_29 {offsets = [2, 0], sizes = [1, 1024], strides = [1, 1]} : vector<12x1024xf32> to vector<1x1024xf32>
    %get3A_98 = arith.constant 2 : index
    %get3A_99 = arith.constant 5 : index
    %get3A_100 = vector.load %arg4[%get3A_98, %get3A_99] : memref<32x128xf32, #tpu.memory_space<vmem>>, vector<1x1xf32>
    %mul3A_101 = vector.broadcast %slice3A_97 : vector<1x1024xf32> to vector<32x1024xf32>
    %mul3A_102 = vector.broadcast %get3A_32 : vector<32x1xf32> to vector<32x1024xf32>
    %mul3A_103 = arith.mulf %mul3A_101, %mul3A_102 : vector<32x1024xf32>
    %add3A_104 = vector.broadcast %get3A_35 : vector<32x1xf32> to vector<32x1024xf32>
    %add3A_105 = arith.addf %mul3A_103, %add3A_104 : vector<32x1024xf32>
    %logistic3A_106 = arith.negf %add3A_105 : vector<32x1024xf32>
    %logistic3A_107 = math.exp %logistic3A_106 : vector<32x1024xf32>
    %logistic3A_108 = arith.constant 1.000000e+00 : f32
    %logistic3A_109 = vector.broadcast %logistic3A_108 : f32 to vector<32x1024xf32>
    %logistic3A_110 = arith.addf %logistic3A_109, %logistic3A_107 : vector<32x1024xf32>
    %logistic3A_111 = arith.divf %logistic3A_109, %logistic3A_110 : vector<32x1024xf32>
    %sub3A_112 = arith.constant 1.000000e+00 : f32
    %sub3A_113 = vector.broadcast %sub3A_112 : f32 to vector<32x1024xf32>
    %sub3A_114 = arith.subf %sub3A_113, %logistic3A_111 : vector<32x1024xf32>
    %mul3A_115 = vector.broadcast %get3A_100 : vector<1x1xf32> to vector<32x1024xf32>
    %mul3A_116 = arith.mulf %mul3A_115, %sub3A_114 : vector<32x1024xf32>
    %mul3A_117 = vector.broadcast %slice3A_97 : vector<1x1024xf32> to vector<32x1024xf32>
    %mul3A_118 = vector.broadcast %get3A_38 : vector<32x1xf32> to vector<32x1024xf32>
    %mul3A_119 = arith.mulf %mul3A_117, %mul3A_118 : vector<32x1024xf32>
    %add3A_120 = vector.broadcast %get3A_41 : vector<32x1xf32> to vector<32x1024xf32>
    %add3A_121 = arith.addf %mul3A_119, %add3A_120 : vector<32x1024xf32>
    %tanh3A_122 = math.tanh %add3A_121 : vector<32x1024xf32>
    %mul3A_123 = arith.mulf %mul3A_116, %tanh3A_122 : vector<32x1024xf32>
    %add3A_124 = arith.addf %add3A_96, %mul3A_123 : vector<32x1024xf32>
    %slice3A_125 = vector.extract_strided_slice %mul3A_29 {offsets = [3, 0], sizes = [1, 1024], strides = [1, 1]} : vector<12x1024xf32> to vector<1x1024xf32>
    %get3A_126 = arith.constant 3 : index
    %get3A_127 = arith.constant 5 : index
    %get3A_128 = vector.load %arg4[%get3A_126, %get3A_127] : memref<32x128xf32, #tpu.memory_space<vmem>>, vector<1x1xf32>
    %mul3A_129 = vector.broadcast %slice3A_125 : vector<1x1024xf32> to vector<32x1024xf32>
    %mul3A_130 = vector.broadcast %get3A_32 : vector<32x1xf32> to vector<32x1024xf32>
    %mul3A_131 = arith.mulf %mul3A_129, %mul3A_130 : vector<32x1024xf32>
    %add3A_132 = vector.broadcast %get3A_35 : vector<32x1xf32> to vector<32x1024xf32>
    %add3A_133 = arith.addf %mul3A_131, %add3A_132 : vector<32x1024xf32>
    %logistic3A_134 = arith.negf %add3A_133 : vector<32x1024xf32>
    %logistic3A_135 = math.exp %logistic3A_134 : vector<32x1024xf32>
    %logistic3A_136 = arith.constant 1.000000e+00 : f32
    %logistic3A_137 = vector.broadcast %logistic3A_136 : f32 to vector<32x1024xf32>
    %logistic3A_138 = arith.addf %logistic3A_137, %logistic3A_135 : vector<32x1024xf32>
    %logistic3A_139 = arith.divf %logistic3A_137, %logistic3A_138 : vector<32x1024xf32>
    %sub3A_140 = arith.constant 1.000000e+00 : f32
    %sub3A_141 = vector.broadcast %sub3A_140 : f32 to vector<32x1024xf32>
    %sub3A_142 = arith.subf %sub3A_141, %logistic3A_139 : vector<32x1024xf32>
    %mul3A_143 = vector.broadcast %get3A_128 : vector<1x1xf32> to vector<32x1024xf32>
    %mul3A_144 = arith.mulf %mul3A_143, %sub3A_142 : vector<32x1024xf32>
    %mul3A_145 = vector.broadcast %slice3A_125 : vector<1x1024xf32> to vector<32x1024xf32>
    %mul3A_146 = vector.broadcast %get3A_38 : vector<32x1xf32> to vector<32x1024xf32>
    %mul3A_147 = arith.mulf %mul3A_145, %mul3A_146 : vector<32x1024xf32>
    %add3A_148 = vector.broadcast %get3A_41 : vector<32x1xf32> to vector<32x1024xf32>
    %add3A_149 = arith.addf %mul3A_147, %add3A_148 : vector<32x1024xf32>
    %tanh3A_150 = math.tanh %add3A_149 : vector<32x1024xf32>
    %mul3A_151 = arith.mulf %mul3A_144, %tanh3A_150 : vector<32x1024xf32>
    %add3A_152 = arith.addf %add3A_124, %mul3A_151 : vector<32x1024xf32>
    %slice3A_153 = vector.extract_strided_slice %mul3A_29 {offsets = [4, 0], sizes = [1, 1024], strides = [1, 1]} : vector<12x1024xf32> to vector<1x1024xf32>
    %get3A_154 = arith.constant 4 : index
    %get3A_155 = arith.constant 5 : index
    %get3A_156 = vector.load %arg4[%get3A_154, %get3A_155] : memref<32x128xf32, #tpu.memory_space<vmem>>, vector<1x1xf32>
    %mul3A_157 = vector.broadcast %slice3A_153 : vector<1x1024xf32> to vector<32x1024xf32>
    %mul3A_158 = vector.broadcast %get3A_32 : vector<32x1xf32> to vector<32x1024xf32>
    %mul3A_159 = arith.mulf %mul3A_157, %mul3A_158 : vector<32x1024xf32>
    %add3A_160 = vector.broadcast %get3A_35 : vector<32x1xf32> to vector<32x1024xf32>
    %add3A_161 = arith.addf %mul3A_159, %add3A_160 : vector<32x1024xf32>
    %logistic3A_162 = arith.negf %add3A_161 : vector<32x1024xf32>
    %logistic3A_163 = math.exp %logistic3A_162 : vector<32x1024xf32>
    %logistic3A_164 = arith.constant 1.000000e+00 : f32
    %logistic3A_165 = vector.broadcast %logistic3A_164 : f32 to vector<32x1024xf32>
    %logistic3A_166 = arith.addf %logistic3A_165, %logistic3A_163 : vector<32x1024xf32>
    %logistic3A_167 = arith.divf %logistic3A_165, %logistic3A_166 : vector<32x1024xf32>
    %sub3A_168 = arith.constant 1.000000e+00 : f32
    %sub3A_169 = vector.broadcast %sub3A_168 : f32 to vector<32x1024xf32>
    %sub3A_170 = arith.subf %sub3A_169, %logistic3A_167 : vector<32x1024xf32>
    %mul3A_171 = vector.broadcast %get3A_156 : vector<1x1xf32> to vector<32x1024xf32>
    %mul3A_172 = arith.mulf %mul3A_171, %sub3A_170 : vector<32x1024xf32>
    %mul3A_173 = vector.broadcast %slice3A_153 : vector<1x1024xf32> to vector<32x1024xf32>
    %mul3A_174 = vector.broadcast %get3A_38 : vector<32x1xf32> to vector<32x1024xf32>
    %mul3A_175 = arith.mulf %mul3A_173, %mul3A_174 : vector<32x1024xf32>
    %add3A_176 = vector.broadcast %get3A_41 : vector<32x1xf32> to vector<32x1024xf32>
    %add3A_177 = arith.addf %mul3A_175, %add3A_176 : vector<32x1024xf32>
    %tanh3A_178 = math.tanh %add3A_177 : vector<32x1024xf32>
    %mul3A_179 = arith.mulf %mul3A_172, %tanh3A_178 : vector<32x1024xf32>
    %add3A_180 = arith.addf %add3A_152, %mul3A_179 : vector<32x1024xf32>
    %slice3A_181 = vector.extract_strided_slice %mul3A_29 {offsets = [5, 0], sizes = [1, 1024], strides = [1, 1]} : vector<12x1024xf32> to vector<1x1024xf32>
    %get3A_182 = arith.constant 5 : index
    %get3A_183 = arith.constant 5 : index
    %get3A_184 = vector.load %arg4[%get3A_182, %get3A_183] : memref<32x128xf32, #tpu.memory_space<vmem>>, vector<1x1xf32>
    %mul3A_185 = vector.broadcast %slice3A_181 : vector<1x1024xf32> to vector<32x1024xf32>
    %mul3A_186 = vector.broadcast %get3A_32 : vector<32x1xf32> to vector<32x1024xf32>
    %mul3A_187 = arith.mulf %mul3A_185, %mul3A_186 : vector<32x1024xf32>
    %add3A_188 = vector.broadcast %get3A_35 : vector<32x1xf32> to vector<32x1024xf32>
    %add3A_189 = arith.addf %mul3A_187, %add3A_188 : vector<32x1024xf32>
    %logistic3A_190 = arith.negf %add3A_189 : vector<32x1024xf32>
    %logistic3A_191 = math.exp %logistic3A_190 : vector<32x1024xf32>
    %logistic3A_192 = arith.constant 1.000000e+00 : f32
    %logistic3A_193 = vector.broadcast %logistic3A_192 : f32 to vector<32x1024xf32>
    %logistic3A_194 = arith.addf %logistic3A_193, %logistic3A_191 : vector<32x1024xf32>
    %logistic3A_195 = arith.divf %logistic3A_193, %logistic3A_194 : vector<32x1024xf32>
    %sub3A_196 = arith.constant 1.000000e+00 : f32
    %sub3A_197 = vector.broadcast %sub3A_196 : f32 to vector<32x1024xf32>
    %sub3A_198 = arith.subf %sub3A_197, %logistic3A_195 : vector<32x1024xf32>
    %mul3A_199 = vector.broadcast %get3A_184 : vector<1x1xf32> to vector<32x1024xf32>
    %mul3A_200 = arith.mulf %mul3A_199, %sub3A_198 : vector<32x1024xf32>
    %mul3A_201 = vector.broadcast %slice3A_181 : vector<1x1024xf32> to vector<32x1024xf32>
    %mul3A_202 = vector.broadcast %get3A_38 : vector<32x1xf32> to vector<32x1024xf32>
    %mul3A_203 = arith.mulf %mul3A_201, %mul3A_202 : vector<32x1024xf32>
    %add3A_204 = vector.broadcast %get3A_41 : vector<32x1xf32> to vector<32x1024xf32>
    %add3A_205 = arith.addf %mul3A_203, %add3A_204 : vector<32x1024xf32>
    %tanh3A_206 = math.tanh %add3A_205 : vector<32x1024xf32>
    %mul3A_207 = arith.mulf %mul3A_200, %tanh3A_206 : vector<32x1024xf32>
    %add3A_208 = arith.addf %add3A_180, %mul3A_207 : vector<32x1024xf32>
    %slice3A_209 = vector.extract_strided_slice %mul3A_29 {offsets = [6, 0], sizes = [1, 1024], strides = [1, 1]} : vector<12x1024xf32> to vector<1x1024xf32>
    %get3A_210 = arith.constant 6 : index
    %get3A_211 = arith.constant 5 : index
    %get3A_212 = vector.load %arg4[%get3A_210, %get3A_211] : memref<32x128xf32, #tpu.memory_space<vmem>>, vector<1x1xf32>
    %mul3A_213 = vector.broadcast %slice3A_209 : vector<1x1024xf32> to vector<32x1024xf32>
    %mul3A_214 = vector.broadcast %get3A_32 : vector<32x1xf32> to vector<32x1024xf32>
    %mul3A_215 = arith.mulf %mul3A_213, %mul3A_214 : vector<32x1024xf32>
    %add3A_216 = vector.broadcast %get3A_35 : vector<32x1xf32> to vector<32x1024xf32>
    %add3A_217 = arith.addf %mul3A_215, %add3A_216 : vector<32x1024xf32>
    %logistic3A_218 = arith.negf %add3A_217 : vector<32x1024xf32>
    %logistic3A_219 = math.exp %logistic3A_218 : vector<32x1024xf32>
    %logistic3A_220 = arith.constant 1.000000e+00 : f32
    %logistic3A_221 = vector.broadcast %logistic3A_220 : f32 to vector<32x1024xf32>
    %logistic3A_222 = arith.addf %logistic3A_221, %logistic3A_219 : vector<32x1024xf32>
    %logistic3A_223 = arith.divf %logistic3A_221, %logistic3A_222 : vector<32x1024xf32>
    %sub3A_224 = arith.constant 1.000000e+00 : f32
    %sub3A_225 = vector.broadcast %sub3A_224 : f32 to vector<32x1024xf32>
    %sub3A_226 = arith.subf %sub3A_225, %logistic3A_223 : vector<32x1024xf32>
    %mul3A_227 = vector.broadcast %get3A_212 : vector<1x1xf32> to vector<32x1024xf32>
    %mul3A_228 = arith.mulf %mul3A_227, %sub3A_226 : vector<32x1024xf32>
    %mul3A_229 = vector.broadcast %slice3A_209 : vector<1x1024xf32> to vector<32x1024xf32>
    %mul3A_230 = vector.broadcast %get3A_38 : vector<32x1xf32> to vector<32x1024xf32>
    %mul3A_231 = arith.mulf %mul3A_229, %mul3A_230 : vector<32x1024xf32>
    %add3A_232 = vector.broadcast %get3A_41 : vector<32x1xf32> to vector<32x1024xf32>
    %add3A_233 = arith.addf %mul3A_231, %add3A_232 : vector<32x1024xf32>
    %tanh3A_234 = math.tanh %add3A_233 : vector<32x1024xf32>
    %mul3A_235 = arith.mulf %mul3A_228, %tanh3A_234 : vector<32x1024xf32>
    %add3A_236 = arith.addf %add3A_208, %mul3A_235 : vector<32x1024xf32>
    %slice3A_237 = vector.extract_strided_slice %mul3A_29 {offsets = [7, 0], sizes = [1, 1024], strides = [1, 1]} : vector<12x1024xf32> to vector<1x1024xf32>
    %get3A_238 = arith.constant 7 : index
    %get3A_239 = arith.constant 5 : index
    %get3A_240 = vector.load %arg4[%get3A_238, %get3A_239] : memref<32x128xf32, #tpu.memory_space<vmem>>, vector<1x1xf32>
    %mul3A_241 = vector.broadcast %slice3A_237 : vector<1x1024xf32> to vector<32x1024xf32>
    %mul3A_242 = vector.broadcast %get3A_32 : vector<32x1xf32> to vector<32x1024xf32>
    %mul3A_243 = arith.mulf %mul3A_241, %mul3A_242 : vector<32x1024xf32>
    %add3A_244 = vector.broadcast %get3A_35 : vector<32x1xf32> to vector<32x1024xf32>
    %add3A_245 = arith.addf %mul3A_243, %add3A_244 : vector<32x1024xf32>
    %logistic3A_246 = arith.negf %add3A_245 : vector<32x1024xf32>
    %logistic3A_247 = math.exp %logistic3A_246 : vector<32x1024xf32>
    %logistic3A_248 = arith.constant 1.000000e+00 : f32
    %logistic3A_249 = vector.broadcast %logistic3A_248 : f32 to vector<32x1024xf32>
    %logistic3A_250 = arith.addf %logistic3A_249, %logistic3A_247 : vector<32x1024xf32>
    %logistic3A_251 = arith.divf %logistic3A_249, %logistic3A_250 : vector<32x1024xf32>
    %sub3A_252 = arith.constant 1.000000e+00 : f32
    %sub3A_253 = vector.broadcast %sub3A_252 : f32 to vector<32x1024xf32>
    %sub3A_254 = arith.subf %sub3A_253, %logistic3A_251 : vector<32x1024xf32>
    %mul3A_255 = vector.broadcast %get3A_240 : vector<1x1xf32> to vector<32x1024xf32>
    %mul3A_256 = arith.mulf %mul3A_255, %sub3A_254 : vector<32x1024xf32>
    %mul3A_257 = vector.broadcast %slice3A_237 : vector<1x1024xf32> to vector<32x1024xf32>
    %mul3A_258 = vector.broadcast %get3A_38 : vector<32x1xf32> to vector<32x1024xf32>
    %mul3A_259 = arith.mulf %mul3A_257, %mul3A_258 : vector<32x1024xf32>
    %add3A_260 = vector.broadcast %get3A_41 : vector<32x1xf32> to vector<32x1024xf32>
    %add3A_261 = arith.addf %mul3A_259, %add3A_260 : vector<32x1024xf32>
    %tanh3A_262 = math.tanh %add3A_261 : vector<32x1024xf32>
    %mul3A_263 = arith.mulf %mul3A_256, %tanh3A_262 : vector<32x1024xf32>
    %add3A_264 = arith.addf %add3A_236, %mul3A_263 : vector<32x1024xf32>
    %slice3A_265 = vector.extract_strided_slice %mul3A_29 {offsets = [8, 0], sizes = [1, 1024], strides = [1, 1]} : vector<12x1024xf32> to vector<1x1024xf32>
    %get3A_266 = arith.constant 8 : index
    %get3A_267 = arith.constant 5 : index
    %get3A_268 = vector.load %arg4[%get3A_266, %get3A_267] : memref<32x128xf32, #tpu.memory_space<vmem>>, vector<1x1xf32>
    %mul3A_269 = vector.broadcast %slice3A_265 : vector<1x1024xf32> to vector<32x1024xf32>
    %mul3A_270 = vector.broadcast %get3A_32 : vector<32x1xf32> to vector<32x1024xf32>
    %mul3A_271 = arith.mulf %mul3A_269, %mul3A_270 : vector<32x1024xf32>
    %add3A_272 = vector.broadcast %get3A_35 : vector<32x1xf32> to vector<32x1024xf32>
    %add3A_273 = arith.addf %mul3A_271, %add3A_272 : vector<32x1024xf32>
    %logistic3A_274 = arith.negf %add3A_273 : vector<32x1024xf32>
    %logistic3A_275 = math.exp %logistic3A_274 : vector<32x1024xf32>
    %logistic3A_276 = arith.constant 1.000000e+00 : f32
    %logistic3A_277 = vector.broadcast %logistic3A_276 : f32 to vector<32x1024xf32>
    %logistic3A_278 = arith.addf %logistic3A_277, %logistic3A_275 : vector<32x1024xf32>
    %logistic3A_279 = arith.divf %logistic3A_277, %logistic3A_278 : vector<32x1024xf32>
    %sub3A_280 = arith.constant 1.000000e+00 : f32
    %sub3A_281 = vector.broadcast %sub3A_280 : f32 to vector<32x1024xf32>
    %sub3A_282 = arith.subf %sub3A_281, %logistic3A_279 : vector<32x1024xf32>
    %mul3A_283 = vector.broadcast %get3A_268 : vector<1x1xf32> to vector<32x1024xf32>
    %mul3A_284 = arith.mulf %mul3A_283, %sub3A_282 : vector<32x1024xf32>
    %mul3A_285 = vector.broadcast %slice3A_265 : vector<1x1024xf32> to vector<32x1024xf32>
    %mul3A_286 = vector.broadcast %get3A_38 : vector<32x1xf32> to vector<32x1024xf32>
    %mul3A_287 = arith.mulf %mul3A_285, %mul3A_286 : vector<32x1024xf32>
    %add3A_288 = vector.broadcast %get3A_41 : vector<32x1xf32> to vector<32x1024xf32>
    %add3A_289 = arith.addf %mul3A_287, %add3A_288 : vector<32x1024xf32>
    %tanh3A_290 = math.tanh %add3A_289 : vector<32x1024xf32>
    %mul3A_291 = arith.mulf %mul3A_284, %tanh3A_290 : vector<32x1024xf32>
    %add3A_292 = arith.addf %add3A_264, %mul3A_291 : vector<32x1024xf32>
    %slice3A_293 = vector.extract_strided_slice %mul3A_29 {offsets = [9, 0], sizes = [1, 1024], strides = [1, 1]} : vector<12x1024xf32> to vector<1x1024xf32>
    %get3A_294 = arith.constant 9 : index
    %get3A_295 = arith.constant 5 : index
    %get3A_296 = vector.load %arg4[%get3A_294, %get3A_295] : memref<32x128xf32, #tpu.memory_space<vmem>>, vector<1x1xf32>
    %mul3A_297 = vector.broadcast %slice3A_293 : vector<1x1024xf32> to vector<32x1024xf32>
    %mul3A_298 = vector.broadcast %get3A_32 : vector<32x1xf32> to vector<32x1024xf32>
    %mul3A_299 = arith.mulf %mul3A_297, %mul3A_298 : vector<32x1024xf32>
    %add3A_300 = vector.broadcast %get3A_35 : vector<32x1xf32> to vector<32x1024xf32>
    %add3A_301 = arith.addf %mul3A_299, %add3A_300 : vector<32x1024xf32>
    %logistic3A_302 = arith.negf %add3A_301 : vector<32x1024xf32>
    %logistic3A_303 = math.exp %logistic3A_302 : vector<32x1024xf32>
    %logistic3A_304 = arith.constant 1.000000e+00 : f32
    %logistic3A_305 = vector.broadcast %logistic3A_304 : f32 to vector<32x1024xf32>
    %logistic3A_306 = arith.addf %logistic3A_305, %logistic3A_303 : vector<32x1024xf32>
    %logistic3A_307 = arith.divf %logistic3A_305, %logistic3A_306 : vector<32x1024xf32>
    %sub3A_308 = arith.constant 1.000000e+00 : f32
    %sub3A_309 = vector.broadcast %sub3A_308 : f32 to vector<32x1024xf32>
    %sub3A_310 = arith.subf %sub3A_309, %logistic3A_307 : vector<32x1024xf32>
    %mul3A_311 = vector.broadcast %get3A_296 : vector<1x1xf32> to vector<32x1024xf32>
    %mul3A_312 = arith.mulf %mul3A_311, %sub3A_310 : vector<32x1024xf32>
    %mul3A_313 = vector.broadcast %slice3A_293 : vector<1x1024xf32> to vector<32x1024xf32>
    %mul3A_314 = vector.broadcast %get3A_38 : vector<32x1xf32> to vector<32x1024xf32>
    %mul3A_315 = arith.mulf %mul3A_313, %mul3A_314 : vector<32x1024xf32>
    %add3A_316 = vector.broadcast %get3A_41 : vector<32x1xf32> to vector<32x1024xf32>
    %add3A_317 = arith.addf %mul3A_315, %add3A_316 : vector<32x1024xf32>
    %tanh3A_318 = math.tanh %add3A_317 : vector<32x1024xf32>
    %mul3A_319 = arith.mulf %mul3A_312, %tanh3A_318 : vector<32x1024xf32>
    %add3A_320 = arith.addf %add3A_292, %mul3A_319 : vector<32x1024xf32>
    %slice3A_321 = vector.extract_strided_slice %mul3A_29 {offsets = [10, 0], sizes = [1, 1024], strides = [1, 1]} : vector<12x1024xf32> to vector<1x1024xf32>
    %get3A_322 = arith.constant 10 : index
    %get3A_323 = arith.constant 5 : index
    %get3A_324 = vector.load %arg4[%get3A_322, %get3A_323] : memref<32x128xf32, #tpu.memory_space<vmem>>, vector<1x1xf32>
    %mul3A_325 = vector.broadcast %slice3A_321 : vector<1x1024xf32> to vector<32x1024xf32>
    %mul3A_326 = vector.broadcast %get3A_32 : vector<32x1xf32> to vector<32x1024xf32>
    %mul3A_327 = arith.mulf %mul3A_325, %mul3A_326 : vector<32x1024xf32>
    %add3A_328 = vector.broadcast %get3A_35 : vector<32x1xf32> to vector<32x1024xf32>
    %add3A_329 = arith.addf %mul3A_327, %add3A_328 : vector<32x1024xf32>
    %logistic3A_330 = arith.negf %add3A_329 : vector<32x1024xf32>
    %logistic3A_331 = math.exp %logistic3A_330 : vector<32x1024xf32>
    %logistic3A_332 = arith.constant 1.000000e+00 : f32
    %logistic3A_333 = vector.broadcast %logistic3A_332 : f32 to vector<32x1024xf32>
    %logistic3A_334 = arith.addf %logistic3A_333, %logistic3A_331 : vector<32x1024xf32>
    %logistic3A_335 = arith.divf %logistic3A_333, %logistic3A_334 : vector<32x1024xf32>
    %sub3A_336 = arith.constant 1.000000e+00 : f32
    %sub3A_337 = vector.broadcast %sub3A_336 : f32 to vector<32x1024xf32>
    %sub3A_338 = arith.subf %sub3A_337, %logistic3A_335 : vector<32x1024xf32>
    %mul3A_339 = vector.broadcast %get3A_324 : vector<1x1xf32> to vector<32x1024xf32>
    %mul3A_340 = arith.mulf %mul3A_339, %sub3A_338 : vector<32x1024xf32>
    %mul3A_341 = vector.broadcast %slice3A_321 : vector<1x1024xf32> to vector<32x1024xf32>
    %mul3A_342 = vector.broadcast %get3A_38 : vector<32x1xf32> to vector<32x1024xf32>
    %mul3A_343 = arith.mulf %mul3A_341, %mul3A_342 : vector<32x1024xf32>
    %add3A_344 = vector.broadcast %get3A_41 : vector<32x1xf32> to vector<32x1024xf32>
    %add3A_345 = arith.addf %mul3A_343, %add3A_344 : vector<32x1024xf32>
    %tanh3A_346 = math.tanh %add3A_345 : vector<32x1024xf32>
    %mul3A_347 = arith.mulf %mul3A_340, %tanh3A_346 : vector<32x1024xf32>
    %add3A_348 = arith.addf %add3A_320, %mul3A_347 : vector<32x1024xf32>
    %slice3A_349 = vector.extract_strided_slice %mul3A_29 {offsets = [11, 0], sizes = [1, 1024], strides = [1, 1]} : vector<12x1024xf32> to vector<1x1024xf32>
    %get3A_350 = arith.constant 11 : index
    %get3A_351 = arith.constant 5 : index
    %get3A_352 = vector.load %arg4[%get3A_350, %get3A_351] : memref<32x128xf32, #tpu.memory_space<vmem>>, vector<1x1xf32>
    %mul3A_353 = vector.broadcast %slice3A_349 : vector<1x1024xf32> to vector<32x1024xf32>
    %mul3A_354 = vector.broadcast %get3A_32 : vector<32x1xf32> to vector<32x1024xf32>
    %mul3A_355 = arith.mulf %mul3A_353, %mul3A_354 : vector<32x1024xf32>
    %add3A_356 = vector.broadcast %get3A_35 : vector<32x1xf32> to vector<32x1024xf32>
    %add3A_357 = arith.addf %mul3A_355, %add3A_356 : vector<32x1024xf32>
    %logistic3A_358 = arith.negf %add3A_357 : vector<32x1024xf32>
    %logistic3A_359 = math.exp %logistic3A_358 : vector<32x1024xf32>
    %logistic3A_360 = arith.constant 1.000000e+00 : f32
    %logistic3A_361 = vector.broadcast %logistic3A_360 : f32 to vector<32x1024xf32>
    %logistic3A_362 = arith.addf %logistic3A_361, %logistic3A_359 : vector<32x1024xf32>
    %logistic3A_363 = arith.divf %logistic3A_361, %logistic3A_362 : vector<32x1024xf32>
    %sub3A_364 = arith.constant 1.000000e+00 : f32
    %sub3A_365 = vector.broadcast %sub3A_364 : f32 to vector<32x1024xf32>
    %sub3A_366 = arith.subf %sub3A_365, %logistic3A_363 : vector<32x1024xf32>
    %mul3A_367 = vector.broadcast %get3A_352 : vector<1x1xf32> to vector<32x1024xf32>
    %mul3A_368 = arith.mulf %mul3A_367, %sub3A_366 : vector<32x1024xf32>
    %mul3A_369 = vector.broadcast %slice3A_349 : vector<1x1024xf32> to vector<32x1024xf32>
    %mul3A_370 = vector.broadcast %get3A_38 : vector<32x1xf32> to vector<32x1024xf32>
    %mul3A_371 = arith.mulf %mul3A_369, %mul3A_370 : vector<32x1024xf32>
    %add3A_372 = vector.broadcast %get3A_41 : vector<32x1xf32> to vector<32x1024xf32>
    %add3A_373 = arith.addf %mul3A_371, %add3A_372 : vector<32x1024xf32>
    %tanh3A_374 = math.tanh %add3A_373 : vector<32x1024xf32>
    %mul3A_375 = arith.mulf %mul3A_368, %tanh3A_374 : vector<32x1024xf32>
    %add3A_376 = arith.addf %add3A_348, %mul3A_375 : vector<32x1024xf32>
    %get3A_377 = arith.constant 0 : index
    %get3A_378 = arith.constant 4 : index
    %get3A_379 = vector.load %arg4[%get3A_377, %get3A_378] : memref<32x128xf32, #tpu.memory_space<vmem>>, vector<32x1xf32>
    %max3A = arith.constant 0.000000e+00 : f32
    %max3A_380 = vector.broadcast %max3A : f32 to vector<32x1024xf32>
    %max3A_381 = arith.maximumf %add3A_376, %max3A_380 : vector<32x1024xf32>
    %mul3A_382 = vector.broadcast %get3A_379 : vector<32x1xf32> to vector<32x1024xf32>
    %mul3A_383 = arith.mulf %max3A_381, %mul3A_382 : vector<32x1024xf32>
    %reduce_sum3A = arith.constant dense<0.000000e+00> : vector<1024xf32>
    %reduce_sum3A_384 = vector.multi_reduction <add>, %mul3A_383, %reduce_sum3A [0] : vector<32x1024xf32> to vector<1024xf32>
    %get3A_385 = arith.constant 0 : index
    %get3A_386 = arith.constant 6 : index
    %get3A_387 = vector.load %arg4[%get3A_385, %get3A_386] : memref<32x128xf32, #tpu.memory_space<vmem>>, vector<1x1xf32>
    %get3A_388 = vector.shape_cast %get3A_387 : vector<1x1xf32> to vector<1xf32>
    %add3A_389 = vector.broadcast %get3A_388 : vector<1xf32> to vector<1024xf32>
    %add3A_390 = arith.addf %reduce_sum3A_384, %add3A_389 : vector<1024xf32>
    %swap3A = arith.constant 0 : index
    %swap3A_391 = vector.load %arg5[%swap3A] : memref<1024xf32, #tpu.memory_space<vmem>>, vector<1024xf32>
    tpu.vector_store %arg5[%swap3A], %add3A_390 {strides = array<i32>} : memref<1024xf32, #tpu.memory_space<vmem>>, vector<1024xf32>,
    return
  }
  func.func @transform_0(%arg0: i32) -> (i32, i32) {
    %c0_i32 = arith.constant 0 : i32
    %c0_i32_0 = arith.constant 0 : i32
    return %c0_i32, %arg0 : i32, i32
  }
  func.func @transform_1(%arg0: i32) -> (i32, i32) {
    %c0_i32 = arith.constant 0 : i32
    %c0_i32_0 = arith.constant 0 : i32
    return %c0_i32, %arg0 : i32, i32
  }
  func.func @transform_2(%arg0: i32) -> (i32, i32, i32) {
    %c0_i32 = arith.constant 0 : i32
    %c0_i32_0 = arith.constant 0 : i32
    %c0_i32_1 = arith.constant 0 : i32
    return %c0_i32, %arg0, %c0_i32_0 : i32, i32, i32
  }
  func.func @transform_3(%arg0: i32) -> (i32, i32) {
    %c0_i32 = arith.constant 0 : i32
    %c0_i32_0 = arith.constant 0 : i32
    %c0_i32_1 = arith.constant 0 : i32
    return %c0_i32, %c0_i32_0 : i32, i32
  }
  func.func @transform_4(%arg0: i32) -> i32 {
    %c0_i32 = arith.constant 0 : i32
    return %arg0 : i32
  }
}

</mosaic_0001>

<sc_bundles>
// kernel: kernel.6.cloned.1.call-start
scs
__scs_entry_jumppad:
0x0: {  	(pc) =	sbr.rel $0x88, $3  }
0x1: {  	(tag) =	ssettag $0x0;
	lr =	simm.s32 $0x1  }
0x2: {  	[smem:$0x3F93] =	sst lr;
	_ =	strace $0xD0000000  }
0x3: {  	_ = 	snop  }
0x4: {  	_ = 	snop  }
0x5: {  	_ = 	snop  }
0x6: {  	_ = 	snop  }
0x7: {  	_ = 	snop  }
__scs_overlays_trampoline_lowered:
0x8: {  	[smem:$0x3FA2] =	sst s0  }
0x9: {  	[smem:$0x3FA3] =	sst s1  }
0xa: {  	[smem:$0x3FA4] =	sst s2  }
0xb: {  	[smem:$0x3FA5] =	sst s3  }
0xc: {  	[smem:$0x3FA6] =	sst s4  }
0xd: {  	[smem:$0x3FA7] =	sst s5  }
0xe: {  	[smem:$0x3FA8] =	sst s6  }
0xf: {  	[smem:$0x3FA9] =	sst s7  }
0x10: {  	[smem:$0x3FAA] =	sst s8  }
0x11: {  	[smem:$0x3FAB] =	sst s9;
	s0 =	simm.s32 @!p0 $0x0  }
0x12: {  	s1 =	sld [smem:$0x3F91];
	s0 =	simm.s32 @p0 $0x1  }
0x13: {  	[smem:$0x3FAC] =	sst s0;
	s0 =	simm.s32 @!p1 $0x0  }
0x14: {  	s2 =	sld [smem:$0x3F90];
	s0 =	simm.s32 @p1 $0x1  }
0x15: {  	[smem:$0x3FAD] =	sst s0;
	s0 =	simm.s32 @!p2 $0x0  }
0x16: {  	s3 =	sld [smem:$0x3FDB];
	s0 =	simm.s32 @p2 $0x1  }
0x17: {  	s4 =	simm.s32 $0x1BF5;
	[smem:$0x3FAF] =	sst s0  }
0x18: {  	s0 =	sld [smem:$0x3F92];
	_ =	swait.ge [sflag:s4], $0x0  }
0x19: {  	s7 =	sld [smem:$0x3F93]  }
0x1a: {  	s8 =	sadd.s32 $0xFFFFE003, lr  }
0x1b: {  	s9 =	sadd.s32 $0xFFFFFEF7, lr;
	s5 =	simm.s32 $0xFFFFFFFF;
	p2 =	slt.u32 s8, $0xFFFFF086  }
0x1c: {  	p1 =	slt.u32 s9, $0xF7A;
	s5 =	simm.s32 @!p2 $0x0  }
0x1d: {  	s5 =	simm.s32 @p1 $0x1;
	p0 =	seq.s32 s7, s2  }
0x1e: {  	s7 =	smul.u32 @!p0 $0xF7A, s2;
	p2 =	seq.s32 @!p0 s5, $0x0  }
0x1f: {  	s9 =	smul.u32 $0xF7A, s1;
	s8 =	simm.s32 @!p0 $0x1BF5;
	p2 =	por !p2, p0  }
0x20: {  	[sflag:s8] =	ssyncset.s32 @!p0 $0xFFFFF086;
	s6 =	sadd.s32 @!p0 s3, s7;
	s7 =	simm.s32 @!p0 $0x108  }
0x21: {  	s3 =	sadd.s32 s3, s9;
	s6 =	sadd.s32 @!p0 $0x88, s6;
	s7 =	simm.s32 @p2 $0x1082  }
0x22: {  	[simem:s7], [sflag:s8] =	dma.local @!p0 [hbm:s6], $0xF7A  }
0x23: {  	s9 =	sor.u32 $0xD0000000, s2;
	s6 =	simm.s32 $0x108;
	_ =	swait.ge @!p0 [sflag:s8], $0x0  }
0x24: {  	s3 =	sadd.s32 $0x88, s3;
	s6 =	simm.s32 @!p1 $0x1082;
	[sflag:s4] =	ssyncset.s32 $0xFFFFF086  }
0x25: {  	[simem:s6], [sflag:s4] =	dma.local [hbm:s3], $0xF7A  }
0x26: {  	[smem:$0x3F93] =	sst s1;
	(tag) =	ssettag s2;
	_ =	strace s9  }
0x27: {  	s1 =	sld [smem:$0x3FA3]  }
0x28: {  	s2 =	sld [smem:$0x3FA4]  }
0x29: {  	s4 =	sld [smem:$0x3FA6]  }
0x2a: {  	p0 =	seq.s32 s5, $0x0;
	s5 =	sld [smem:$0x3FA7]  }
0x2b: {  	s6 =	sld [smem:$0x3FA8]  }
0x2c: {  	s7 =	sld [smem:$0x3FA9]  }
0x2d: {  	s3 =	simm.s32 $0x108;
	s8 =	sld [smem:$0x3FAA]  }
0x2e: {  	s3 =	simm.s32 @!p0 $0x1082;
	s9 =	sld [smem:$0x3FAB]  }
0x2f: {  	lr =	sadd.s32 s0, s3;
	s0 =	sld [smem:$0x3FA2]  }
0x30: {  	s3 =	sld [smem:$0x3FA5]  }
0x31: {  	[smem:$0x3FAE] =	sst s10  }
0x32: {  	s10 =	sld [smem:$0x3FAC];
	_ =	sdelay $0x3  }
0x33: {  	p0 =	seq.s32 s10, $0x1;
	s10 =	sld [smem:$0x3FAE];
	_ =	sdelay $0x3  }
0x34: {  	[smem:$0x3FAE] =	sst s10  }
0x35: {  	s10 =	sld [smem:$0x3FAD];
	_ =	sdelay $0x3  }
0x36: {  	p1 =	seq.s32 s10, $0x1;
	s10 =	sld [smem:$0x3FAE];
	_ =	sdelay $0x3  }
0x37: {  	[smem:$0x3FAE] =	sst s10  }
0x38: {  	s10 =	sld [smem:$0x3FAF]  }
0x39: {  	_ = 	snop;
	(pc) =	sbr.ind lr, $3  }
0x3a: {  	_ = 	snop  }
0x3b: {  	_ = 	snop  }
0x3c: {  	p2 =	seq.s32 s10, $0x1;
	s10 =	sld [smem:$0x3FAE]  }
0x3d: {  	_ =	shalt  }
0x3e: {  	_ =	shalt  }
0x3f: {  	_ =	shalt  }
0x40: {  	_ =	shalt  }
0x41: {  	_ =	shalt  }
0x42: {  	_ =	shalt  }
0x43: {  	_ =	shalt  }
0x44: {  	_ =	shalt  }
0x45: {  	_ =	shalt  }
0x46: {  	_ =	shalt  }
0x47: {  	_ =	shalt  }
0x48: {  	_ =	shalt  }
0x49: {  	_ =	shalt  }
0x4a: {  	_ =	shalt  }
0x4b: {  	_ =	shalt  }
0x4c: {  	_ =	shalt  }
0x4d: {  	_ =	shalt  }
0x4e: {  	_ =	shalt  }
0x4f: {  	_ =	shalt  }
0x50: {  	_ =	shalt  }
0x51: {  	_ =	shalt  }
0x52: {  	_ =	shalt  }
0x53: {  	_ =	shalt  }
0x54: {  	_ =	shalt  }
0x55: {  	_ =	shalt  }
0x56: {  	_ =	shalt  }
0x57: {  	_ =	shalt  }
0x58: {  	_ =	shalt  }
0x59: {  	_ =	shalt  }
0x5a: {  	_ =	shalt  }
0x5b: {  	_ =	shalt  }
0x5c: {  	_ =	shalt  }
0x5d: {  	_ =	shalt  }
0x5e: {  	_ =	shalt  }
0x5f: {  	_ =	shalt  }
0x60: {  	_ =	shalt  }
0x61: {  	_ =	shalt  }
0x62: {  	_ =	shalt  }
0x63: {  	_ =	shalt  }
0x64: {  	_ =	shalt  }
0x65: {  	_ =	shalt  }
0x66: {  	_ =	shalt  }
0x67: {  	_ =	shalt  }
0x68: {  	_ =	shalt  }
0x69: {  	_ =	shalt  }
0x6a: {  	_ =	shalt  }
0x6b: {  	_ =	shalt  }
0x6c: {  	_ =	shalt  }
0x6d: {  	_ =	shalt  }
0x6e: {  	_ =	shalt  }
0x6f: {  	_ =	shalt  }
0x70: {  	_ =	shalt  }
0x71: {  	_ =	shalt  }
0x72: {  	_ =	shalt  }
0x73: {  	_ =	shalt  }
0x74: {  	_ =	shalt  }
0x75: {  	_ =	shalt  }
0x76: {  	_ =	shalt  }
0x77: {  	_ =	shalt  }
0x78: {  	_ =	shalt  }
0x79: {  	_ =	shalt  }
0x7a: {  	_ =	shalt  }
0x7b: {  	_ =	shalt  }
0x7c: {  	_ =	shalt  }
0x7d: {  	_ =	shalt  }
0x7e: {  	_ =	shalt  }
0x7f: {  	_ =	shalt  }
0x80: {  	_ =	shalt  }
0x81: {  	_ =	shalt  }
0x82: {  	_ =	shalt  }
0x83: {  	_ =	shalt  }
0x84: {  	_ =	shalt  }
0x85: {  	_ =	shalt  }
0x86: {  	_ =	shalt  }
0x87: {  	_ =	shalt  }
.Lfunc_end0:
.L_simem_size_0:
called_computation_lowered:
.L_overlay_start_0:
0x88: {  	s2 =	sld [smem:$0x3FD9]  }
0x89: {  	s3 =	sld [smem:$0x3FFE];
	_ =	sdelay $0x1  }
0x8a: {  	s1 =	srdreg.scid  }
0x8b: {  	s0 =	sand.u32 $0x1, s1  }
0x8c: {  	s16 =	sshll.u32 s0, $0xA;
	s2 =	sadd.s32 s3, s2  }
0x8d: {  	s2 =	sadd.s32 s2, s16  }
0x8e: {  	[smem:$0x3FBA] =	sst s2  }
0x8f: {  	_ = 	snop  }
0x90: {  	(tm) =	ssettm $0x1  }
0x91: {  	s17 =	sld [smem:$0x3FFB];
	_ =	sdelay $0x3  }
0x92: {  	_ =	strace s17  }
0x93: {  	s2 =	sld [smem:$0x3FFC];
	_ =	sdelay $0x3  }
0x94: {  	_ =	strace s2  }
0x95: {  	s2 =	sld [smem:$0x3FFD];
	_ =	sdelay $0x3  }
0x96: {  	_ =	strace s2  }
0x97: {  	_ =	strace $0x8FFFFFFF  }
0x98: {  	s18 =	sld [smem:$0x3FDB];
	_ =	sdelay $0x1  }
0x99: {  	s19 =	simm.s32 $_scs_section_size  }
0x9a: {  	s4 =	simm.s32 $_size__tile_overlayer_lowered;
	s5 =	simm.s32 $_tile_overlayer_lowered  }
0x9b: {  	s22 =	simm.s32 $0x1BFF;
	s21 =	sshll.u32 s5, $0x1;
	s2 =	sadd.s32 s19, s18  }
0x9c: {  	s6 =	simm.s32 $0x0;
	s20 =	sshll.u32 s4, $0x1;
	s4 =	sadd.s32 s21, s2  }
0x9d: {  	[timem:s6], [sflag:s22] =	dma.local [hbm:s4], s20  }
0x9e: {  	_ =	swait.ge [sflag:s22], s20  }
0x9f: {  	s3 =	ssub.s32 $0x0, s20;
	[sflag:s22] =	ssyncset.done $0x0  }
0xa0: {  	[sflag:s22] =	ssyncadd.s32 s3;
	_ =	sdelay $0x1  }
0xa1: {  	s23 =	simm.s32 $0x1B8B  }
0xa2: {  	_ =	swait.ge [sflag:s23], $0x1  }
0xa3: {  	[sflag:s23] =	ssyncset.done $0x0  }
0xa4: {  	s25 =	simm.s32 $0x1B8E;
	s24 =	sld [smem:$0x3FFE];
	[sflag:s23] =	ssyncadd.s32 $0xFFFFFFFF  }
0xa5: {  	s26 =	simm.s32 $execute0_lowered;
	[smem:$0x3FD2] =	sst s25  }
0xa6: {  	s4 =	sshll.u32 s26, $0x1;
	_ =	strace $0x80000046;
	[dreg:$0x1] =	wrdreg $0xFFFFFFFF  }
0xa7: {  	s28 =	simm.s32 $_size_execute0_lowered;
	s2 =	sadd.s32 s2, s4;
	[dreg:$0x0] =	wrdreg $0x0  }
0xa8: {  	s4 =	sshll.u32 s28, $0x1;
	[dreg:$0x2] =	wrdreg s2  }
0xa9: {  	[dreg:$0x3] =	wrdreg s4  }
0xaa: {  	[dreg:$0x4] =	wrdreg $0xC0  }
0xab: {  	_ =	task [dreg:s6], $0x5FFFF  }
0xac: {  	[dreg:$0x1] =	wrdreg $0xFFFFFFFF  }
0xad: {  	[dreg:$0x0] =	wrdreg $0x60  }
0xae: {  	[dreg:$0x2] =	wrdreg s24  }
0xaf: {  	[dreg:$0x3] =	wrdreg $0x20700  }
0xb0: {  	[dreg:$0x4] =	wrdreg $0x9  }
0xb1: {  	_ =	task.clear_ibuf [dreg:s6], $0x5FFFF;
	_ =	strace $0x90000046  }
0xb2: {  	s29 =	simm.s32 $0x9;
	_ =	strace $0x80000048  }
0xb3: {  	_ =	swait.ge [sflag:s29], $0x1  }
0xb4: {  	[sflag:s29] =	ssyncadd.s32 $0xFFFFFFFF  }
0xb5: {  	_ =	strace $0x90000048  }
0xb6: {  	_ =	sfence  }
0xb7: {  	s30 =	sld [smem:$0x0];
	_ =	sdelay $0x2  }
0xb8: {  	s31 =	sshll.u32 s1, $0xD;
	s1 =	sshrl.u32 s1, $0x2  }
0xb9: {  	s3 =	sand.u32 $0x4000, s31;
	s1 =	sadd.s32 s1, s30  }
0xba: {  	s0 =	sor.u32 s3, s0;
	s1 =	sshll.u32 s1, $0x11  }
0xbb: {  	s0 =	sor.u32 s1, s0  }
0xbc: {  	s0 =	sadd.s32 $0x8F2B, s0  }
0xbd: {  	[sflag:s0] =	ssyncadd.remote.s32 $0x1  }
0xbe: {  	_ =	sfence.sel $0xFFFF  }
0xbf: {  	[dreg:$0x0] =	wrdreg $0xFFFFFFFF;
	(pc) =	sbr.abs _section_cstart, $3  }
0xc0: {  	[dreg:$0x1] =	wrdreg $0xFFFFFFFF  }
0xc1: {  	_ =	task.clear_ibuf [dreg:s6], $0x2FFFF;
	_ =	strace $0x9FFFFFFF  }
0xc2: {  	(tm) =	ssettm $0x7FFFFFFF  }
0xc3: {  	_ =	shalt  }
tec
execute0_lowered:
.L_overlay_start_1:
0x0: {  	(tag) =	ssettag $0x1  }
0x1: {  	s1 =	srdreg.scid;
	s6 =	rddreg [dreg:$0x0]  }
0x2: {  	s0 =	stileid.u32;
	s2 =	rddreg [dreg:$0x1];
	s3 =	simm.s32 $0x0  }
0x3: {  	s11 =	simm.s32 $0x400;
	s12 =	simm.s32 $0x80;
	s13 =	simm.s32 $0x480  }
0x4: {  	s14 =	simm.s32 $0x100;
	s15 =	simm.s32 $0x500;
	s16 =	simm.s32 $0x180  }
0x5: {  	s17 =	simm.s32 $0x580;
	s18 =	simm.s32 $0x200;
	s19 =	simm.s32 $0x600  }
0x6: {  	s20 =	simm.s32 $0x280;
	s21 =	simm.s32 $0x680;
	s22 =	simm.s32 $0x300  }
0x7: {  	s23 =	simm.s32 $0x700;
	s24 =	simm.s32 $0x380;
	s5 =	smul.u32 $0x1870, s0  }
0x8: {  	s25 =	simm.s32 $0x780;
	s4 =	sand.u32 $0x1, s1;
	s9 =	smul.u32 $0xC400, s0  }
0x9: {  	s26 =	simm.s32 $0x1;
	s28 =	simm.s32 $0x0;
	s7 =	smul.u32 $0x18700, s4  }
0xa: {  	[smem:$0x7FF] =	sst s3;
	s8 =	smul.u32 $0xC4000, s4;
	s4 =	ssub.s32 $0x2, s4  }
0xb: {  	_ =	strace $0x80000047;
	s10 =	sshrl.u32 s4, $0x1;
	s7 =	sadd.s32 s5, s7  }
0xc: {  	s8 =	sadd.s32 s9, s8;
	s31 =	ssub.s32 s4, s10;
	s4 =	sadd.s32 s5, s2  }
0xd: {  	s9 =	simm.s32 $0x800;
	s7 =	sshrl.u32 s7, $0x3;
	s8 =	sshrl.u32 s8, $0x3  }
0xe: {  	s10 =	simm.s32 $0x2;
	s7 =	sadd.s32 s7, s6;
	s6 =	sadd.s32 s8, s6  }
0xf: {  	v0 =	vimm.f32 $0.0e+00;
	s5 =	sadd.s32 $0x62000, s7;
	s7 =	smax.u32 s31, $0x1;
	s8 =	sadd.s32 $0x31000, s6  }
.LBB2_1:
0x10: {  	s29 =	simm.s32 $0x40;
	s30 =	simm.s32 $0x0  }
.LBB2_2:
0x11: {  	p0 =	sne.s32 s29, $0x6180;
	[tilespmem:s30+$0x800] =	vst v0;
	s30 =	smov.u32 s29;
	s29 =	sadd.s32 $0x40, s29  }
.Ltmp0:
0x12: {  	(pc) =	sbr.rel @p0 .LBB2_2-.Ltmp0, $2  }
0x13: {  	_ =	sdelay $0x2  }
0x14: {  	s30 =	sshra.s32 s30, $0x2  }
0x15: {  	[tilespmem:s30+$0x800] =	vst v0  }
0x16: {  	[spmem:s4] =	stream.linear.scatter [tilespmem:s9], [sflag:$0x2], $0x1870, $0x38;
	[tilespmem:$0x38E0] =	vst v63  }
0x17: {  	_ =	swait.ge [sflag:s10], $0x1870  }
0x18: {  	[sflag:s10] =	ssyncset.done $0x0  }
0x19: {  	[sflag:s10] =	ssyncadd.s32 $0xFFFFE790  }
0x1a: {  	s29 =	sadd.s32 $0x0, s6;
	[bflag:$0x0] =	sbarrier.arrive $0xFFFF  }
0x1b: {  	[tilespmem:s3], [sflag:$0x2] =	stream.linear.gather [hbm4b:s29+s3], $0x400, $0x38;
	[tilespmem:$0x38E0] =	vst v63  }
0x1c: {  	_ =	swait.ge [sflag:s10], $0x400  }
0x1d: {  	[sflag:s10] =	ssyncset.done $0x0  }
0x1e: {  	s29 =	sadd.s32 $0x0, s8;
	[sflag:s10] =	ssyncadd.s32 $0xFFFFFC00  }
0x1f: {  	[tilespmem:s11], [sflag:$0x2] =	stream.linear.gather [hbm4b:s29+s3], $0x400, $0x38;
	[tilespmem:$0x38E0] =	vst v63  }
0x20: {  	_ =	swait.ge [sflag:s10], $0x400  }
0x21: {  	[sflag:s10] =	ssyncset.done $0x0  }
0x22: {  	[sflag:s10] =	ssyncadd.s32 $0xFFFFFC00  }
0x23: {  	[spmem:s2] =	stream.indirect.scatter.add.f32 [tilespmem:s11], [sflag:$0x1], $0x1, s3, s12, $0xb8;
	[tilespmem:$0x38E0] =	vst v63  }
0x24: {  	_ = 	snop  }
0x25: {  	[spmem:s2] =	stream.indirect.scatter.add.f32 [tilespmem:s13], [sflag:$0x1], $0x1, s12, s12, $0xb8;
	[tilespmem:$0x38E0] =	vst v63  }
0x26: {  	_ = 	snop  }
0x27: {  	[spmem:s2] =	stream.indirect.scatter.add.f32 [tilespmem:s15], [sflag:$0x1], $0x1, s14, s12, $0xb8;
	[tilespmem:$0x38E0] =	vst v63  }
0x28: {  	_ = 	snop  }
0x29: {  	[spmem:s2] =	stream.indirect.scatter.add.f32 [tilespmem:s17], [sflag:$0x1], $0x1, s16, s12, $0xb8;
	[tilespmem:$0x38E0] =	vst v63  }
0x2a: {  	_ = 	snop  }
0x2b: {  	[spmem:s2] =	stream.indirect.scatter.add.f32 [tilespmem:s19], [sflag:$0x1], $0x1, s18, s12, $0xb8;
	[tilespmem:$0x38E0] =	vst v63  }
0x2c: {  	_ = 	snop  }
0x2d: {  	[spmem:s2] =	stream.indirect.scatter.add.f32 [tilespmem:s21], [sflag:$0x1], $0x1, s20, s12, $0xb8;
	[tilespmem:$0x38E0] =	vst v63  }
0x2e: {  	_ = 	snop  }
0x2f: {  	[spmem:s2] =	stream.indirect.scatter.add.f32 [tilespmem:s23], [sflag:$0x1], $0x1, s22, s12, $0xb8;
	[tilespmem:$0x38E0] =	vst v63  }
0x30: {  	_ = 	snop  }
0x31: {  	[spmem:s2] =	stream.indirect.scatter.add.f32 [tilespmem:s25], [sflag:$0x1], $0x1, s24, s12, $0xb8;
	[tilespmem:$0x38E0] =	vst v63  }
0x32: {  	_ =	swait.ge [sflag:s26], $0x80  }
0x33: {  	[sflag:s26] =	ssyncset.done $0x0  }
0x34: {  	[sflag:s26] =	ssyncadd.s32 $0xFFFFFF80  }
0x35: {  	_ =	swait.ge [sflag:s26], $0x80  }
0x36: {  	[sflag:s26] =	ssyncset.done $0x0  }
0x37: {  	[sflag:s26] =	ssyncadd.s32 $0xFFFFFF80  }
0x38: {  	_ =	swait.ge [sflag:s26], $0x80  }
0x39: {  	[sflag:s26] =	ssyncset.done $0x0  }
0x3a: {  	[sflag:s26] =	ssyncadd.s32 $0xFFFFFF80  }
0x3b: {  	_ =	swait.ge [sflag:s26], $0x80  }
0x3c: {  	[sflag:s26] =	ssyncset.done $0x0  }
0x3d: {  	[sflag:s26] =	ssyncadd.s32 $0xFFFFFF80  }
0x3e: {  	_ =	swait.ge [sflag:s26], $0x80  }
0x3f: {  	[sflag:s26] =	ssyncset.done $0x0  }
0x40: {  	[sflag:s26] =	ssyncadd.s32 $0xFFFFFF80  }
0x41: {  	_ =	swait.ge [sflag:s26], $0x80  }
0x42: {  	[sflag:s26] =	ssyncset.done $0x0  }
0x43: {  	[sflag:s26] =	ssyncadd.s32 $0xFFFFFF80  }
0x44: {  	_ =	swait.ge [sflag:s26], $0x80  }
0x45: {  	[sflag:s26] =	ssyncset.done $0x0  }
0x46: {  	[sflag:s26] =	ssyncadd.s32 $0xFFFFFF80  }
0x47: {  	_ =	swait.ge [sflag:s26], $0x80  }
0x48: {  	s31 =	simm.s32 $0x100;
	s29 =	simm.s32 $0x80;
	[sflag:s26] =	ssyncset.done $0x0  }
.LBB2_4:
0x49: {  	s1 =	sadd.s32 s29, s6  }
0x4a: {  	[sflag:s26] =	ssyncadd.s32 $0xFFFFFF80;
	s0 =	smov.u32 s31;
	s30 =	sadd.s32 $0x80, s31  }
0x4b: {  	[tilespmem:s3], [sflag:$0x2] =	stream.linear.gather [hbm4b:s1+s3], $0x400, $0x38;
	[tilespmem:$0x38E0] =	vst v63  }
0x4c: {  	p0 =	sne.s32 s31, $0x1800;
	_ =	swait.ge [sflag:s10], $0x400  }
0x4d: {  	[sflag:s10] =	ssyncset.done $0x0  }
0x4e: {  	s1 =	sadd.s32 s29, s8;
	s29 =	smov.u32 s0;
	[sflag:s10] =	ssyncadd.s32 $0xFFFFFC00  }
0x4f: {  	[tilespmem:s11], [sflag:$0x2] =	stream.linear.gather [hbm4b:s1+s3], $0x400, $0x38;
	[tilespmem:$0x38E0] =	vst v63  }
0x50: {  	_ =	swait.ge [sflag:s10], $0x400  }
0x51: {  	[sflag:s10] =	ssyncset.done $0x0  }
0x52: {  	[sflag:s10] =	ssyncadd.s32 $0xFFFFFC00  }
0x53: {  	[spmem:s2] =	stream.indirect.scatter.add.f32 [tilespmem:s11], [sflag:$0x1], $0x1, s3, s12, $0xb8;
	[tilespmem:$0x38E0] =	vst v63  }
0x54: {  	_ = 	snop  }
0x55: {  	[spmem:s2] =	stream.indirect.scatter.add.f32 [tilespmem:s13], [sflag:$0x1], $0x1, s12, s12, $0xb8;
	[tilespmem:$0x38E0] =	vst v63  }
0x56: {  	_ = 	snop  }
0x57: {  	[spmem:s2] =	stream.indirect.scatter.add.f32 [tilespmem:s15], [sflag:$0x1], $0x1, s14, s12, $0xb8;
	[tilespmem:$0x38E0] =	vst v63  }
0x58: {  	_ = 	snop  }
0x59: {  	[spmem:s2] =	stream.indirect.scatter.add.f32 [tilespmem:s17], [sflag:$0x1], $0x1, s16, s12, $0xb8;
	[tilespmem:$0x38E0] =	vst v63  }
0x5a: {  	_ = 	snop  }
0x5b: {  	[spmem:s2] =	stream.indirect.scatter.add.f32 [tilespmem:s19], [sflag:$0x1], $0x1, s18, s12, $0xb8;
	[tilespmem:$0x38E0] =	vst v63  }
0x5c: {  	_ = 	snop  }
0x5d: {  	[spmem:s2] =	stream.indirect.scatter.add.f32 [tilespmem:s21], [sflag:$0x1], $0x1, s20, s12, $0xb8;
	[tilespmem:$0x38E0] =	vst v63  }
0x5e: {  	_ = 	snop  }
0x5f: {  	[spmem:s2] =	stream.indirect.scatter.add.f32 [tilespmem:s23], [sflag:$0x1], $0x1, s22, s12, $0xb8;
	[tilespmem:$0x38E0] =	vst v63  }
0x60: {  	_ = 	snop  }
0x61: {  	[spmem:s2] =	stream.indirect.scatter.add.f32 [tilespmem:s25], [sflag:$0x1], $0x1, s24, s12, $0xb8;
	[tilespmem:$0x38E0] =	vst v63  }
0x62: {  	_ =	swait.ge [sflag:s26], $0x80  }
0x63: {  	[sflag:s26] =	ssyncset.done $0x0  }
0x64: {  	[sflag:s26] =	ssyncadd.s32 $0xFFFFFF80  }
0x65: {  	_ =	swait.ge [sflag:s26], $0x80  }
0x66: {  	[sflag:s26] =	ssyncset.done $0x0  }
0x67: {  	[sflag:s26] =	ssyncadd.s32 $0xFFFFFF80  }
0x68: {  	_ =	swait.ge [sflag:s26], $0x80  }
0x69: {  	[sflag:s26] =	ssyncset.done $0x0  }
0x6a: {  	[sflag:s26] =	ssyncadd.s32 $0xFFFFFF80  }
0x6b: {  	_ =	swait.ge [sflag:s26], $0x80  }
0x6c: {  	[sflag:s26] =	ssyncset.done $0x0  }
0x6d: {  	[sflag:s26] =	ssyncadd.s32 $0xFFFFFF80  }
0x6e: {  	_ =	swait.ge [sflag:s26], $0x80  }
0x6f: {  	[sflag:s26] =	ssyncset.done $0x0  }
0x70: {  	[sflag:s26] =	ssyncadd.s32 $0xFFFFFF80  }
0x71: {  	_ =	swait.ge [sflag:s26], $0x80  }
0x72: {  	[sflag:s26] =	ssyncset.done $0x0  }
0x73: {  	[sflag:s26] =	ssyncadd.s32 $0xFFFFFF80  }
.Ltmp1:
0x74: {  	_ =	swait.ge [sflag:s26], $0x80;
	(pc) =	sbr.rel @p0 .LBB2_4-.Ltmp1, $4  }
0x75: {  	[sflag:s26] =	ssyncset.done $0x0  }
0x76: {  	[sflag:s26] =	ssyncadd.s32 $0xFFFFFF80  }
0x77: {  	_ =	swait.ge [sflag:s26], $0x80  }
0x78: {  	s31 =	smov.u32 s30;
	[sflag:s26] =	ssyncset.done $0x0  }
0x79: {  	s0 =	sadd.s32 s29, s6;
	[sflag:s26] =	ssyncadd.s32 $0xFFFFFF80  }
0x7a: {  	[tilespmem:s3], [sflag:$0x2] =	stream.linear.gather [hbm4b:s0+s3], $0x400, $0x38;
	[tilespmem:$0x38E0] =	vst v63  }
0x7b: {  	_ =	swait.ge [sflag:s10], $0x400  }
0x7c: {  	[sflag:s10] =	ssyncset.done $0x0  }
0x7d: {  	s31 =	sadd.s32 s29, s8;
	[sflag:s10] =	ssyncadd.s32 $0xFFFFFC00  }
0x7e: {  	[tilespmem:s11], [sflag:$0x2] =	stream.linear.gather [hbm4b:s31+s3], $0x400, $0x38;
	[tilespmem:$0x38E0] =	vst v63  }
0x7f: {  	_ =	swait.ge [sflag:s10], $0x400  }
0x80: {  	[sflag:s10] =	ssyncset.done $0x0  }
0x81: {  	[sflag:s10] =	ssyncadd.s32 $0xFFFFFC00  }
0x82: {  	[spmem:s2] =	stream.indirect.scatter.add.f32 [tilespmem:s11], [sflag:$0x1], $0x1, s3, s12, $0xb8;
	[tilespmem:$0x38E0] =	vst v63  }
0x83: {  	_ = 	snop  }
0x84: {  	[spmem:s2] =	stream.indirect.scatter.add.f32 [tilespmem:s13], [sflag:$0x1], $0x1, s12, s12, $0xb8;
	[tilespmem:$0x38E0] =	vst v63  }
0x85: {  	_ = 	snop  }
0x86: {  	[spmem:s2] =	stream.indirect.scatter.add.f32 [tilespmem:s15], [sflag:$0x1], $0x1, s14, s12, $0xb8;
	[tilespmem:$0x38E0] =	vst v63  }
0x87: {  	_ = 	snop  }
0x88: {  	[spmem:s2] =	stream.indirect.scatter.add.f32 [tilespmem:s17], [sflag:$0x1], $0x1, s16, s12, $0xb8;
	[tilespmem:$0x38E0] =	vst v63  }
0x89: {  	_ = 	snop  }
0x8a: {  	[spmem:s2] =	stream.indirect.scatter.add.f32 [tilespmem:s19], [sflag:$0x1], $0x1, s18, s12, $0xb8;
	[tilespmem:$0x38E0] =	vst v63  }
0x8b: {  	_ = 	snop  }
0x8c: {  	[spmem:s2] =	stream.indirect.scatter.add.f32 [tilespmem:s21], [sflag:$0x1], $0x1, s20, s12, $0xb8;
	[tilespmem:$0x38E0] =	vst v63  }
0x8d: {  	_ = 	snop  }
0x8e: {  	[spmem:s2] =	stream.indirect.scatter.add.f32 [tilespmem:s23], [sflag:$0x1], $0x1, s22, s12, $0xb8;
	[tilespmem:$0x38E0] =	vst v63  }
0x8f: {  	_ = 	snop  }
0x90: {  	[spmem:s2] =	stream.indirect.scatter.add.f32 [tilespmem:s25], [sflag:$0x1], $0x1, s24, s12, $0xb8;
	[tilespmem:$0x38E0] =	vst v63  }
0x91: {  	_ =	swait.ge [sflag:s26], $0x80  }
0x92: {  	[sflag:s26] =	ssyncset.done $0x0  }
0x93: {  	[sflag:s26] =	ssyncadd.s32 $0xFFFFFF80  }
0x94: {  	_ =	swait.ge [sflag:s26], $0x80  }
0x95: {  	[sflag:s26] =	ssyncset.done $0x0  }
0x96: {  	[sflag:s26] =	ssyncadd.s32 $0xFFFFFF80  }
0x97: {  	_ =	swait.ge [sflag:s26], $0x80  }
0x98: {  	[sflag:s26] =	ssyncset.done $0x0  }
0x99: {  	[sflag:s26] =	ssyncadd.s32 $0xFFFFFF80  }
0x9a: {  	_ =	swait.ge [sflag:s26], $0x80  }
0x9b: {  	[sflag:s26] =	ssyncset.done $0x0  }
0x9c: {  	[sflag:s26] =	ssyncadd.s32 $0xFFFFFF80  }
0x9d: {  	_ =	swait.ge [sflag:s26], $0x80  }
0x9e: {  	[sflag:s26] =	ssyncset.done $0x0  }
0x9f: {  	[sflag:s26] =	ssyncadd.s32 $0xFFFFFF80  }
0xa0: {  	_ =	swait.ge [sflag:s26], $0x80  }
0xa1: {  	[sflag:s26] =	ssyncset.done $0x0  }
0xa2: {  	[sflag:s26] =	ssyncadd.s32 $0xFFFFFF80  }
0xa3: {  	_ =	swait.ge [sflag:s26], $0x80  }
0xa4: {  	[sflag:s26] =	ssyncset.done $0x0  }
0xa5: {  	[sflag:s26] =	ssyncadd.s32 $0xFFFFFF80  }
0xa6: {  	_ =	swait.ge [sflag:s26], $0x80  }
0xa7: {  	[sflag:s26] =	ssyncset.done $0x0  }
0xa8: {  	[sflag:s26] =	ssyncadd.s32 $0xFFFFFF80  }
0xa9: {  	[bflag:$0x0] =	sbarrier.arrive $0xFFFF  }
0xaa: {  	[tilespmem:s9], [sflag:$0x2] =	stream.linear.gather [spmem:s4], $0x1870, $0x38;
	[tilespmem:$0x38E0] =	vst v63  }
0xab: {  	s28 =	sadd.s32 $0x1, s28;
	_ =	swait.ge [sflag:s10], $0x1870  }
0xac: {  	p0 =	sne.s32 s28, s7;
	[sflag:s10] =	ssyncset.done $0x0  }
.Ltmp2:
0xad: {  	[sflag:s10] =	ssyncadd.s32 $0xFFFFE790;
	(pc) =	sbr.rel @p0 .LBB2_1-.Ltmp2, $4  }
0xae: {  	[hbm4b:s5+s3] =	stream.linear.scatter [tilespmem:s9], [sflag:$0x2], $0x1870, $0x38;
	[tilespmem:$0x38E0] =	vst v63  }
0xaf: {  	_ =	swait.ge [sflag:s10], $0x1870  }
0xb0: {  	[sflag:s10] =	ssyncset.done $0x0  }
0xb1: {  	[sflag:s10] =	ssyncadd.s32 $0xFFFFE790  }
0xb2: {  	_ =	sfence.sel $0x180000  }
0xb3: {  	[bflag:$0x0] =	sbarrier.arrive $0xFFFF  }
0xb4: {  	_ =	strace $0x90000047  }
0xb5: {  	s0 =	stileid.u32;
	[bflag:$0x2] =	sbarrier.arrive $0xFFFF  }
0xb6: {  	p0 =	sne.s32 s0, $0x0;
	s0 =	rddreg [dreg:$0x2]  }
0xb7: {  	s0 =	sadd.s32 @!p0 $0x100000, s0  }
0xb8: {  	[sflag:s0] =	ssyncadd.tile.s32 @!p0 $0x1;
	_ =	shalt  }
.Lfunc_end2:
_tile_overlayer_lowered:
.L_overlay_start_2:
0xb9: {  	(tag) =	ssettag $0x2  }
0xba: {  	s0 =	rddreg [dreg:$0x0];
	s2 =	stileid.u32  }
0xbb: {  	s1 =	rddreg [dreg:$0x1];
	p0 =	sne.s32 s2, $0x0  }
0xbc: {  	s3 =	rddreg [dreg:$0x2];
	[bflag:$0x3] =	sbarrier.arrive $0xFFFF;
	s2 =	simm.s32 @!p0 $0x1C02  }
0xbd: {  	[timem:s3], [sflag:s2] =	dma.local @!p0 [hbm:s0], s1  }
0xbe: {  	s0 =	simm.s32 @!p0 $0x2  }
0xbf: {  	_ =	swait.ge @!p0 [sflag:s0], s1  }
0xc0: {  	s1 =	ssub.s32 @!p0 $0x0, s1;
	[sflag:s0] =	ssyncset.done @!p0 $0x0  }
0xc1: {  	[sflag:s0] =	ssyncadd.s32 @!p0 s1  }
0xc2: {  	[bflag:$0x3] =	sbarrier.arrive $0xFFFF  }
0xc3: {  	_ =	shalt  }

// kernel: kernel.9.cloned.1.call-start
scs
__scs_entry_jumppad:
0x0: {  	(pc) =	sbr.rel $0x88, $3  }
0x1: {  	(tag) =	ssettag $0x0;
	lr =	simm.s32 $0x1  }
0x2: {  	[smem:$0x3F93] =	sst lr;
	_ =	strace $0xD0000000  }
0x3: {  	_ = 	snop  }
0x4: {  	_ = 	snop  }
0x5: {  	_ = 	snop  }
0x6: {  	_ = 	snop  }
0x7: {  	_ = 	snop  }
__scs_overlays_trampoline_lowered:
0x8: {  	[smem:$0x3FA2] =	sst s0  }
0x9: {  	[smem:$0x3FA3] =	sst s1  }
0xa: {  	[smem:$0x3FA4] =	sst s2  }
0xb: {  	[smem:$0x3FA5] =	sst s3  }
0xc: {  	[smem:$0x3FA6] =	sst s4  }
0xd: {  	[smem:$0x3FA7] =	sst s5  }
0xe: {  	[smem:$0x3FA8] =	sst s6  }
0xf: {  	[smem:$0x3FA9] =	sst s7  }
0x10: {  	[smem:$0x3FAA] =	sst s8  }
0x11: {  	[smem:$0x3FAB] =	sst s9;
	s0 =	simm.s32 @!p0 $0x0  }
0x12: {  	s1 =	sld [smem:$0x3F91];
	s0 =	simm.s32 @p0 $0x1  }
0x13: {  	[smem:$0x3FAC] =	sst s0;
	s0 =	simm.s32 @!p1 $0x0  }
0x14: {  	s2 =	sld [smem:$0x3F90];
	s0 =	simm.s32 @p1 $0x1  }
0x15: {  	[smem:$0x3FAD] =	sst s0;
	s0 =	simm.s32 @!p2 $0x0  }
0x16: {  	s3 =	sld [smem:$0x3FDB];
	s0 =	simm.s32 @p2 $0x1  }
0x17: {  	s4 =	simm.s32 $0x1BF5;
	[smem:$0x3FAF] =	sst s0  }
0x18: {  	s0 =	sld [smem:$0x3F92];
	_ =	swait.ge [sflag:s4], $0x0  }
0x19: {  	s7 =	sld [smem:$0x3F93]  }
0x1a: {  	s8 =	sadd.s32 $0xFFFFE003, lr  }
0x1b: {  	s9 =	sadd.s32 $0xFFFFFEF7, lr;
	s5 =	simm.s32 $0xFFFFFFFF;
	p2 =	slt.u32 s8, $0xFFFFF086  }
0x1c: {  	p1 =	slt.u32 s9, $0xF7A;
	s5 =	simm.s32 @!p2 $0x0  }
0x1d: {  	s5 =	simm.s32 @p1 $0x1;
	p0 =	seq.s32 s7, s2  }
0x1e: {  	s7 =	smul.u32 @!p0 $0xF7A, s2;
	p2 =	seq.s32 @!p0 s5, $0x0  }
0x1f: {  	s9 =	smul.u32 $0xF7A, s1;
	s8 =	simm.s32 @!p0 $0x1BF5;
	p2 =	por !p2, p0  }
0x20: {  	[sflag:s8] =	ssyncset.s32 @!p0 $0xFFFFF086;
	s6 =	sadd.s32 @!p0 s3, s7;
	s7 =	simm.s32 @!p0 $0x108  }
0x21: {  	s3 =	sadd.s32 s3, s9;
	s6 =	sadd.s32 @!p0 $0x88, s6;
	s7 =	simm.s32 @p2 $0x1082  }
0x22: {  	[simem:s7], [sflag:s8] =	dma.local @!p0 [hbm:s6], $0xF7A  }
0x23: {  	s9 =	sor.u32 $0xD0000000, s2;
	s6 =	simm.s32 $0x108;
	_ =	swait.ge @!p0 [sflag:s8], $0x0  }
0x24: {  	s3 =	sadd.s32 $0x88, s3;
	s6 =	simm.s32 @!p1 $0x1082;
	[sflag:s4] =	ssyncset.s32 $0xFFFFF086  }
0x25: {  	[simem:s6], [sflag:s4] =	dma.local [hbm:s3], $0xF7A  }
0x26: {  	[smem:$0x3F93] =	sst s1;
	(tag) =	ssettag s2;
	_ =	strace s9  }
0x27: {  	s1 =	sld [smem:$0x3FA3]  }
0x28: {  	s2 =	sld [smem:$0x3FA4]  }
0x29: {  	s4 =	sld [smem:$0x3FA6]  }
0x2a: {  	p0 =	seq.s32 s5, $0x0;
	s5 =	sld [smem:$0x3FA7]  }
0x2b: {  	s6 =	sld [smem:$0x3FA8]  }
0x2c: {  	s7 =	sld [smem:$0x3FA9]  }
0x2d: {  	s3 =	simm.s32 $0x108;
	s8 =	sld [smem:$0x3FAA]  }
0x2e: {  	s3 =	simm.s32 @!p0 $0x1082;
	s9 =	sld [smem:$0x3FAB]  }
0x2f: {  	lr =	sadd.s32 s0, s3;
	s0 =	sld [smem:$0x3FA2]  }
0x30: {  	s3 =	sld [smem:$0x3FA5]  }
0x31: {  	[smem:$0x3FAE] =	sst s10  }
0x32: {  	s10 =	sld [smem:$0x3FAC];
	_ =	sdelay $0x3  }
0x33: {  	p0 =	seq.s32 s10, $0x1;
	s10 =	sld [smem:$0x3FAE];
	_ =	sdelay $0x3  }
0x34: {  	[smem:$0x3FAE] =	sst s10  }
0x35: {  	s10 =	sld [smem:$0x3FAD];
	_ =	sdelay $0x3  }
0x36: {  	p1 =	seq.s32 s10, $0x1;
	s10 =	sld [smem:$0x3FAE];
	_ =	sdelay $0x3  }
0x37: {  	[smem:$0x3FAE] =	sst s10  }
0x38: {  	s10 =	sld [smem:$0x3FAF]  }
0x39: {  	_ = 	snop;
	(pc) =	sbr.ind lr, $3  }
0x3a: {  	_ = 	snop  }
0x3b: {  	_ = 	snop  }
0x3c: {  	p2 =	seq.s32 s10, $0x1;
	s10 =	sld [smem:$0x3FAE]  }
0x3d: {  	_ =	shalt  }
0x3e: {  	_ =	shalt  }
0x3f: {  	_ =	shalt  }
0x40: {  	_ =	shalt  }
0x41: {  	_ =	shalt  }
0x42: {  	_ =	shalt  }
0x43: {  	_ =	shalt  }
0x44: {  	_ =	shalt  }
0x45: {  	_ =	shalt  }
0x46: {  	_ =	shalt  }
0x47: {  	_ =	shalt  }
0x48: {  	_ =	shalt  }
0x49: {  	_ =	shalt  }
0x4a: {  	_ =	shalt  }
0x4b: {  	_ =	shalt  }
0x4c: {  	_ =	shalt  }
0x4d: {  	_ =	shalt  }
0x4e: {  	_ =	shalt  }
0x4f: {  	_ =	shalt  }
0x50: {  	_ =	shalt  }
0x51: {  	_ =	shalt  }
0x52: {  	_ =	shalt  }
0x53: {  	_ =	shalt  }
0x54: {  	_ =	shalt  }
0x55: {  	_ =	shalt  }
0x56: {  	_ =	shalt  }
0x57: {  	_ =	shalt  }
0x58: {  	_ =	shalt  }
0x59: {  	_ =	shalt  }
0x5a: {  	_ =	shalt  }
0x5b: {  	_ =	shalt  }
0x5c: {  	_ =	shalt  }
0x5d: {  	_ =	shalt  }
0x5e: {  	_ =	shalt  }
0x5f: {  	_ =	shalt  }
0x60: {  	_ =	shalt  }
0x61: {  	_ =	shalt  }
0x62: {  	_ =	shalt  }
0x63: {  	_ =	shalt  }
0x64: {  	_ =	shalt  }
0x65: {  	_ =	shalt  }
0x66: {  	_ =	shalt  }
0x67: {  	_ =	shalt  }
0x68: {  	_ =	shalt  }
0x69: {  	_ =	shalt  }
0x6a: {  	_ =	shalt  }
0x6b: {  	_ =	shalt  }
0x6c: {  	_ =	shalt  }
0x6d: {  	_ =	shalt  }
0x6e: {  	_ =	shalt  }
0x6f: {  	_ =	shalt  }
0x70: {  	_ =	shalt  }
0x71: {  	_ =	shalt  }
0x72: {  	_ =	shalt  }
0x73: {  	_ =	shalt  }
0x74: {  	_ =	shalt  }
0x75: {  	_ =	shalt  }
0x76: {  	_ =	shalt  }
0x77: {  	_ =	shalt  }
0x78: {  	_ =	shalt  }
0x79: {  	_ =	shalt  }
0x7a: {  	_ =	shalt  }
0x7b: {  	_ =	shalt  }
0x7c: {  	_ =	shalt  }
0x7d: {  	_ =	shalt  }
0x7e: {  	_ =	shalt  }
0x7f: {  	_ =	shalt  }
0x80: {  	_ =	shalt  }
0x81: {  	_ =	shalt  }
0x82: {  	_ =	shalt  }
0x83: {  	_ =	shalt  }
0x84: {  	_ =	shalt  }
0x85: {  	_ =	shalt  }
0x86: {  	_ =	shalt  }
0x87: {  	_ =	shalt  }
.Lfunc_end0:
.L_simem_size_0:
called_computation.1_lowered:
.L_overlay_start_0:
0x88: {  	s2 =	sld [smem:$0x3FD9]  }
0x89: {  	s3 =	sld [smem:$0x3FFE];
	_ =	sdelay $0x1  }
0x8a: {  	s1 =	srdreg.scid  }
0x8b: {  	s0 =	sand.u32 $0x1, s1  }
0x8c: {  	s16 =	sshll.u32 s0, $0xA;
	s2 =	sadd.s32 s3, s2  }
0x8d: {  	s2 =	sadd.s32 s2, s16  }
0x8e: {  	[smem:$0x3FBA] =	sst s2  }
0x8f: {  	_ = 	snop  }
0x90: {  	(tm) =	ssettm $0x1  }
0x91: {  	s17 =	sld [smem:$0x3FFB];
	_ =	sdelay $0x3  }
0x92: {  	_ =	strace s17  }
0x93: {  	s2 =	sld [smem:$0x3FFC];
	_ =	sdelay $0x3  }
0x94: {  	_ =	strace s2  }
0x95: {  	s2 =	sld [smem:$0x3FFD];
	_ =	sdelay $0x3  }
0x96: {  	_ =	strace s2  }
0x97: {  	_ =	strace $0x8FFFFFFF  }
0x98: {  	s18 =	sld [smem:$0x3FDB];
	_ =	sdelay $0x1  }
0x99: {  	s19 =	simm.s32 $_scs_section_size  }
0x9a: {  	s4 =	simm.s32 $_size__tile_overlayer_lowered;
	s5 =	simm.s32 $_tile_overlayer_lowered  }
0x9b: {  	s22 =	simm.s32 $0x1BFF;
	s21 =	sshll.u32 s5, $0x1;
	s2 =	sadd.s32 s19, s18  }
0x9c: {  	s6 =	simm.s32 $0x0;
	s20 =	sshll.u32 s4, $0x1;
	s4 =	sadd.s32 s21, s2  }
0x9d: {  	[timem:s6], [sflag:s22] =	dma.local [hbm:s4], s20  }
0x9e: {  	_ =	swait.ge [sflag:s22], s20  }
0x9f: {  	s3 =	ssub.s32 $0x0, s20;
	[sflag:s22] =	ssyncset.done $0x0  }
0xa0: {  	[sflag:s22] =	ssyncadd.s32 s3;
	_ =	sdelay $0x1  }
0xa1: {  	s23 =	simm.s32 $0x1B8B  }
0xa2: {  	_ =	swait.ge [sflag:s23], $0x1  }
0xa3: {  	[sflag:s23] =	ssyncset.done $0x0  }
0xa4: {  	s25 =	simm.s32 $0x1B8E;
	s24 =	sld [smem:$0x3FFE];
	[sflag:s23] =	ssyncadd.s32 $0xFFFFFFFF  }
0xa5: {  	s26 =	simm.s32 $execute0_lowered;
	[smem:$0x3FD2] =	sst s25  }
0xa6: {  	s4 =	sshll.u32 s26, $0x1;
	_ =	strace $0x80000049;
	[dreg:$0x1] =	wrdreg $0xFFFFFFFF  }
0xa7: {  	s28 =	simm.s32 $_size_execute0_lowered;
	s2 =	sadd.s32 s2, s4;
	[dreg:$0x0] =	wrdreg $0x0  }
0xa8: {  	s4 =	sshll.u32 s28, $0x1;
	[dreg:$0x2] =	wrdreg s2  }
0xa9: {  	[dreg:$0x3] =	wrdreg s4  }
0xaa: {  	[dreg:$0x4] =	wrdreg $0xC0  }
0xab: {  	_ =	task [dreg:s6], $0x5FFFF  }
0xac: {  	[dreg:$0x1] =	wrdreg $0xFFFFFFFF  }
0xad: {  	[dreg:$0x0] =	wrdreg $0x60  }
0xae: {  	[dreg:$0x2] =	wrdreg s24  }
0xaf: {  	[dreg:$0x3] =	wrdreg $0x4C000  }
0xb0: {  	[dreg:$0x4] =	wrdreg $0x9  }
0xb1: {  	_ =	task.clear_ibuf [dreg:s6], $0x5FFFF;
	_ =	strace $0x90000049  }
0xb2: {  	s29 =	simm.s32 $0x9;
	_ =	strace $0x8000004B  }
0xb3: {  	_ =	swait.ge [sflag:s29], $0x1  }
0xb4: {  	[sflag:s29] =	ssyncadd.s32 $0xFFFFFFFF  }
0xb5: {  	_ =	strace $0x9000004B  }
0xb6: {  	_ =	sfence  }
0xb7: {  	s30 =	sld [smem:$0x0];
	_ =	sdelay $0x2  }
0xb8: {  	s31 =	sshll.u32 s1, $0xD;
	s1 =	sshrl.u32 s1, $0x2  }
0xb9: {  	s3 =	sand.u32 $0x4000, s31;
	s1 =	sadd.s32 s1, s30  }
0xba: {  	s0 =	sor.u32 s3, s0;
	s1 =	sshll.u32 s1, $0x11  }
0xbb: {  	s0 =	sor.u32 s1, s0  }
0xbc: {  	s0 =	sadd.s32 $0x8F2B, s0  }
0xbd: {  	[sflag:s0] =	ssyncadd.remote.s32 $0x1  }
0xbe: {  	_ =	sfence.sel $0xFFFF  }
0xbf: {  	[dreg:$0x0] =	wrdreg $0xFFFFFFFF;
	(pc) =	sbr.abs _section_cstart, $3  }
0xc0: {  	[dreg:$0x1] =	wrdreg $0xFFFFFFFF  }
0xc1: {  	_ =	task.clear_ibuf [dreg:s6], $0x2FFFF;
	_ =	strace $0x9FFFFFFF  }
0xc2: {  	(tm) =	ssettm $0x7FFFFFFF  }
0xc3: {  	_ =	shalt  }
tec
execute0_lowered:
.L_overlay_start_1:
0x0: {  	(tag) =	ssettag $0x1  }
0x1: {  	s4 =	rddreg [dreg:$0x0]  }
0x2: {  	s3 =	rddreg [dreg:$0x1];
	s0 =	srdreg.scid  }
0x3: {  	s9 =	stileid.u32;
	s2 =	simm.s32 $0x0;
	s29 =	simm.s32 $0x80  }
0x4: {  	s30 =	simm.s32 $0x1400;
	s28 =	simm.s32 $0x2;
	s0 =	sand.u32 $0x1, s0  }
0x5: {  	s1 =	smul.u32 $0x1870, s9;
	[smem:$0x7FF] =	sst s2;
	s5 =	sadd.s32 $0x1EEC00, s4  }
0x6: {  	s10 =	smul.u32 $0x61C00, s9;
	s6 =	sadd.s32 $0x31000, s4;
	s7 =	sadd.s32 $0x62000, s4  }
0x7: {  	s8 =	smul.u32 $0x18700, s0;
	s11 =	ssub.s32 $0x2, s0;
	s0 =	sshll.u32 s0, $0x4  }
0x8: {  	_ =	strace $0x8000004A;
	s2 =	sshrl.u32 s10, $0x2;
	s0 =	sor.u32 s9, s0  }
0x9: {  	s9 =	simm.s32 $0x4400;
	s10 =	simm.s32 $0x1;
	s19 =	sadd.s32 s2, s3  }
0xa: {  	s1 =	sadd.s32 s1, s8;
	s13 =	sadd.s32 $0x10000, s19;
	[dreg:$0x3] =	wrdreg s19  }
0xb: {  	s8 =	sshrl.u32 s11, $0x1;
	s14 =	sadd.s32 $0x14000, s19;
	[dreg:$0x7] =	wrdreg s13  }
0xc: {  	s2 =	simm.s32 $0x780;
	s15 =	sadd.s32 $0x18000, s19;
	[dreg:$0x8] =	wrdreg s14  }
0xd: {  	s1 =	sshll.u32 s1, $0x1;
	s21 =	sadd.s32 $0x4000, s19;
	[dreg:$0x9] =	wrdreg s15  }
0xe: {  	s12 =	ssub.s32 s11, s8;
	s23 =	sadd.s32 $0x8000, s19;
	[dreg:$0x4] =	wrdreg s21  }
0xf: {  	s31 =	sadd.s32 $0xC000, s19;
	s11 =	simm.s32 $0x480;
	[dreg:$0x5] =	wrdreg s23  }
0x10: {  	s1 =	sadd.s32 s1, s4;
	s26 =	smax.u32 s12, $0x1;
	[dreg:$0x6] =	wrdreg s31  }
0x11: {  	s8 =	simm.s32 $0x680;
	s16 =	sadd.s32 $0x92E00, s1;
	[dreg:$0x11] =	wrdreg s26  }
0x12: {  	s15 =	smul.u32 $0xC400, s0;
	s17 =	sadd.s32 $0x93600, s1;
	[dreg:$0xa] =	wrdreg s16  }
0x13: {  	s0 =	simm.s32 $0x1C00;
	s18 =	sadd.s32 $0x93E00, s1;
	[dreg:$0xb] =	wrdreg s17  }
0x14: {  	s12 =	simm.s32 $0x500;
	s20 =	sadd.s32 $0x94600, s1;
	[dreg:$0xc] =	wrdreg s18  }
0x15: {  	s13 =	simm.s32 $0x580;
	s22 =	sadd.s32 $0x94E00, s1;
	[dreg:$0xd] =	wrdreg s20  }
0x16: {  	s14 =	simm.s32 $0x600;
	s24 =	sadd.s32 $0x95600, s1;
	[dreg:$0xe] =	wrdreg s22  }
0x17: {  	s4 =	simm.s32 $0x700;
	s25 =	sadd.s32 $0x95E00, s1;
	[dreg:$0xf] =	wrdreg s24  }
0x18: {  	s26 =	simm.s32 $0x400;
	[dreg:$0x10] =	wrdreg s25;
	s24 =	simm.s32 $0xC00  }
0x19: {  	s25 =	simm.s32 $0x3;
	s16 =	simm.s32 $0x2400;
	s18 =	simm.s32 $0x2C00  }
0x1a: {  	v0 =	vimm.f32 $0.0e+00;
	s20 =	simm.s32 $0x3400;
	s22 =	simm.s32 $0x3C00;
	s17 =	simm.s32 $0x0  }
.LBB2_1:
0x1b: {  	[dreg:$0x12] =	wrdreg s17;
	s1 =	simm.s32 $0x40;
	s17 =	simm.s32 $0x0  }
.LBB2_2:
0x1c: {  	p0 =	sne.s32 s1, $0xFFC0;
	[tilespmem:s17+$0xC00] =	vst v0;
	s17 =	smov.u32 s1;
	s1 =	sadd.s32 $0x40, s1  }
.Ltmp0:
0x1d: {  	(pc) =	sbr.rel @p0 .LBB2_2-.Ltmp0, $2  }
0x1e: {  	_ =	sdelay $0x2  }
0x1f: {  	s17 =	sshra.s32 s17, $0x2  }
0x20: {  	[tilespmem:s17+$0xC00] =	vst v0  }
0x21: {  	[spmem:s19] =	stream.linear.scatter [tilespmem:s24], [sflag:$0x3], $0x4000, $0x38;
	[tilespmem:$0x1D300] =	vst v63  }
0x22: {  	_ =	swait.ge [sflag:s25], $0x4000  }
0x23: {  	[sflag:s25] =	ssyncset.done $0x0  }
0x24: {  	[sflag:s25] =	ssyncadd.s32 $0xFFFFC000  }
0x25: {  	[spmem:s21] =	stream.linear.scatter [tilespmem:s24], [sflag:$0x3], $0x4000, $0x38;
	[tilespmem:$0x1D300] =	vst v63  }
0x26: {  	_ =	swait.ge [sflag:s25], $0x4000  }
0x27: {  	[sflag:s25] =	ssyncset.done $0x0  }
0x28: {  	[sflag:s25] =	ssyncadd.s32 $0xFFFFC000  }
0x29: {  	[spmem:s23] =	stream.linear.scatter [tilespmem:s24], [sflag:$0x3], $0x4000, $0x38;
	[tilespmem:$0x1D300] =	vst v63  }
0x2a: {  	_ =	swait.ge [sflag:s25], $0x4000  }
0x2b: {  	[sflag:s25] =	ssyncset.done $0x0  }
0x2c: {  	[sflag:s25] =	ssyncadd.s32 $0xFFFFC000  }
0x2d: {  	[spmem:s31] =	stream.linear.scatter [tilespmem:s24], [sflag:$0x3], $0x4000, $0x38;
	[tilespmem:$0x1D300] =	vst v63  }
0x2e: {  	_ =	swait.ge [sflag:s25], $0x4000  }
0x2f: {  	[sflag:s25] =	ssyncset.done $0x0  }
0x30: {  	s1 =	rddreg [dreg:$0x7];
	[sflag:s25] =	ssyncadd.s32 $0xFFFFC000  }
0x31: {  	[spmem:s1] =	stream.linear.scatter [tilespmem:s24], [sflag:$0x3], $0x4000, $0x38;
	[tilespmem:$0x1D300] =	vst v63  }
0x32: {  	_ =	swait.ge [sflag:s25], $0x4000  }
0x33: {  	[sflag:s25] =	ssyncset.done $0x0  }
0x34: {  	s21 =	rddreg [dreg:$0x8];
	[sflag:s25] =	ssyncadd.s32 $0xFFFFC000  }
0x35: {  	[spmem:s21] =	stream.linear.scatter [tilespmem:s24], [sflag:$0x3], $0x4000, $0x38;
	[tilespmem:$0x1D300] =	vst v63  }
0x36: {  	_ =	swait.ge [sflag:s25], $0x4000  }
0x37: {  	[sflag:s25] =	ssyncset.done $0x0  }
0x38: {  	s23 =	rddreg [dreg:$0x9];
	[sflag:s25] =	ssyncadd.s32 $0xFFFFC000  }
0x39: {  	[spmem:s23] =	stream.linear.scatter [tilespmem:s24], [sflag:$0x3], $0x700, $0x38;
	[tilespmem:$0x1D300] =	vst v63  }
0x3a: {  	_ =	swait.ge [sflag:s25], $0x700  }
0x3b: {  	[sflag:s25] =	ssyncset.done $0x0  }
0x3c: {  	[sflag:s25] =	ssyncadd.s32 $0xFFFFF900  }
0x3d: {  	s31 =	simm.s32 $0x0;
	s1 =	simm.s32 $0x0;
	[bflag:$0x0] =	sbarrier.arrive $0xFFFF  }
.LBB2_4:
0x3e: {  	s17 =	sshll.u32 s1, $0xA  }
0x3f: {  	s17 =	sadd.s32 s15, s17  }
0x40: {  	s17 =	sshrl.u32 s17, $0x3  }
0x41: {  	s19 =	sadd.s32 s5, s17  }
0x42: {  	[tilespmem:s31], [sflag:$0x3] =	stream.linear.gather [hbm4b:s19+s31], $0x400, $0x38;
	[tilespmem:$0x1D300] =	vst v63  }
0x43: {  	_ =	swait.ge [sflag:s25], $0x400  }
0x44: {  	[sflag:s25] =	ssyncset.done $0x0  }
0x45: {  	[sflag:s25] =	ssyncadd.s32 $0xFFFFFC00  }
0x46: {  	s21 =	rddreg [dreg:$0x0]  }
0x47: {  	s19 =	sadd.s32 s21, s17  }
0x48: {  	[tilespmem:s26], [sflag:$0x3] =	stream.linear.gather [hbm4b:s19+s31], $0x400, $0x38;
	[tilespmem:$0x1D300] =	vst v63  }
0x49: {  	_ =	swait.ge [sflag:s25], $0x400  }
0x4a: {  	[sflag:s25] =	ssyncset.done $0x0  }
0x4b: {  	s23 =	simm.s32 $0x800;
	s17 =	sadd.s32 s6, s17;
	[sflag:s25] =	ssyncadd.s32 $0xFFFFFC00  }
0x4c: {  	[tilespmem:s23], [sflag:$0x3] =	stream.linear.gather [hbm4b:s17+s31], $0x400, $0x38;
	[tilespmem:$0x1D300] =	vst v63  }
0x4d: {  	_ =	swait.ge [sflag:s25], $0x400  }
0x4e: {  	[sflag:s25] =	ssyncset.done $0x0  }
0x4f: {  	[sflag:s25] =	ssyncadd.s32 $0xFFFFFC00  }
0x50: {  	[tilespmem:s24], [sflag:$0x1] =	stream.indirect.gather [hbm4b:s7+s29], $0x10, s31, s29, $0xb8;
	[tilespmem:$0x1D300] =	vst v63  }
0x51: {  	_ = 	snop  }
0x52: {  	[tilespmem:s30], [sflag:$0x1] =	stream.indirect.gather [hbm4b:s7+s29], $0x10, s29, s29, $0xb8;
	[tilespmem:$0x1D300] =	vst v63  }
0x53: {  	s19 =	simm.s32 $0x100  }
0x54: {  	[tilespmem:s0], [sflag:$0x1] =	stream.indirect.gather [hbm4b:s7+s29], $0x10, s19, s29, $0xb8;
	[tilespmem:$0x1D300] =	vst v63  }
0x55: {  	s21 =	simm.s32 $0x180  }
0x56: {  	[tilespmem:s16], [sflag:$0x1] =	stream.indirect.gather [hbm4b:s7+s29], $0x10, s21, s29, $0xb8;
	[tilespmem:$0x1D300] =	vst v63  }
0x57: {  	s23 =	simm.s32 $0x200  }
0x58: {  	[tilespmem:s18], [sflag:$0x1] =	stream.indirect.gather [hbm4b:s7+s29], $0x10, s23, s29, $0xb8;
	[tilespmem:$0x1D300] =	vst v63  }
0x59: {  	s19 =	simm.s32 $0x280  }
0x5a: {  	[tilespmem:s20], [sflag:$0x1] =	stream.indirect.gather [hbm4b:s7+s29], $0x10, s19, s29, $0xb8;
	[tilespmem:$0x1D300] =	vst v63  }
0x5b: {  	s21 =	simm.s32 $0x300  }
0x5c: {  	[tilespmem:s22], [sflag:$0x1] =	stream.indirect.gather [hbm4b:s7+s29], $0x10, s21, s29, $0xb8;
	[tilespmem:$0x1D300] =	vst v63  }
0x5d: {  	s23 =	simm.s32 $0x380  }
0x5e: {  	[tilespmem:s9], [sflag:$0x1] =	stream.indirect.gather [hbm4b:s7+s29], $0x10, s23, s29, $0xb8;
	[tilespmem:$0x1D300] =	vst v63  }
0x5f: {  	_ =	swait.ge [sflag:s10], $0x800  }
0x60: {  	[sflag:s10] =	ssyncset.done $0x0  }
0x61: {  	[sflag:s10] =	ssyncadd.s32 $0xFFFFF800  }
0x62: {  	_ =	swait.ge [sflag:s10], $0x800  }
0x63: {  	[sflag:s10] =	ssyncset.done $0x0  }
0x64: {  	[sflag:s10] =	ssyncadd.s32 $0xFFFFF800  }
0x65: {  	_ =	swait.ge [sflag:s10], $0x800  }
0x66: {  	[sflag:s10] =	ssyncset.done $0x0  }
0x67: {  	[sflag:s10] =	ssyncadd.s32 $0xFFFFF800  }
0x68: {  	_ =	swait.ge [sflag:s10], $0x800  }
0x69: {  	[sflag:s10] =	ssyncset.done $0x0  }
0x6a: {  	[sflag:s10] =	ssyncadd.s32 $0xFFFFF800  }
0x6b: {  	_ =	swait.ge [sflag:s10], $0x800  }
0x6c: {  	[sflag:s10] =	ssyncset.done $0x0  }
0x6d: {  	[sflag:s10] =	ssyncadd.s32 $0xFFFFF800  }
0x6e: {  	_ =	swait.ge [sflag:s10], $0x800  }
0x6f: {  	[sflag:s10] =	ssyncset.done $0x0  }
0x70: {  	[sflag:s10] =	ssyncadd.s32 $0xFFFFF800  }
0x71: {  	_ =	swait.ge [sflag:s10], $0x800  }
0x72: {  	[sflag:s10] =	ssyncset.done $0x0  }
0x73: {  	[sflag:s10] =	ssyncadd.s32 $0xFFFFF800  }
0x74: {  	_ =	swait.ge [sflag:s10], $0x800  }
0x75: {  	[sflag:s10] =	ssyncset.done $0x0  }
0x76: {  	s17 =	simm.s32 $0xC80;
	[sflag:s10] =	ssyncadd.s32 $0xFFFFF800  }
0x77: {  	s19 =	simm.s32 $0xC80;
	s21 =	simm.s32 $0x40;
	s23 =	simm.s32 $0x0;
	v1 =	vld [tilespmem:s17+$0xFFFFFFB0]  }
.LBB2_5:
0x78: {  	p0 =	sne.s32 s21, $0xFC0;
	v2 =	vld [tilespmem:s23+$0x800]  }
0x79: {  	v3 =	vld [tilespmem:s17+$0xFFFFFF90]  }
0x7a: {  	v4 =	vld [tilespmem:s17+$0xFFFFFF80]  }
0x7b: {  	v5 =	vld [tilespmem:s17+$0xFFFFFFA0]  }
0x7c: {  	v6 =	vld [tilespmem:s17+$0xFFFFFFF0]  }
0x7d: {  	v7 =	vbroadcast v2, $0x0;
	v8 =	vbroadcast v2, $0x1;
	v9 =	vld [tilespmem:s17+$0xFFFFFFD0]  }
0x7e: {  	v10 =	vbroadcast v2, $0x2;
	v11 =	vbroadcast v2, $0x3;
	v12 =	vld [tilespmem:s17+$0xFFFFFFC0]  }
0x7f: {  	v4 =	vmul.f32 v7, v4;
	v3 =	vmul.f32 v3, v8;
	v7 =	vld [tilespmem:s17+$0xFFFFFFE0]  }
0x80: {  	v1 =	vmul.f32 v1, v11;
	v5 =	vmul.f32 v5, v10;
	v8 =	vld [tilespmem:s17+$0x30]  }
0x81: {  	v10 =	vbroadcast v2, $0x5;
	[tilespmem:s17+$0xFFFFFF80] =	vst v4;
	v4 =	vbroadcast v2, $0x4;
	v11 =	vld [tilespmem:s17+$0x10]  }
0x82: {  	v13 =	vbroadcast v2, $0x7;
	[tilespmem:s17+$0xFFFFFF90] =	vst v3;
	v3 =	vbroadcast v2, $0x6;
	v14 =	vld [tilespmem:s17+$0x0]  }
0x83: {  	[tilespmem:s17+$0xFFFFFFA0] =	vst v5;
	v4 =	vmul.f32 v12, v4;
	v5 =	vmul.f32 v9, v10;
	v9 =	vld [tilespmem:s17+$0x20]  }
0x84: {  	[tilespmem:s17+$0xFFFFFFB0] =	vst v1;
	v1 =	vmul.f32 v7, v3;
	v3 =	vmul.f32 v6, v13;
	v6 =	vld [tilespmem:s17+$0x70]  }
0x85: {  	v7 =	vbroadcast v2, $0x9;
	[tilespmem:s17+$0xFFFFFFC0] =	vst v4;
	v4 =	vbroadcast v2, $0x8;
	v10 =	vld [tilespmem:s17+$0x50]  }
0x86: {  	v12 =	vbroadcast v2, $0xB;
	[tilespmem:s17+$0xFFFFFFD0] =	vst v5;
	v5 =	vbroadcast v2, $0xA;
	v13 =	vld [tilespmem:s17+$0x40]  }
0x87: {  	[tilespmem:s17+$0xFFFFFFE0] =	vst v1;
	v1 =	vmul.f32 v14, v4;
	v4 =	vmul.f32 v11, v7;
	v7 =	vld [tilespmem:s17+$0x60]  }
0x88: {  	[tilespmem:s17+$0xFFFFFFF0] =	vst v3;
	v3 =	vmul.f32 v9, v5;
	v5 =	vmul.f32 v8, v12  }
0x89: {  	v8 =	vbroadcast v2, $0xD;
	[tilespmem:s17+$0x0] =	vst v1;
	v1 =	vbroadcast v2, $0xC  }
0x8a: {  	[tilespmem:s17+$0x10] =	vst v4;
	v4 =	vbroadcast v2, $0xE;
	v2 =	vbroadcast v2, $0xF  }
0x8b: {  	[tilespmem:s17+$0x20] =	vst v3;
	v1 =	vmul.f32 v13, v1;
	v3 =	vmul.f32 v10, v8  }
.Ltmp1:
0x8c: {  	[tilespmem:s17+$0x30] =	vst v5;
	v4 =	vmul.f32 v7, v4;
	v2 =	vmul.f32 v6, v2;
	(pc) =	sbr.rel @p0 .LBB2_5-.Ltmp1, $4  }
0x8d: {  	[tilespmem:s17+$0x40] =	vst v1  }
0x8e: {  	[tilespmem:s17+$0x50] =	vst v3  }
0x8f: {  	s17 =	sadd.s32 $0x100, s17;
	[tilespmem:s19+$0x60] =	vst v4  }
0x90: {  	s23 =	sshra.s32 s21, $0x2;
	s21 =	sadd.s32 $0x40, s21;
	v1 =	vld [tilespmem:s17+$0xFFFFFFB0];
	[tilespmem:s19+$0x70] =	vst v2;
	s19 =	smov.u32 s17  }
0x91: {  	v2 =	vld [tilespmem:s23+$0x800];
	_ =	sdelay $0x1  }
0x92: {  	v3 =	vld [tilespmem:s17+$0xFFFFFF80]  }
0x93: {  	v4 =	vld [tilespmem:s17+$0xFFFFFF90]  }
0x94: {  	v5 =	vld [tilespmem:s17+$0xFFFFFFA0]  }
0x95: {  	v6 =	vbroadcast v2, $0x0  }
0x96: {  	v9 =	vld [tilespmem:s17+$0xFFFFFFD0];
	v7 =	vbroadcast v2, $0x1  }
0x97: {  	v8 =	vld [tilespmem:s17+$0xFFFFFFC0];
	v10 =	vbroadcast v2, $0x2;
	v3 =	vmul.f32 v6, v3  }
0x98: {  	v48 =	vld [tilespmem:s17+$0xFFFFFFE0];
	v47 =	vbroadcast v2, $0x3;
	v4 =	vmul.f32 v4, v7  }
0x99: {  	v51 =	vld [tilespmem:s17+$0x10];
	v49 =	vbroadcast v2, $0x5;
	v5 =	vmul.f32 v5, v10;
	[tilespmem:s17+$0xFFFFFF80] =	vst v3  }
0x9a: {  	v11 =	vld [tilespmem:s17+$0xFFFFFFF0];
	v1 =	vmul.f32 v1, v47;
	v3 =	vbroadcast v2, $0x4;
	[tilespmem:s17+$0xFFFFFF90] =	vst v4  }
0x9b: {  	v50 =	vld [tilespmem:s17+$0x0];
	v12 =	vbroadcast v2, $0x6;
	v6 =	vmul.f32 v9, v49;
	[tilespmem:s17+$0xFFFFFFA0] =	vst v5  }
0x9c: {  	v56 =	vld [tilespmem:s17+$0x50];
	v54 =	vbroadcast v2, $0x9;
	[tilespmem:s17+$0xFFFFFFB0] =	vst v1;
	v3 =	vmul.f32 v8, v3  }
0x9d: {  	v53 =	vld [tilespmem:s17+$0x20];
	v52 =	vbroadcast v2, $0x7;
	v7 =	vmul.f32 v48, v12;
	[tilespmem:s17+$0xFFFFFFD0] =	vst v6  }
0x9e: {  	v59 =	vmul.f32 v51, v54;
	v1 =	vld [tilespmem:s17+$0x30];
	[tilespmem:s17+$0xFFFFFFC0] =	vst v3;
	v3 =	vbroadcast v2, $0x8  }
0x9f: {  	v55 =	vld [tilespmem:s17+$0x40];
	v62 =	vbroadcast v2, $0xD;
	v5 =	vmul.f32 v11, v52;
	[tilespmem:s17+$0xFFFFFFE0] =	vst v7  }
0xa0: {  	v60 =	vld [tilespmem:s17+$0x60];
	v57 =	vbroadcast v2, $0xA;
	[tilespmem:s17+$0x10] =	vst v59;
	v3 =	vmul.f32 v50, v3  }
0xa1: {  	v61 =	vld [tilespmem:s17+$0x70];
	v58 =	vbroadcast v2, $0xB;
	v4 =	vmul.f32 v56, v62;
	[tilespmem:s17+$0xFFFFFFF0] =	vst v5  }
0xa2: {  	v8 =	vmul.f32 v53, v57;
	[tilespmem:s17+$0x0] =	vst v3;
	v3 =	vbroadcast v2, $0xC  }
0xa3: {  	v63 =	vbroadcast v2, $0xE;
	[tilespmem:s17+$0x50] =	vst v4;
	v1 =	vmul.f32 v1, v58  }
0xa4: {  	[tilespmem:s17+$0x20] =	vst v8;
	v2 =	vbroadcast v2, $0xF;
	v3 =	vmul.f32 v55, v3  }
0xa5: {  	[tilespmem:s17+$0x30] =	vst v1;
	v1 =	vmul.f32 v60, v63  }
0xa6: {  	v2 =	vmul.f32 v61, v2;
	[tilespmem:s17+$0x40] =	vst v3  }
0xa7: {  	[tilespmem:s19+$0x60] =	vst v1  }
0xa8: {  	[tilespmem:s19+$0x70] =	vst v2  }
0xa9: {  	[spmem:s3] =	stream.indirect.scatter.add.f32 [tilespmem:s24], [sflag:$0x2], $0x10, s26, s29, $0xb8;
	[tilespmem:$0x1D300] =	vst v63  }
0xaa: {  	_ = 	snop  }
0xab: {  	[spmem:s3] =	stream.indirect.scatter.add.f32 [tilespmem:s30], [sflag:$0x2], $0x10, s11, s29, $0xb8;
	[tilespmem:$0x1D300] =	vst v63  }
0xac: {  	_ = 	snop  }
0xad: {  	[spmem:s3] =	stream.indirect.scatter.add.f32 [tilespmem:s0], [sflag:$0x2], $0x10, s12, s29, $0xb8;
	[tilespmem:$0x1D300] =	vst v63  }
0xae: {  	_ = 	snop  }
0xaf: {  	[spmem:s3] =	stream.indirect.scatter.add.f32 [tilespmem:s16], [sflag:$0x2], $0x10, s13, s29, $0xb8;
	[tilespmem:$0x1D300] =	vst v63  }
0xb0: {  	_ = 	snop  }
0xb1: {  	[spmem:s3] =	stream.indirect.scatter.add.f32 [tilespmem:s18], [sflag:$0x2], $0x10, s14, s29, $0xb8;
	[tilespmem:$0x1D300] =	vst v63  }
0xb2: {  	_ = 	snop  }
0xb3: {  	[spmem:s3] =	stream.indirect.scatter.add.f32 [tilespmem:s20], [sflag:$0x2], $0x10, s8, s29, $0xb8;
	[tilespmem:$0x1D300] =	vst v63  }
0xb4: {  	_ = 	snop  }
0xb5: {  	[spmem:s3] =	stream.indirect.scatter.add.f32 [tilespmem:s22], [sflag:$0x2], $0x10, s4, s29, $0xb8;
	[tilespmem:$0x1D300] =	vst v63  }
0xb6: {  	_ = 	snop  }
0xb7: {  	[spmem:s3] =	stream.indirect.scatter.add.f32 [tilespmem:s9], [sflag:$0x2], $0x10, s2, s29, $0xb8;
	[tilespmem:$0x1D300] =	vst v63  }
0xb8: {  	_ =	swait.ge [sflag:s28], $0x800  }
0xb9: {  	[sflag:s28] =	ssyncset.done $0x0  }
0xba: {  	[sflag:s28] =	ssyncadd.s32 $0xFFFFF800  }
0xbb: {  	_ =	swait.ge [sflag:s28], $0x800  }
0xbc: {  	[sflag:s28] =	ssyncset.done $0x0  }
0xbd: {  	[sflag:s28] =	ssyncadd.s32 $0xFFFFF800  }
0xbe: {  	_ =	swait.ge [sflag:s28], $0x800  }
0xbf: {  	[sflag:s28] =	ssyncset.done $0x0  }
0xc0: {  	[sflag:s28] =	ssyncadd.s32 $0xFFFFF800  }
0xc1: {  	_ =	swait.ge [sflag:s28], $0x800  }
0xc2: {  	[sflag:s28] =	ssyncset.done $0x0  }
0xc3: {  	[sflag:s28] =	ssyncadd.s32 $0xFFFFF800  }
0xc4: {  	_ =	swait.ge [sflag:s28], $0x800  }
0xc5: {  	[sflag:s28] =	ssyncset.done $0x0  }
0xc6: {  	[sflag:s28] =	ssyncadd.s32 $0xFFFFF800  }
0xc7: {  	_ =	swait.ge [sflag:s28], $0x800  }
0xc8: {  	[sflag:s28] =	ssyncset.done $0x0  }
0xc9: {  	s1 =	sadd.s32 $0x1, s1;
	[sflag:s28] =	ssyncadd.s32 $0xFFFFF800  }
0xca: {  	p0 =	sne.s32 s1, $0x31;
	_ =	swait.ge [sflag:s28], $0x800  }
.Ltmp2:
0xcb: {  	[sflag:s28] =	ssyncset.done $0x0;
	(pc) =	sbr.rel @p0 .LBB2_4-.Ltmp2, $4  }
0xcc: {  	[sflag:s28] =	ssyncadd.s32 $0xFFFFF800  }
0xcd: {  	_ =	swait.ge [sflag:s28], $0x800  }
0xce: {  	[sflag:s28] =	ssyncset.done $0x0  }
0xcf: {  	[sflag:s28] =	ssyncadd.s32 $0xFFFFF800  }
0xd0: {  	[bflag:$0x0] =	sbarrier.arrive $0xFFFF  }
0xd1: {  	s19 =	rddreg [dreg:$0x3]  }
0xd2: {  	[tilespmem:s24], [sflag:$0x3] =	stream.linear.gather [spmem:s19], $0x4000, $0x38;
	[tilespmem:$0x1D300] =	vst v63  }
0xd3: {  	_ =	swait.ge [sflag:s25], $0x4000  }
0xd4: {  	[sflag:s25] =	ssyncset.done $0x0  }
0xd5: {  	s1 =	simm.s32 $0x0;
	s17 =	rddreg [dreg:$0xa];
	[sflag:s25] =	ssyncadd.s32 $0xFFFFC000  }
0xd6: {  	[hbm4b:s17+s1] =	stream.linear.scatter [tilespmem:s24], [sflag:$0x3], $0x4000, $0x38;
	[tilespmem:$0x1D300] =	vst v63  }
0xd7: {  	_ =	swait.ge [sflag:s25], $0x4000  }
0xd8: {  	[sflag:s25] =	ssyncset.done $0x0  }
0xd9: {  	s21 =	rddreg [dreg:$0x4];
	[sflag:s25] =	ssyncadd.s32 $0xFFFFC000  }
0xda: {  	[tilespmem:s24], [sflag:$0x3] =	stream.linear.gather [spmem:s21], $0x4000, $0x38;
	[tilespmem:$0x1D300] =	vst v63  }
0xdb: {  	_ =	swait.ge [sflag:s25], $0x4000  }
0xdc: {  	[sflag:s25] =	ssyncset.done $0x0  }
0xdd: {  	s23 =	rddreg [dreg:$0xb];
	[sflag:s25] =	ssyncadd.s32 $0xFFFFC000  }
0xde: {  	[hbm4b:s23+s1] =	stream.linear.scatter [tilespmem:s24], [sflag:$0x3], $0x4000, $0x38;
	[tilespmem:$0x1D300] =	vst v63  }
0xdf: {  	_ =	swait.ge [sflag:s25], $0x4000  }
0xe0: {  	[sflag:s25] =	ssyncset.done $0x0  }
0xe1: {  	s23 =	rddreg [dreg:$0x5];
	[sflag:s25] =	ssyncadd.s32 $0xFFFFC000  }
0xe2: {  	[tilespmem:s24], [sflag:$0x3] =	stream.linear.gather [spmem:s23], $0x4000, $0x38;
	[tilespmem:$0x1D300] =	vst v63  }
0xe3: {  	_ =	swait.ge [sflag:s25], $0x4000  }
0xe4: {  	[sflag:s25] =	ssyncset.done $0x0  }
0xe5: {  	s17 =	rddreg [dreg:$0xc];
	[sflag:s25] =	ssyncadd.s32 $0xFFFFC000  }
0xe6: {  	[hbm4b:s17+s1] =	stream.linear.scatter [tilespmem:s24], [sflag:$0x3], $0x4000, $0x38;
	[tilespmem:$0x1D300] =	vst v63  }
0xe7: {  	_ =	swait.ge [sflag:s25], $0x4000  }
0xe8: {  	[sflag:s25] =	ssyncset.done $0x0  }
0xe9: {  	s31 =	rddreg [dreg:$0x6];
	[sflag:s25] =	ssyncadd.s32 $0xFFFFC000  }
0xea: {  	[tilespmem:s24], [sflag:$0x3] =	stream.linear.gather [spmem:s31], $0x4000, $0x38;
	[tilespmem:$0x1D300] =	vst v63  }
0xeb: {  	_ =	swait.ge [sflag:s25], $0x4000  }
0xec: {  	[sflag:s25] =	ssyncset.done $0x0  }
0xed: {  	s17 =	rddreg [dreg:$0xd];
	[sflag:s25] =	ssyncadd.s32 $0xFFFFC000  }
0xee: {  	[hbm4b:s17+s1] =	stream.linear.scatter [tilespmem:s24], [sflag:$0x3], $0x4000, $0x38;
	[tilespmem:$0x1D300] =	vst v63  }
0xef: {  	_ =	swait.ge [sflag:s25], $0x4000  }
0xf0: {  	[sflag:s25] =	ssyncset.done $0x0  }
0xf1: {  	s17 =	rddreg [dreg:$0x7];
	[sflag:s25] =	ssyncadd.s32 $0xFFFFC000  }
0xf2: {  	[tilespmem:s24], [sflag:$0x3] =	stream.linear.gather [spmem:s17], $0x4000, $0x38;
	[tilespmem:$0x1D300] =	vst v63  }
0xf3: {  	_ =	swait.ge [sflag:s25], $0x4000  }
0xf4: {  	[sflag:s25] =	ssyncset.done $0x0  }
0xf5: {  	s17 =	rddreg [dreg:$0xe];
	[sflag:s25] =	ssyncadd.s32 $0xFFFFC000  }
0xf6: {  	[hbm4b:s17+s1] =	stream.linear.scatter [tilespmem:s24], [sflag:$0x3], $0x4000, $0x38;
	[tilespmem:$0x1D300] =	vst v63  }
0xf7: {  	_ =	swait.ge [sflag:s25], $0x4000  }
0xf8: {  	[sflag:s25] =	ssyncset.done $0x0  }
0xf9: {  	s17 =	rddreg [dreg:$0x8];
	[sflag:s25] =	ssyncadd.s32 $0xFFFFC000  }
0xfa: {  	[tilespmem:s24], [sflag:$0x3] =	stream.linear.gather [spmem:s17], $0x4000, $0x38;
	[tilespmem:$0x1D300] =	vst v63  }
0xfb: {  	_ =	swait.ge [sflag:s25], $0x4000  }
0xfc: {  	[sflag:s25] =	ssyncset.done $0x0  }
0xfd: {  	s17 =	rddreg [dreg:$0xf];
	[sflag:s25] =	ssyncadd.s32 $0xFFFFC000  }
0xfe: {  	[hbm4b:s17+s1] =	stream.linear.scatter [tilespmem:s24], [sflag:$0x3], $0x4000, $0x38;
	[tilespmem:$0x1D300] =	vst v63  }
0xff: {  	_ =	swait.ge [sflag:s25], $0x4000  }
0x100: {  	[sflag:s25] =	ssyncset.done $0x0  }
0x101: {  	s17 =	rddreg [dreg:$0x9];
	[sflag:s25] =	ssyncadd.s32 $0xFFFFC000  }
0x102: {  	[tilespmem:s24], [sflag:$0x3] =	stream.linear.gather [spmem:s17], $0x700, $0x38;
	[tilespmem:$0x1D300] =	vst v63  }
0x103: {  	_ =	swait.ge [sflag:s25], $0x700  }
0x104: {  	[sflag:s25] =	ssyncset.done $0x0  }
0x105: {  	s17 =	rddreg [dreg:$0x10];
	[sflag:s25] =	ssyncadd.s32 $0xFFFFF900  }
0x106: {  	[hbm4b:s17+s1] =	stream.linear.scatter [tilespmem:s24], [sflag:$0x3], $0x700, $0x38;
	[tilespmem:$0x1D300] =	vst v63  }
0x107: {  	_ =	swait.ge [sflag:s25], $0x700  }
0x108: {  	s1 =	rddreg [dreg:$0x12]  }
0x109: {  	s17 =	sadd.s32 $0x1, s1;
	s1 =	rddreg [dreg:$0x11]  }
0x10a: {  	p0 =	sne.s32 s17, s1  }
.Ltmp3:
0x10b: {  	_ = 	snop;
	(pc) =	sbr.rel @p0 .LBB2_1-.Ltmp3, $3  }
0x10c: {  	_ =	sdelay $0x1  }
0x10d: {  	[sflag:s25] =	ssyncset.done $0x0  }
0x10e: {  	[sflag:s25] =	ssyncadd.s32 $0xFFFFF900  }
0x10f: {  	_ =	sfence.sel $0x180000  }
0x110: {  	[bflag:$0x0] =	sbarrier.arrive $0xFFFF  }
0x111: {  	_ =	strace $0x9000004A  }
0x112: {  	s0 =	stileid.u32;
	[bflag:$0x2] =	sbarrier.arrive $0xFFFF  }
0x113: {  	p0 =	sne.s32 s0, $0x0;
	s0 =	rddreg [dreg:$0x2]  }
0x114: {  	s0 =	sadd.s32 @!p0 $0x100000, s0  }
0x115: {  	[sflag:s0] =	ssyncadd.tile.s32 @!p0 $0x1;
	_ =	shalt  }
.Lfunc_end2:
_tile_overlayer_lowered:
.L_overlay_start_2:
0x116: {  	(tag) =	ssettag $0x2  }
0x117: {  	s0 =	rddreg [dreg:$0x0];
	s2 =	stileid.u32  }
0x118: {  	s1 =	rddreg [dreg:$0x1];
	p0 =	sne.s32 s2, $0x0  }
0x119: {  	s3 =	rddreg [dreg:$0x2];
	[bflag:$0x3] =	sbarrier.arrive $0xFFFF;
	s2 =	simm.s32 @!p0 $0x1C03  }
0x11a: {  	[timem:s3], [sflag:s2] =	dma.local @!p0 [hbm:s0], s1  }
0x11b: {  	s0 =	simm.s32 @!p0 $0x3  }
0x11c: {  	_ =	swait.ge @!p0 [sflag:s0], s1  }
0x11d: {  	s1 =	ssub.s32 @!p0 $0x0, s1;
	[sflag:s0] =	ssyncset.done @!p0 $0x0  }
0x11e: {  	[sflag:s0] =	ssyncadd.s32 @!p0 s1  }
0x11f: {  	[bflag:$0x3] =	sbarrier.arrive $0xFFFF  }
0x120: {  	_ =	shalt  }

</sc_bundles>
